<compile_context>
chip_gen: v7x
topology: tpu7x:2x2x1
jax: 0.10.2.dev20260603
libtpu: 0.0.44.dev20260713+nightly
codegen_flags: <defaults>
</compile_context>

<pallas_src>
import jax
import jax.numpy as jnp
from jax import lax
from jax.experimental import pallas as pl
from jax.experimental.pallas import tpu as pltpu
from jax.experimental.pallas import tpu_sc as plsc

N = 10000
D = 128
DH = D // 2
NC, NS = 2, 16
NW = NC * NS
CH = 128
TCH = 160
TCHD = NS * TCH // NW
E_PAD = NS * CH * TCH
N_PAD = 10240
RPT = N_PAD // NS

_mesh = plsc.VectorSubcoreMesh(
    core_axis_name="c", subcore_axis_name="s", num_cores=NC, num_subcores=NS)
_cp = pltpu.CompilerParams(use_tc_tiling_on_sc=False)


def _deg_body(src_hbm, dst_hbm, ones_hbm, zer16_hbm, out_hbm,
              src_v, dst_v, ones_v, dego_sh, degi_sh):
    c = lax.axis_index("c")
    s = lax.axis_index("s")
    eid = c * NS + s
    pltpu.sync_copy(src_hbm.at[pl.ds(eid * TCHD, TCHD)], src_v)
    pltpu.sync_copy(dst_hbm.at[pl.ds(eid * TCHD, TCHD)], dst_v)
    pltpu.sync_copy(ones_hbm, ones_v)
    base = s * RPT
    pltpu.sync_copy(zer16_hbm.at[pl.ds(base, RPT)], dego_sh.at[pl.ds(base, RPT)])
    pltpu.sync_copy(zer16_hbm.at[pl.ds(base, RPT)], degi_sh.at[pl.ds(base, RPT)])
    plsc.subcore_barrier()

    def body(j, carry):
        pltpu.sync_copy(ones_v, dego_sh.at[src_v.at[j]], add=True)
        pltpu.sync_copy(ones_v, degi_sh.at[dst_v.at[j]], add=True)
        return carry

    lax.fori_loop(0, TCHD, body, 0)
    plsc.subcore_barrier()
    pltpu.sync_copy(dego_sh.at[pl.ds(base, RPT)],
                    out_hbm.at[c, 0, pl.ds(base, RPT)])
    pltpu.sync_copy(degi_sh.at[pl.ds(base, RPT)],
                    out_hbm.at[c, 1, pl.ds(base, RPT)])


_deg_call = pl.kernel(
    _deg_body,
    out_type=jax.ShapeDtypeStruct((NC, 2, N_PAD, 16), jnp.float32),
    mesh=_mesh,
    compiler_params=_cp,
    scratch_types=[
        pltpu.VMEM((TCHD, CH), jnp.int32),
        pltpu.VMEM((TCHD, CH), jnp.int32),
        pltpu.VMEM((CH, 16), jnp.float32),
        pltpu.VMEM_SHARED((N_PAD, 16), jnp.float32),
        pltpu.VMEM_SHARED((N_PAD, 16), jnp.float32),
    ],
)


_NR = 5
_NG = _NR - 2
_NU = TCH // _NR


def _agg_body(g_hbm, src_hbm, dst_hbm, zer_hbm, out_hbm,
              src_v, dst_v, rows_v, sem_a, sem_s, agg_sh):
    c = lax.axis_index("c")
    s = lax.axis_index("s")
    pltpu.sync_copy(src_hbm.at[pl.ds(s * TCH, TCH)], src_v)
    pltpu.sync_copy(dst_hbm.at[pl.ds(s * TCH, TCH)], dst_v)
    base = s * RPT
    pltpu.sync_copy(zer_hbm.at[pl.ds(base, RPT)], agg_sh.at[pl.ds(base, RPT)])
    plsc.subcore_barrier()

    def gath(k, t):
        return pltpu.make_async_copy(
            g_hbm.at[c].at[src_v.at[k]], rows_v.at[t], sem_a)

    def scat(k, t):
        return pltpu.make_async_copy(rows_v.at[t], agg_sh.at[dst_v.at[k]],
                                     sem_s)

    for t in range(_NG):
        gath(t, t).start()

    def body(u, carry):
        k0 = _NR * u
        for t in range(_NR):
            k = k0 + t
            tg = (t + _NG) % _NR
            gath(k, t).wait()
            scat(k, t).start(add=True)

            @pl.when(k >= 2)
            def _():
                scat(k - 2, tg).wait()

            @pl.when(k + _NG < TCH)
            def _():
                gath(k + _NG, tg).start()

        return carry

    lax.fori_loop(0, _NU, body, 0)
    scat(TCH - 2, (TCH - 2) % _NR).wait()
    scat(TCH - 1, (TCH - 1) % _NR).wait()
    plsc.subcore_barrier()
    pltpu.sync_copy(agg_sh.at[pl.ds(base, RPT)],
                    out_hbm.at[c, pl.ds(base, RPT)])


_agg_call = pl.kernel(
    _agg_body,
    out_type=jax.ShapeDtypeStruct((NC, N_PAD, DH), jnp.float32),
    mesh=_mesh,
    compiler_params=_cp,
    scratch_types=[
        pltpu.VMEM((TCH, CH), jnp.int32),
        pltpu.VMEM((TCH, CH), jnp.int32),
        pltpu.VMEM((_NR, CH, DH), jnp.float32),
        pltpu.SemaphoreType.DMA,
        pltpu.SemaphoreType.DMA,
        pltpu.VMEM_SHARED((N_PAD, DH), jnp.float32),
    ],
)


BLK = 1024


def _b1_body(x_ref, w0_ref, b0_ref, w1_ref, deg_ref,
             g1_ref, dois_ref, diis_ref):
    do = deg_ref[0, 0] + deg_ref[1, 0]
    di = deg_ref[0, 1] + deg_ref[1, 1]
    do_is = lax.rsqrt(jnp.maximum(do, 1.0))
    di_is = lax.rsqrt(jnp.maximum(di, 1.0))
    h0 = jnp.dot(x_ref[...], w0_ref[...],
                 preferred_element_type=jnp.float32) + b0_ref[...]
    g1 = jnp.dot(h0 * do_is[:, :1], w1_ref[...],
                 preferred_element_type=jnp.float32)
    g1_ref[0] = g1[:, :DH]
    g1_ref[1] = g1[:, DH:]
    dois_ref[...] = do_is
    diis_ref[...] = di_is


_b1_call = pl.pallas_call(
    _b1_body,
    grid=(N_PAD // BLK,),
    in_specs=[
        pl.BlockSpec((BLK, D), lambda i: (i, 0)),
        pl.BlockSpec((D, D), lambda i: (0, 0)),
        pl.BlockSpec((1, D), lambda i: (0, 0)),
        pl.BlockSpec((D, D), lambda i: (0, 0)),
        pl.BlockSpec((NC, 2, BLK, 16), lambda i: (0, 0, i, 0)),
    ],
    out_specs=[
        pl.BlockSpec((NC, BLK, DH), lambda i: (0, i, 0)),
        pl.BlockSpec((BLK, 16), lambda i: (i, 0)),
        pl.BlockSpec((BLK, 16), lambda i: (i, 0)),
    ],
    out_shape=[
        jax.ShapeDtypeStruct((NC, N_PAD, DH), jnp.float32),
        jax.ShapeDtypeStruct((N_PAD, 16), jnp.float32),
        jax.ShapeDtypeStruct((N_PAD, 16), jnp.float32),
    ],
)


def _mid_body(p_ref, diis_ref, dois_ref, b_ref, w_ref, g_ref):
    agg = jnp.concatenate([p_ref[0], p_ref[1]], axis=1)
    h = jnp.maximum(agg * diis_ref[:, :1] + b_ref[...], 0.0)
    g = jnp.dot(h * dois_ref[:, :1], w_ref[...],
                preferred_element_type=jnp.float32)
    g_ref[0] = g[:, :DH]
    g_ref[1] = g[:, DH:]


_mid_call = pl.pallas_call(
    _mid_body,
    grid=(N_PAD // BLK,),
    in_specs=[
        pl.BlockSpec((NC, BLK, DH), lambda i: (0, i, 0)),
        pl.BlockSpec((BLK, 16), lambda i: (i, 0)),
        pl.BlockSpec((BLK, 16), lambda i: (i, 0)),
        pl.BlockSpec((1, D), lambda i: (0, 0)),
        pl.BlockSpec((D, D), lambda i: (0, 0)),
    ],
    out_specs=pl.BlockSpec((NC, BLK, DH), lambda i: (0, i, 0)),
    out_shape=jax.ShapeDtypeStruct((NC, N_PAD, DH), jnp.float32),
)


def _fin_body(p_ref, diis_ref, b_ref, o_ref):
    agg = jnp.concatenate([p_ref[0], p_ref[1]], axis=1)
    o_ref[...] = agg * diis_ref[:, :1] + b_ref[...]


_fin_call = pl.pallas_call(
    _fin_body,
    grid=(N_PAD // BLK,),
    in_specs=[
        pl.BlockSpec((NC, BLK, DH), lambda i: (0, i, 0)),
        pl.BlockSpec((BLK, 16), lambda i: (i, 0)),
        pl.BlockSpec((1, D), lambda i: (0, 0)),
    ],
    out_specs=pl.BlockSpec((BLK, D), lambda i: (i, 0)),
    out_shape=jax.ShapeDtypeStruct((N_PAD, D), jnp.float32),
)


def kernel(node_feats, edge_index, W0, b0, W1, b1, W2, b2, W3, b3):
    e = edge_index.shape[1]
    pad = E_PAD - e
    pad_rows = N + jnp.arange(pad, dtype=jnp.int32) % (N_PAD - N)
    srcp = jnp.concatenate([edge_index[0], pad_rows]).reshape(NS * TCH, CH)
    dstp = jnp.concatenate([edge_index[1], pad_rows]).reshape(NS * TCH, CH)
    xp = jnp.zeros((N_PAD, D), node_feats.dtype).at[:N].set(node_feats)
    ones16 = jnp.ones((CH, 16), jnp.float32)
    zer16 = jnp.zeros((N_PAD, 16), jnp.float32)
    zer_h = jnp.zeros((N_PAD, DH), jnp.float32)

    degq = _deg_call(srcp, dstp, ones16, zer16)
    g1, do_is, di_is = _b1_call(xp, W0, b0.reshape(1, D), W1, degq)
    p = _agg_call(g1, srcp, dstp, zer_h)
    g2 = _mid_call(p, di_is, do_is, b1.reshape(1, D), W2)
    p = _agg_call(g2, srcp, dstp, zer_h)
    g3 = _mid_call(p, di_is, do_is, b2.reshape(1, D), W3)
    p = _agg_call(g3, srcp, dstp, zer_h)
    outp = _fin_call(p, di_is, b3.reshape(1, D))
    return outp[:N]

# --- scband reference (transcript-rebuilt; emitter-appended) ---
"""Pipeline reference for scband-het-gcn-71648644432155 (READ-ONLY COPY).

The authoritative reference and input builder live on the scoring server;
editing this copy changes nothing except your own understanding.
"""

import jax, jax.numpy as jnp
import numpy as np

N = 10000
E = 320000
D_FEAT = 128
EMBED = 128
HIDDEN = 128
OUT = 128


def setup_inputs(seed: int = 0) -> dict:
    key = jax.random.key(seed)
    ks = jax.random.split(key, 12)
    node_feats = jax.random.normal(ks[0], (N, D_FEAT), dtype=jnp.float32)
    edge_index = jax.random.randint(ks[1], (2, E), 0, N, dtype=jnp.int32)
    # HeteroLinear params (single node type)
    W0 = jax.random.normal(ks[2], (D_FEAT, EMBED), dtype=jnp.float32) * 0.05
    b0 = jnp.zeros((EMBED,), dtype=jnp.float32)
    # 3 GraphConv layers (1 input conv + num_hidden_layers=1 + 1 output conv)
    W1 = jax.random.normal(ks[3], (EMBED, HIDDEN), dtype=jnp.float32) * 0.05
    b1 = jnp.zeros((HIDDEN,), dtype=jnp.float32)
    W2 = jax.random.normal(ks[4], (HIDDEN, HIDDEN), dtype=jnp.float32) * 0.05
    b2 = jnp.zeros((HIDDEN,), dtype=jnp.float32)
    W3 = jax.random.normal(ks[5], (HIDDEN, OUT), dtype=jnp.float32) * 0.05
    b3 = jnp.zeros((OUT,), dtype=jnp.float32)
    return {"node_feats": node_feats, "edge_index": edge_index,
            "W0": W0, "b0": b0, "W1": W1, "b1": b1,
            "W2": W2, "b2": b2, "W3": W3, "b3": b3}


def _graph_conv(h, src, dst, W, b, activation):
    # DGL GraphConv with norm='both':
    # h <- D_out^{-1/2} h; aggregate sum over edges; h <- D_in^{-1/2} agg; then W, b, act
    ones = jnp.ones((src.shape[0],), dtype=jnp.float32)
    deg_out = jnp.clip(jnp.zeros((N,), dtype=jnp.float32).at[src].add(ones), 1.0, None)
    deg_in = jnp.clip(jnp.zeros((N,), dtype=jnp.float32).at[dst].add(ones), 1.0, None)
    h = h * (deg_out ** -0.5)[:, None]
    msgs = jnp.take(h, src, axis=0)
    agg = jnp.zeros((N, h.shape[1]), dtype=h.dtype).at[dst].add(msgs)
    agg = agg * (deg_in ** -0.5)[:, None]
    out = agg @ W + b
    if activation:
        out = jax.nn.relu(out)
    return out


def reference(node_feats, edge_index, W0, b0, W1, b1, W2, b2, W3, b3):
    src = edge_index[0]
    dst = edge_index[1]
    # HeteroLinear embedding (single ntype)
    h = node_feats @ W0 + b0
    # layer 0: relu activation; dropout(p=0) is identity
    h = _graph_conv(h, src, dst, W1, b1, True)
    # hidden layer: relu
    h = _graph_conv(h, src, dst, W2, b2, True)
    # output layer: no activation
    h = _graph_conv(h, src, dst, W3, b3, False)
    return h

if __name__ == "__main__":
    import jax
    _d = setup_inputs()
    print(jax.jit(kernel)(*tuple(_d.values())))

</pallas_src>

<mosaic_0001>
#map = affine_map<(d0, d1) -> (0, 0, 0)>
#map1 = affine_map<(d0, d1) -> (0, 0)>
module attributes {stable_mosaic.version = 14 : i64} {
  func.func @_agg_body(%arg0: i32, %arg1: i32, %arg2: memref<2x10240x64xf32, #tpu.memory_space<hbm>>, %arg3: memref<2560x128xi32, #tpu.memory_space<hbm>>, %arg4: memref<2560x128xi32, #tpu.memory_space<hbm>>, %arg5: memref<10240x64xf32, #tpu.memory_space<hbm>>, %arg6: memref<2x10240x64xf32, #tpu.memory_space<hbm>>, %arg7: memref<160x128xi32, #tpu.memory_space<vmem>>, %arg8: memref<160x128xi32, #tpu.memory_space<vmem>>, %arg9: memref<5x128x64xf32, #tpu.memory_space<vmem>>, %arg10: memref<!tpu.dma_semaphore, #tpu.memory_space<semaphore_mem>>, %arg11: memref<!tpu.dma_semaphore, #tpu.memory_space<semaphore_mem>>, %arg12: memref<10240x64xf32, #tpu.memory_space<vmem_shared>>) attributes {dimension_semantics = [#tpu.dimension_semantics<core_parallel>, #tpu.dimension_semantics<subcore_parallel>], iteration_bounds = array<i64: 2, 16>, scalar_prefetch = 0 : i64, scratch_operands = 6 : i64, tpu.core_type = #tpu.core_type<sc_vector_subcore>, window_params = [{transform_indices = #map}, {transform_indices = #map1}, {transform_indices = #map1}, {transform_indices = #map1}, {transform_indices = #map}]} {
    %mul3A = arith.constant 160 : i32
    %mul3A_0 = arith.muli %arg1, %mul3A : i32
    "tpu.region"() ({
      %run_scoped3A = tpu.sem_alloc : memref<!tpu.dma_semaphore, #tpu.memory_space<semaphore_mem>>
      %dma_start3A_81 = arith.constant 0 : i32
      %dma_start3A_82 = tpu.memref_slice %arg3[%mul3A_0, %dma_start3A_81] : memref<2560x128xi32, #tpu.memory_space<hbm>> -> memref<160x128xi32, #tpu.memory_space<hbm>>
      %dma_start3A_83 = arith.constant 0 : i32
      %dma_start3A_84 = tpu.memref_slice %arg3[%mul3A_0, %dma_start3A_83] : memref<2560x128xi32, #tpu.memory_space<hbm>> -> memref<160x128xi32, #tpu.memory_space<hbm>>
      tpu.enqueue_dma source(%dma_start3A_84 : memref<160x128xi32, #tpu.memory_space<hbm>>) target(%arg7 : memref<160x128xi32, #tpu.memory_space<vmem>>) target_semaphore(%run_scoped3A : memref<!tpu.dma_semaphore, #tpu.memory_space<semaphore_mem>>)
      %dma_wait3A_85 = arith.constant 0 : i32
      %dma_wait3A_86 = tpu.memref_slice %arg3[%mul3A_0, %dma_wait3A_85] : memref<2560x128xi32, #tpu.memory_space<hbm>> -> memref<160x128xi32, #tpu.memory_space<hbm>>
      %dma_wait3A_87 = arith.constant 0 : i32
      %dma_wait3A_88 = tpu.memref_slice %arg3[%mul3A_0, %dma_wait3A_87] : memref<2560x128xi32, #tpu.memory_space<hbm>> -> memref<160x128xi32, #tpu.memory_space<hbm>>
      tpu.wait_dma2 semaphore(%run_scoped3A : memref<!tpu.dma_semaphore, #tpu.memory_space<semaphore_mem>>) src(%dma_wait3A_88 : memref<160x128xi32, #tpu.memory_space<hbm>>) dst(%arg7 : memref<160x128xi32, #tpu.memory_space<vmem>>)
      tpu.yield
    }) : () -> ()
    %mul3A_1 = arith.constant 160 : i32
    %mul3A_2 = arith.muli %arg1, %mul3A_1 : i32
    "tpu.region"() ({
      %run_scoped3A = tpu.sem_alloc : memref<!tpu.dma_semaphore, #tpu.memory_space<semaphore_mem>>
      %dma_start3A_81 = arith.constant 0 : i32
      %dma_start3A_82 = tpu.memref_slice %arg4[%mul3A_2, %dma_start3A_81] : memref<2560x128xi32, #tpu.memory_space<hbm>> -> memref<160x128xi32, #tpu.memory_space<hbm>>
      %dma_start3A_83 = arith.constant 0 : i32
      %dma_start3A_84 = tpu.memref_slice %arg4[%mul3A_2, %dma_start3A_83] : memref<2560x128xi32, #tpu.memory_space<hbm>> -> memref<160x128xi32, #tpu.memory_space<hbm>>
      tpu.enqueue_dma source(%dma_start3A_84 : memref<160x128xi32, #tpu.memory_space<hbm>>) target(%arg8 : memref<160x128xi32, #tpu.memory_space<vmem>>) target_semaphore(%run_scoped3A : memref<!tpu.dma_semaphore, #tpu.memory_space<semaphore_mem>>)
      %dma_wait3A_85 = arith.constant 0 : i32
      %dma_wait3A_86 = tpu.memref_slice %arg4[%mul3A_2, %dma_wait3A_85] : memref<2560x128xi32, #tpu.memory_space<hbm>> -> memref<160x128xi32, #tpu.memory_space<hbm>>
      %dma_wait3A_87 = arith.constant 0 : i32
      %dma_wait3A_88 = tpu.memref_slice %arg4[%mul3A_2, %dma_wait3A_87] : memref<2560x128xi32, #tpu.memory_space<hbm>> -> memref<160x128xi32, #tpu.memory_space<hbm>>
      tpu.wait_dma2 semaphore(%run_scoped3A : memref<!tpu.dma_semaphore, #tpu.memory_space<semaphore_mem>>) src(%dma_wait3A_88 : memref<160x128xi32, #tpu.memory_space<hbm>>) dst(%arg8 : memref<160x128xi32, #tpu.memory_space<vmem>>)
      tpu.yield
    }) : () -> ()
    %mul3A_3 = arith.constant 640 : i32
    %mul3A_4 = arith.muli %arg1, %mul3A_3 : i32
    "tpu.region"() ({
      %run_scoped3A = tpu.sem_alloc : memref<!tpu.dma_semaphore, #tpu.memory_space<semaphore_mem>>
      %dma_start3A_81 = arith.constant 0 : i32
      %dma_start3A_82 = tpu.memref_slice %arg12[%mul3A_4, %dma_start3A_81] : memref<10240x64xf32, #tpu.memory_space<vmem_shared>> -> memref<640x64xf32, #tpu.memory_space<vmem_shared>>
      %dma_start3A_83 = arith.constant 0 : i32
      %dma_start3A_84 = tpu.memref_slice %arg5[%mul3A_4, %dma_start3A_83] : memref<10240x64xf32, #tpu.memory_space<hbm>> -> memref<640x64xf32, #tpu.memory_space<hbm>>
      tpu.enqueue_dma source(%dma_start3A_84 : memref<640x64xf32, #tpu.memory_space<hbm>>) target(%dma_start3A_82 : memref<640x64xf32, #tpu.memory_space<vmem_shared>>) target_semaphore(%run_scoped3A : memref<!tpu.dma_semaphore, #tpu.memory_space<semaphore_mem>>)
      %dma_wait3A_85 = arith.constant 0 : i32
      %dma_wait3A_86 = tpu.memref_slice %arg12[%mul3A_4, %dma_wait3A_85] : memref<10240x64xf32, #tpu.memory_space<vmem_shared>> -> memref<640x64xf32, #tpu.memory_space<vmem_shared>>
      %dma_wait3A_87 = arith.constant 0 : i32
      %dma_wait3A_88 = tpu.memref_slice %arg5[%mul3A_4, %dma_wait3A_87] : memref<10240x64xf32, #tpu.memory_space<hbm>> -> memref<640x64xf32, #tpu.memory_space<hbm>>
      tpu.wait_dma2 semaphore(%run_scoped3A : memref<!tpu.dma_semaphore, #tpu.memory_space<semaphore_mem>>) src(%dma_wait3A_88 : memref<640x64xf32, #tpu.memory_space<hbm>>) dst(%dma_wait3A_86 : memref<640x64xf32, #tpu.memory_space<vmem_shared>>)
      tpu.yield
    }) : () -> ()
    %barrier3A = arith.constant 0 : index
    tpu.barrier barrier_id(%barrier3A)
    %dma_start3A = arith.constant 0 : i32
    %dma_start3A_5 = arith.constant 0 : i32
    %dma_start3A_6 = arith.constant 0 : i32
    %dma_start3A_7 = arith.constant 0 : i32
    %dma_start3A_8 = tpu.memref_slice %arg9[%dma_start3A_5, %dma_start3A_6, %dma_start3A_7] : memref<5x128x64xf32, #tpu.memory_space<vmem>> -> memref<1x128x64xf32, #tpu.memory_space<vmem>>
    %dma_start3A_9 = tpu.memref_squeeze %dma_start3A_8 : memref<1x128x64xf32, #tpu.memory_space<vmem>> -> memref<128x64xf32, #tpu.memory_space<vmem>>
    %dma_start3A_10 = arith.constant 0 : i32
    %dma_start3A_11 = tpu.memref_slice %arg7[%dma_start3A, %dma_start3A_10] : memref<160x128xi32, #tpu.memory_space<vmem>> -> memref<1x128xi32, #tpu.memory_space<vmem>>
    %dma_start3A_12 = tpu.memref_squeeze %dma_start3A_11 : memref<1x128xi32, #tpu.memory_space<vmem>> -> memref<128xi32, #tpu.memory_space<vmem>>
    %dma_start3A_13 = arith.constant 0 : i32
    %dma_start3A_14 = arith.constant 0 : i32
    %dma_start3A_15 = tpu.memref_slice %arg2[%arg0, %dma_start3A_13, %dma_start3A_14] : memref<2x10240x64xf32, #tpu.memory_space<hbm>> -> memref<1x10240x64xf32, #tpu.memory_space<hbm>>
    %dma_start3A_16 = tpu.memref_squeeze %dma_start3A_15 : memref<1x10240x64xf32, #tpu.memory_space<hbm>> -> memref<10240x64xf32, #tpu.memory_space<hbm>>
    %dma_start3A_17 = arith.constant 0 : i32
    %dma_start3A_18 = arith.constant 0 : i32
    %dma_start3A_19 = tpu.memref_slice %dma_start3A_16[%dma_start3A_17, %dma_start3A_18] : memref<10240x64xf32, #tpu.memory_space<hbm>> -> memref<10240x64xf32, #tpu.memory_space<hbm>>
    tpu.enqueue_indirect_dma source(%dma_start3A_19 : memref<10240x64xf32, #tpu.memory_space<hbm>>) target(%dma_start3A_9 : memref<128x64xf32, #tpu.memory_space<vmem>>) offsets(%dma_start3A_12 : memref<128xi32, #tpu.memory_space<vmem>>) semaphore(%arg10 : memref<!tpu.dma_semaphore, #tpu.memory_space<semaphore_mem>>)
    %dma_start3A_20 = arith.constant 1 : i32
    %dma_start3A_21 = arith.constant 1 : i32
    %dma_start3A_22 = arith.constant 0 : i32
    %dma_start3A_23 = arith.constant 0 : i32
    %dma_start3A_24 = tpu.memref_slice %arg9[%dma_start3A_21, %dma_start3A_22, %dma_start3A_23] : memref<5x128x64xf32, #tpu.memory_space<vmem>> -> memref<1x128x64xf32, #tpu.memory_space<vmem>>
    %dma_start3A_25 = tpu.memref_squeeze %dma_start3A_24 : memref<1x128x64xf32, #tpu.memory_space<vmem>> -> memref<128x64xf32, #tpu.memory_space<vmem>>
    %dma_start3A_26 = arith.constant 0 : i32
    %dma_start3A_27 = tpu.memref_slice %arg7[%dma_start3A_20, %dma_start3A_26] : memref<160x128xi32, #tpu.memory_space<vmem>> -> memref<1x128xi32, #tpu.memory_space<vmem>>
    %dma_start3A_28 = tpu.memref_squeeze %dma_start3A_27 : memref<1x128xi32, #tpu.memory_space<vmem>> -> memref<128xi32, #tpu.memory_space<vmem>>
    %dma_start3A_29 = arith.constant 0 : i32
    %dma_start3A_30 = arith.constant 0 : i32
    %dma_start3A_31 = tpu.memref_slice %arg2[%arg0, %dma_start3A_29, %dma_start3A_30] : memref<2x10240x64xf32, #tpu.memory_space<hbm>> -> memref<1x10240x64xf32, #tpu.memory_space<hbm>>
    %dma_start3A_32 = tpu.memref_squeeze %dma_start3A_31 : memref<1x10240x64xf32, #tpu.memory_space<hbm>> -> memref<10240x64xf32, #tpu.memory_space<hbm>>
    %dma_start3A_33 = arith.constant 0 : i32
    %dma_start3A_34 = arith.constant 0 : i32
    %dma_start3A_35 = tpu.memref_slice %dma_start3A_32[%dma_start3A_33, %dma_start3A_34] : memref<10240x64xf32, #tpu.memory_space<hbm>> -> memref<10240x64xf32, #tpu.memory_space<hbm>>
    tpu.enqueue_indirect_dma source(%dma_start3A_35 : memref<10240x64xf32, #tpu.memory_space<hbm>>) target(%dma_start3A_25 : memref<128x64xf32, #tpu.memory_space<vmem>>) offsets(%dma_start3A_28 : memref<128xi32, #tpu.memory_space<vmem>>) semaphore(%arg10 : memref<!tpu.dma_semaphore, #tpu.memory_space<semaphore_mem>>)
    %dma_start3A_36 = arith.constant 2 : i32
    %dma_start3A_37 = arith.constant 2 : i32
    %dma_start3A_38 = arith.constant 0 : i32
    %dma_start3A_39 = arith.constant 0 : i32
    %dma_start3A_40 = tpu.memref_slice %arg9[%dma_start3A_37, %dma_start3A_38, %dma_start3A_39] : memref<5x128x64xf32, #tpu.memory_space<vmem>> -> memref<1x128x64xf32, #tpu.memory_space<vmem>>
    %dma_start3A_41 = tpu.memref_squeeze %dma_start3A_40 : memref<1x128x64xf32, #tpu.memory_space<vmem>> -> memref<128x64xf32, #tpu.memory_space<vmem>>
    %dma_start3A_42 = arith.constant 0 : i32
    %dma_start3A_43 = tpu.memref_slice %arg7[%dma_start3A_36, %dma_start3A_42] : memref<160x128xi32, #tpu.memory_space<vmem>> -> memref<1x128xi32, #tpu.memory_space<vmem>>
    %dma_start3A_44 = tpu.memref_squeeze %dma_start3A_43 : memref<1x128xi32, #tpu.memory_space<vmem>> -> memref<128xi32, #tpu.memory_space<vmem>>
    %dma_start3A_45 = arith.constant 0 : i32
    %dma_start3A_46 = arith.constant 0 : i32
    %dma_start3A_47 = tpu.memref_slice %arg2[%arg0, %dma_start3A_45, %dma_start3A_46] : memref<2x10240x64xf32, #tpu.memory_space<hbm>> -> memref<1x10240x64xf32, #tpu.memory_space<hbm>>
    %dma_start3A_48 = tpu.memref_squeeze %dma_start3A_47 : memref<1x10240x64xf32, #tpu.memory_space<hbm>> -> memref<10240x64xf32, #tpu.memory_space<hbm>>
    %dma_start3A_49 = arith.constant 0 : i32
    %dma_start3A_50 = arith.constant 0 : i32
    %dma_start3A_51 = tpu.memref_slice %dma_start3A_48[%dma_start3A_49, %dma_start3A_50] : memref<10240x64xf32, #tpu.memory_space<hbm>> -> memref<10240x64xf32, #tpu.memory_space<hbm>>
    tpu.enqueue_indirect_dma source(%dma_start3A_51 : memref<10240x64xf32, #tpu.memory_space<hbm>>) target(%dma_start3A_41 : memref<128x64xf32, #tpu.memory_space<vmem>>) offsets(%dma_start3A_44 : memref<128xi32, #tpu.memory_space<vmem>>) semaphore(%arg10 : memref<!tpu.dma_semaphore, #tpu.memory_space<semaphore_mem>>)
    %scan3A = arith.constant 0 : i32
    %scan3A_52 = arith.constant 0 : i32
    %scan3A_53 = arith.constant 32 : i32
    %scan3A_54 = arith.addi %scan3A_52, %scan3A_53 : i32
    %scan3A_55 = arith.constant 1 : i32
    scf.for %scan3A_81 = %scan3A_52 to %scan3A_54 step %scan3A_55  : i32 {
      %mul3A_82 = arith.constant 5 : i32
      %mul3A_83 = arith.muli %mul3A_82, %scan3A_81 : i32
      %add3A = arith.constant 0 : i32
      %add3A_84 = arith.addi %mul3A_83, %add3A : i32
      %dma_wait3A_85 = arith.constant 0 : i32
      %dma_wait3A_86 = arith.constant 0 : i32
      %dma_wait3A_87 = arith.constant 0 : i32
      %dma_wait3A_88 = tpu.memref_slice %arg9[%dma_wait3A_85, %dma_wait3A_86, %dma_wait3A_87] : memref<5x128x64xf32, #tpu.memory_space<vmem>> -> memref<1x128x64xf32, #tpu.memory_space<vmem>>
      %dma_wait3A_89 = tpu.memref_squeeze %dma_wait3A_88 : memref<1x128x64xf32, #tpu.memory_space<vmem>> -> memref<128x64xf32, #tpu.memory_space<vmem>>
      %dma_wait3A_90 = arith.constant 0 : i32
      %dma_wait3A_91 = tpu.memref_slice %arg7[%add3A_84, %dma_wait3A_90] : memref<160x128xi32, #tpu.memory_space<vmem>> -> memref<1x128xi32, #tpu.memory_space<vmem>>
      %dma_wait3A_92 = tpu.memref_squeeze %dma_wait3A_91 : memref<1x128xi32, #tpu.memory_space<vmem>> -> memref<128xi32, #tpu.memory_space<vmem>>
      %dma_wait3A_93 = arith.constant 0 : i32
      %dma_wait3A_94 = arith.constant 0 : i32
      %dma_wait3A_95 = tpu.memref_slice %arg2[%arg0, %dma_wait3A_93, %dma_wait3A_94] : memref<2x10240x64xf32, #tpu.memory_space<hbm>> -> memref<1x10240x64xf32, #tpu.memory_space<hbm>>
      %dma_wait3A_96 = tpu.memref_squeeze %dma_wait3A_95 : memref<1x10240x64xf32, #tpu.memory_space<hbm>> -> memref<10240x64xf32, #tpu.memory_space<hbm>>
      %dma_wait3A_97 = arith.constant 0 : i32
      %dma_wait3A_98 = arith.constant 0 : i32
      %dma_wait3A_99 = tpu.memref_slice %dma_wait3A_96[%dma_wait3A_97, %dma_wait3A_98] : memref<10240x64xf32, #tpu.memory_space<hbm>> -> memref<10240x64xf32, #tpu.memory_space<hbm>>
      tpu.wait_indirect_dma semaphore(%arg10 : memref<!tpu.dma_semaphore, #tpu.memory_space<semaphore_mem>>) src(%dma_wait3A_99 : memref<10240x64xf32, #tpu.memory_space<hbm>>) dst(%dma_wait3A_89 : memref<128x64xf32, #tpu.memory_space<vmem>>)
      %dma_start3A_100 = arith.constant 0 : i32
      %dma_start3A_101 = arith.constant 0 : i32
      %dma_start3A_102 = arith.constant 0 : i32
      %dma_start3A_103 = tpu.memref_slice %arg9[%dma_start3A_100, %dma_start3A_101, %dma_start3A_102] : memref<5x128x64xf32, #tpu.memory_space<vmem>> -> memref<1x128x64xf32, #tpu.memory_space<vmem>>
      %dma_start3A_104 = tpu.memref_squeeze %dma_start3A_103 : memref<1x128x64xf32, #tpu.memory_space<vmem>> -> memref<128x64xf32, #tpu.memory_space<vmem>>
      %dma_start3A_105 = arith.constant 0 : i32
      %dma_start3A_106 = tpu.memref_slice %arg8[%add3A_84, %dma_start3A_105] : memref<160x128xi32, #tpu.memory_space<vmem>> -> memref<1x128xi32, #tpu.memory_space<vmem>>
      %dma_start3A_107 = tpu.memref_squeeze %dma_start3A_106 : memref<1x128xi32, #tpu.memory_space<vmem>> -> memref<128xi32, #tpu.memory_space<vmem>>
      %dma_start3A_108 = arith.constant 0 : i32
      %dma_start3A_109 = arith.constant 0 : i32
      %dma_start3A_110 = tpu.memref_slice %arg12[%dma_start3A_108, %dma_start3A_109] : memref<10240x64xf32, #tpu.memory_space<vmem_shared>> -> memref<10240x64xf32, #tpu.memory_space<vmem_shared>>
      tpu.enqueue_indirect_dma source(%dma_start3A_104 : memref<128x64xf32, #tpu.memory_space<vmem>>) target(%dma_start3A_110 : memref<10240x64xf32, #tpu.memory_space<vmem_shared>>) offsets(%dma_start3A_107 : memref<128xi32, #tpu.memory_space<vmem>>) semaphore(%arg11 : memref<!tpu.dma_semaphore, #tpu.memory_space<semaphore_mem>>) {add = true}
      %ge3A = arith.constant 2 : i32
      %ge3A_111 = arith.cmpi sge, %add3A_84, %ge3A : i32
      %convert_element_type3A = arith.extui %ge3A_111 : i1 to i32
      %cond3A = arith.constant 0 : i32
      %cond3A_112 = arith.cmpi ne, %convert_element_type3A, %cond3A : i32
      scf.if %cond3A_112 {
        %sub3A = arith.constant 2 : i32
        %sub3A_279 = arith.subi %add3A_84, %sub3A : i32
        %dma_wait3A_280 = arith.constant 3 : i32
        %dma_wait3A_281 = arith.constant 0 : i32
        %dma_wait3A_282 = arith.constant 0 : i32
        %dma_wait3A_283 = tpu.memref_slice %arg9[%dma_wait3A_280, %dma_wait3A_281, %dma_wait3A_282] : memref<5x128x64xf32, #tpu.memory_space<vmem>> -> memref<1x128x64xf32, #tpu.memory_space<vmem>>
        %dma_wait3A_284 = tpu.memref_squeeze %dma_wait3A_283 : memref<1x128x64xf32, #tpu.memory_space<vmem>> -> memref<128x64xf32, #tpu.memory_space<vmem>>
        %dma_wait3A_285 = arith.constant 0 : i32
        %dma_wait3A_286 = tpu.memref_slice %arg8[%sub3A_279, %dma_wait3A_285] : memref<160x128xi32, #tpu.memory_space<vmem>> -> memref<1x128xi32, #tpu.memory_space<vmem>>
        %dma_wait3A_287 = tpu.memref_squeeze %dma_wait3A_286 : memref<1x128xi32, #tpu.memory_space<vmem>> -> memref<128xi32, #tpu.memory_space<vmem>>
        %dma_wait3A_288 = arith.constant 0 : i32
        %dma_wait3A_289 = arith.constant 0 : i32
        %dma_wait3A_290 = tpu.memref_slice %arg12[%dma_wait3A_288, %dma_wait3A_289] : memref<10240x64xf32, #tpu.memory_space<vmem_shared>> -> memref<10240x64xf32, #tpu.memory_space<vmem_shared>>
        tpu.wait_indirect_dma semaphore(%arg11 : memref<!tpu.dma_semaphore, #tpu.memory_space<semaphore_mem>>) src(%dma_wait3A_284 : memref<128x64xf32, #tpu.memory_space<vmem>>) dst(%dma_wait3A_290 : memref<10240x64xf32, #tpu.memory_space<vmem_shared>>)
      } else {
      }
      %add3A_113 = arith.constant 3 : i32
      %add3A_114 = arith.addi %add3A_84, %add3A_113 : i32
      %lt3A = arith.constant 160 : i32
      %lt3A_115 = arith.cmpi slt, %add3A_114, %lt3A : i32
      %convert_element_type3A_116 = arith.extui %lt3A_115 : i1 to i32
      %cond3A_117 = arith.constant 0 : i32
      %cond3A_118 = arith.cmpi ne, %convert_element_type3A_116, %cond3A_117 : i32
      scf.if %cond3A_118 {
        %add3A_279 = arith.constant 3 : i32
        %add3A_280 = arith.addi %add3A_84, %add3A_279 : i32
        %dma_start3A_281 = arith.constant 3 : i32
        %dma_start3A_282 = arith.constant 0 : i32
        %dma_start3A_283 = arith.constant 0 : i32
        %dma_start3A_284 = tpu.memref_slice %arg9[%dma_start3A_281, %dma_start3A_282, %dma_start3A_283] : memref<5x128x64xf32, #tpu.memory_space<vmem>> -> memref<1x128x64xf32, #tpu.memory_space<vmem>>
        %dma_start3A_285 = tpu.memref_squeeze %dma_start3A_284 : memref<1x128x64xf32, #tpu.memory_space<vmem>> -> memref<128x64xf32, #tpu.memory_space<vmem>>
        %dma_start3A_286 = arith.constant 0 : i32
        %dma_start3A_287 = tpu.memref_slice %arg7[%add3A_280, %dma_start3A_286] : memref<160x128xi32, #tpu.memory_space<vmem>> -> memref<1x128xi32, #tpu.memory_space<vmem>>
        %dma_start3A_288 = tpu.memref_squeeze %dma_start3A_287 : memref<1x128xi32, #tpu.memory_space<vmem>> -> memref<128xi32, #tpu.memory_space<vmem>>
        %dma_start3A_289 = arith.constant 0 : i32
        %dma_start3A_290 = arith.constant 0 : i32
        %dma_start3A_291 = tpu.memref_slice %arg2[%arg0, %dma_start3A_289, %dma_start3A_290] : memref<2x10240x64xf32, #tpu.memory_space<hbm>> -> memref<1x10240x64xf32, #tpu.memory_space<hbm>>
        %dma_start3A_292 = tpu.memref_squeeze %dma_start3A_291 : memref<1x10240x64xf32, #tpu.memory_space<hbm>> -> memref<10240x64xf32, #tpu.memory_space<hbm>>
        %dma_start3A_293 = arith.constant 0 : i32
        %dma_start3A_294 = arith.constant 0 : i32
        %dma_start3A_295 = tpu.memref_slice %dma_start3A_292[%dma_start3A_293, %dma_start3A_294] : memref<10240x64xf32, #tpu.memory_space<hbm>> -> memref<10240x64xf32, #tpu.memory_space<hbm>>
        tpu.enqueue_indirect_dma source(%dma_start3A_295 : memref<10240x64xf32, #tpu.memory_space<hbm>>) target(%dma_start3A_285 : memref<128x64xf32, #tpu.memory_space<vmem>>) offsets(%dma_start3A_288 : memref<128xi32, #tpu.memory_space<vmem>>) semaphore(%arg10 : memref<!tpu.dma_semaphore, #tpu.memory_space<semaphore_mem>>)
      } else {
      }
      %add3A_119 = arith.constant 1 : i32
      %add3A_120 = arith.addi %mul3A_83, %add3A_119 : i32
      %dma_wait3A_121 = arith.constant 1 : i32
      %dma_wait3A_122 = arith.constant 0 : i32
      %dma_wait3A_123 = arith.constant 0 : i32
      %dma_wait3A_124 = tpu.memref_slice %arg9[%dma_wait3A_121, %dma_wait3A_122, %dma_wait3A_123] : memref<5x128x64xf32, #tpu.memory_space<vmem>> -> memref<1x128x64xf32, #tpu.memory_space<vmem>>
      %dma_wait3A_125 = tpu.memref_squeeze %dma_wait3A_124 : memref<1x128x64xf32, #tpu.memory_space<vmem>> -> memref<128x64xf32, #tpu.memory_space<vmem>>
      %dma_wait3A_126 = arith.constant 0 : i32
      %dma_wait3A_127 = tpu.memref_slice %arg7[%add3A_120, %dma_wait3A_126] : memref<160x128xi32, #tpu.memory_space<vmem>> -> memref<1x128xi32, #tpu.memory_space<vmem>>
      %dma_wait3A_128 = tpu.memref_squeeze %dma_wait3A_127 : memref<1x128xi32, #tpu.memory_space<vmem>> -> memref<128xi32, #tpu.memory_space<vmem>>
      %dma_wait3A_129 = arith.constant 0 : i32
      %dma_wait3A_130 = arith.constant 0 : i32
      %dma_wait3A_131 = tpu.memref_slice %arg2[%arg0, %dma_wait3A_129, %dma_wait3A_130] : memref<2x10240x64xf32, #tpu.memory_space<hbm>> -> memref<1x10240x64xf32, #tpu.memory_space<hbm>>
      %dma_wait3A_132 = tpu.memref_squeeze %dma_wait3A_131 : memref<1x10240x64xf32, #tpu.memory_space<hbm>> -> memref<10240x64xf32, #tpu.memory_space<hbm>>
      %dma_wait3A_133 = arith.constant 0 : i32
      %dma_wait3A_134 = arith.constant 0 : i32
      %dma_wait3A_135 = tpu.memref_slice %dma_wait3A_132[%dma_wait3A_133, %dma_wait3A_134] : memref<10240x64xf32, #tpu.memory_space<hbm>> -> memref<10240x64xf32, #tpu.memory_space<hbm>>
      tpu.wait_indirect_dma semaphore(%arg10 : memref<!tpu.dma_semaphore, #tpu.memory_space<semaphore_mem>>) src(%dma_wait3A_135 : memref<10240x64xf32, #tpu.memory_space<hbm>>) dst(%dma_wait3A_125 : memref<128x64xf32, #tpu.memory_space<vmem>>)
      %dma_start3A_136 = arith.constant 1 : i32
      %dma_start3A_137 = arith.constant 0 : i32
      %dma_start3A_138 = arith.constant 0 : i32
      %dma_start3A_139 = tpu.memref_slice %arg9[%dma_start3A_136, %dma_start3A_137, %dma_start3A_138] : memref<5x128x64xf32, #tpu.memory_space<vmem>> -> memref<1x128x64xf32, #tpu.memory_space<vmem>>
      %dma_start3A_140 = tpu.memref_squeeze %dma_start3A_139 : memref<1x128x64xf32, #tpu.memory_space<vmem>> -> memref<128x64xf32, #tpu.memory_space<vmem>>
      %dma_start3A_141 = arith.constant 0 : i32
      %dma_start3A_142 = tpu.memref_slice %arg8[%add3A_120, %dma_start3A_141] : memref<160x128xi32, #tpu.memory_space<vmem>> -> memref<1x128xi32, #tpu.memory_space<vmem>>
      %dma_start3A_143 = tpu.memref_squeeze %dma_start3A_142 : memref<1x128xi32, #tpu.memory_space<vmem>> -> memref<128xi32, #tpu.memory_space<vmem>>
      %dma_start3A_144 = arith.constant 0 : i32
      %dma_start3A_145 = arith.constant 0 : i32
      %dma_start3A_146 = tpu.memref_slice %arg12[%dma_start3A_144, %dma_start3A_145] : memref<10240x64xf32, #tpu.memory_space<vmem_shared>> -> memref<10240x64xf32, #tpu.memory_space<vmem_shared>>
      tpu.enqueue_indirect_dma source(%dma_start3A_140 : memref<128x64xf32, #tpu.memory_space<vmem>>) target(%dma_start3A_146 : memref<10240x64xf32, #tpu.memory_space<vmem_shared>>) offsets(%dma_start3A_143 : memref<128xi32, #tpu.memory_space<vmem>>) semaphore(%arg11 : memref<!tpu.dma_semaphore, #tpu.memory_space<semaphore_mem>>) {add = true}
      %ge3A_147 = arith.constant 2 : i32
      %ge3A_148 = arith.cmpi sge, %add3A_120, %ge3A_147 : i32
      %convert_element_type3A_149 = arith.extui %ge3A_148 : i1 to i32
      %cond3A_150 = arith.constant 0 : i32
      %cond3A_151 = arith.cmpi ne, %convert_element_type3A_149, %cond3A_150 : i32
      scf.if %cond3A_151 {
        %sub3A = arith.constant 2 : i32
        %sub3A_279 = arith.subi %add3A_120, %sub3A : i32
        %dma_wait3A_280 = arith.constant 4 : i32
        %dma_wait3A_281 = arith.constant 0 : i32
        %dma_wait3A_282 = arith.constant 0 : i32
        %dma_wait3A_283 = tpu.memref_slice %arg9[%dma_wait3A_280, %dma_wait3A_281, %dma_wait3A_282] : memref<5x128x64xf32, #tpu.memory_space<vmem>> -> memref<1x128x64xf32, #tpu.memory_space<vmem>>
        %dma_wait3A_284 = tpu.memref_squeeze %dma_wait3A_283 : memref<1x128x64xf32, #tpu.memory_space<vmem>> -> memref<128x64xf32, #tpu.memory_space<vmem>>
        %dma_wait3A_285 = arith.constant 0 : i32
        %dma_wait3A_286 = tpu.memref_slice %arg8[%sub3A_279, %dma_wait3A_285] : memref<160x128xi32, #tpu.memory_space<vmem>> -> memref<1x128xi32, #tpu.memory_space<vmem>>
        %dma_wait3A_287 = tpu.memref_squeeze %dma_wait3A_286 : memref<1x128xi32, #tpu.memory_space<vmem>> -> memref<128xi32, #tpu.memory_space<vmem>>
        %dma_wait3A_288 = arith.constant 0 : i32
        %dma_wait3A_289 = arith.constant 0 : i32
        %dma_wait3A_290 = tpu.memref_slice %arg12[%dma_wait3A_288, %dma_wait3A_289] : memref<10240x64xf32, #tpu.memory_space<vmem_shared>> -> memref<10240x64xf32, #tpu.memory_space<vmem_shared>>
        tpu.wait_indirect_dma semaphore(%arg11 : memref<!tpu.dma_semaphore, #tpu.memory_space<semaphore_mem>>) src(%dma_wait3A_284 : memref<128x64xf32, #tpu.memory_space<vmem>>) dst(%dma_wait3A_290 : memref<10240x64xf32, #tpu.memory_space<vmem_shared>>)
      } else {
      }
      %add3A_152 = arith.constant 3 : i32
      %add3A_153 = arith.addi %add3A_120, %add3A_152 : i32
      %lt3A_154 = arith.constant 160 : i32
      %lt3A_155 = arith.cmpi slt, %add3A_153, %lt3A_154 : i32
      %convert_element_type3A_156 = arith.extui %lt3A_155 : i1 to i32
      %cond3A_157 = arith.constant 0 : i32
      %cond3A_158 = arith.cmpi ne, %convert_element_type3A_156, %cond3A_157 : i32
      scf.if %cond3A_158 {
        %add3A_279 = arith.constant 3 : i32
        %add3A_280 = arith.addi %add3A_120, %add3A_279 : i32
        %dma_start3A_281 = arith.constant 4 : i32
        %dma_start3A_282 = arith.constant 0 : i32
        %dma_start3A_283 = arith.constant 0 : i32
        %dma_start3A_284 = tpu.memref_slice %arg9[%dma_start3A_281, %dma_start3A_282, %dma_start3A_283] : memref<5x128x64xf32, #tpu.memory_space<vmem>> -> memref<1x128x64xf32, #tpu.memory_space<vmem>>
        %dma_start3A_285 = tpu.memref_squeeze %dma_start3A_284 : memref<1x128x64xf32, #tpu.memory_space<vmem>> -> memref<128x64xf32, #tpu.memory_space<vmem>>
        %dma_start3A_286 = arith.constant 0 : i32
        %dma_start3A_287 = tpu.memref_slice %arg7[%add3A_280, %dma_start3A_286] : memref<160x128xi32, #tpu.memory_space<vmem>> -> memref<1x128xi32, #tpu.memory_space<vmem>>
        %dma_start3A_288 = tpu.memref_squeeze %dma_start3A_287 : memref<1x128xi32, #tpu.memory_space<vmem>> -> memref<128xi32, #tpu.memory_space<vmem>>
        %dma_start3A_289 = arith.constant 0 : i32
        %dma_start3A_290 = arith.constant 0 : i32
        %dma_start3A_291 = tpu.memref_slice %arg2[%arg0, %dma_start3A_289, %dma_start3A_290] : memref<2x10240x64xf32, #tpu.memory_space<hbm>> -> memref<1x10240x64xf32, #tpu.memory_space<hbm>>
        %dma_start3A_292 = tpu.memref_squeeze %dma_start3A_291 : memref<1x10240x64xf32, #tpu.memory_space<hbm>> -> memref<10240x64xf32, #tpu.memory_space<hbm>>
        %dma_start3A_293 = arith.constant 0 : i32
        %dma_start3A_294 = arith.constant 0 : i32
        %dma_start3A_295 = tpu.memref_slice %dma_start3A_292[%dma_start3A_293, %dma_start3A_294] : memref<10240x64xf32, #tpu.memory_space<hbm>> -> memref<10240x64xf32, #tpu.memory_space<hbm>>
        tpu.enqueue_indirect_dma source(%dma_start3A_295 : memref<10240x64xf32, #tpu.memory_space<hbm>>) target(%dma_start3A_285 : memref<128x64xf32, #tpu.memory_space<vmem>>) offsets(%dma_start3A_288 : memref<128xi32, #tpu.memory_space<vmem>>) semaphore(%arg10 : memref<!tpu.dma_semaphore, #tpu.memory_space<semaphore_mem>>)
      } else {
      }
      %add3A_159 = arith.constant 2 : i32
      %add3A_160 = arith.addi %mul3A_83, %add3A_159 : i32
      %dma_wait3A_161 = arith.constant 2 : i32
      %dma_wait3A_162 = arith.constant 0 : i32
      %dma_wait3A_163 = arith.constant 0 : i32
      %dma_wait3A_164 = tpu.memref_slice %arg9[%dma_wait3A_161, %dma_wait3A_162, %dma_wait3A_163] : memref<5x128x64xf32, #tpu.memory_space<vmem>> -> memref<1x128x64xf32, #tpu.memory_space<vmem>>
      %dma_wait3A_165 = tpu.memref_squeeze %dma_wait3A_164 : memref<1x128x64xf32, #tpu.memory_space<vmem>> -> memref<128x64xf32, #tpu.memory_space<vmem>>
      %dma_wait3A_166 = arith.constant 0 : i32
      %dma_wait3A_167 = tpu.memref_slice %arg7[%add3A_160, %dma_wait3A_166] : memref<160x128xi32, #tpu.memory_space<vmem>> -> memref<1x128xi32, #tpu.memory_space<vmem>>
      %dma_wait3A_168 = tpu.memref_squeeze %dma_wait3A_167 : memref<1x128xi32, #tpu.memory_space<vmem>> -> memref<128xi32, #tpu.memory_space<vmem>>
      %dma_wait3A_169 = arith.constant 0 : i32
      %dma_wait3A_170 = arith.constant 0 : i32
      %dma_wait3A_171 = tpu.memref_slice %arg2[%arg0, %dma_wait3A_169, %dma_wait3A_170] : memref<2x10240x64xf32, #tpu.memory_space<hbm>> -> memref<1x10240x64xf32, #tpu.memory_space<hbm>>
      %dma_wait3A_172 = tpu.memref_squeeze %dma_wait3A_171 : memref<1x10240x64xf32, #tpu.memory_space<hbm>> -> memref<10240x64xf32, #tpu.memory_space<hbm>>
      %dma_wait3A_173 = arith.constant 0 : i32
      %dma_wait3A_174 = arith.constant 0 : i32
      %dma_wait3A_175 = tpu.memref_slice %dma_wait3A_172[%dma_wait3A_173, %dma_wait3A_174] : memref<10240x64xf32, #tpu.memory_space<hbm>> -> memref<10240x64xf32, #tpu.memory_space<hbm>>
      tpu.wait_indirect_dma semaphore(%arg10 : memref<!tpu.dma_semaphore, #tpu.memory_space<semaphore_mem>>) src(%dma_wait3A_175 : memref<10240x64xf32, #tpu.memory_space<hbm>>) dst(%dma_wait3A_165 : memref<128x64xf32, #tpu.memory_space<vmem>>)
      %dma_start3A_176 = arith.constant 2 : i32
      %dma_start3A_177 = arith.constant 0 : i32
      %dma_start3A_178 = arith.constant 0 : i32
      %dma_start3A_179 = tpu.memref_slice %arg9[%dma_start3A_176, %dma_start3A_177, %dma_start3A_178] : memref<5x128x64xf32, #tpu.memory_space<vmem>> -> memref<1x128x64xf32, #tpu.memory_space<vmem>>
      %dma_start3A_180 = tpu.memref_squeeze %dma_start3A_179 : memref<1x128x64xf32, #tpu.memory_space<vmem>> -> memref<128x64xf32, #tpu.memory_space<vmem>>
      %dma_start3A_181 = arith.constant 0 : i32
      %dma_start3A_182 = tpu.memref_slice %arg8[%add3A_160, %dma_start3A_181] : memref<160x128xi32, #tpu.memory_space<vmem>> -> memref<1x128xi32, #tpu.memory_space<vmem>>
      %dma_start3A_183 = tpu.memref_squeeze %dma_start3A_182 : memref<1x128xi32, #tpu.memory_space<vmem>> -> memref<128xi32, #tpu.memory_space<vmem>>
      %dma_start3A_184 = arith.constant 0 : i32
      %dma_start3A_185 = arith.constant 0 : i32
      %dma_start3A_186 = tpu.memref_slice %arg12[%dma_start3A_184, %dma_start3A_185] : memref<10240x64xf32, #tpu.memory_space<vmem_shared>> -> memref<10240x64xf32, #tpu.memory_space<vmem_shared>>
      tpu.enqueue_indirect_dma source(%dma_start3A_180 : memref<128x64xf32, #tpu.memory_space<vmem>>) target(%dma_start3A_186 : memref<10240x64xf32, #tpu.memory_space<vmem_shared>>) offsets(%dma_start3A_183 : memref<128xi32, #tpu.memory_space<vmem>>) semaphore(%arg11 : memref<!tpu.dma_semaphore, #tpu.memory_space<semaphore_mem>>) {add = true}
      %ge3A_187 = arith.constant 2 : i32
      %ge3A_188 = arith.cmpi sge, %add3A_160, %ge3A_187 : i32
      %convert_element_type3A_189 = arith.extui %ge3A_188 : i1 to i32
      %cond3A_190 = arith.constant 0 : i32
      %cond3A_191 = arith.cmpi ne, %convert_element_type3A_189, %cond3A_190 : i32
      scf.if %cond3A_191 {
        %sub3A = arith.constant 2 : i32
        %sub3A_279 = arith.subi %add3A_160, %sub3A : i32
        %dma_wait3A_280 = arith.constant 0 : i32
        %dma_wait3A_281 = arith.constant 0 : i32
        %dma_wait3A_282 = arith.constant 0 : i32
        %dma_wait3A_283 = tpu.memref_slice %arg9[%dma_wait3A_280, %dma_wait3A_281, %dma_wait3A_282] : memref<5x128x64xf32, #tpu.memory_space<vmem>> -> memref<1x128x64xf32, #tpu.memory_space<vmem>>
        %dma_wait3A_284 = tpu.memref_squeeze %dma_wait3A_283 : memref<1x128x64xf32, #tpu.memory_space<vmem>> -> memref<128x64xf32, #tpu.memory_space<vmem>>
        %dma_wait3A_285 = arith.constant 0 : i32
        %dma_wait3A_286 = tpu.memref_slice %arg8[%sub3A_279, %dma_wait3A_285] : memref<160x128xi32, #tpu.memory_space<vmem>> -> memref<1x128xi32, #tpu.memory_space<vmem>>
        %dma_wait3A_287 = tpu.memref_squeeze %dma_wait3A_286 : memref<1x128xi32, #tpu.memory_space<vmem>> -> memref<128xi32, #tpu.memory_space<vmem>>
        %dma_wait3A_288 = arith.constant 0 : i32
        %dma_wait3A_289 = arith.constant 0 : i32
        %dma_wait3A_290 = tpu.memref_slice %arg12[%dma_wait3A_288, %dma_wait3A_289] : memref<10240x64xf32, #tpu.memory_space<vmem_shared>> -> memref<10240x64xf32, #tpu.memory_space<vmem_shared>>
        tpu.wait_indirect_dma semaphore(%arg11 : memref<!tpu.dma_semaphore, #tpu.memory_space<semaphore_mem>>) src(%dma_wait3A_284 : memref<128x64xf32, #tpu.memory_space<vmem>>) dst(%dma_wait3A_290 : memref<10240x64xf32, #tpu.memory_space<vmem_shared>>)
      } else {
      }
      %add3A_192 = arith.constant 3 : i32
      %add3A_193 = arith.addi %add3A_160, %add3A_192 : i32
      %lt3A_194 = arith.constant 160 : i32
      %lt3A_195 = arith.cmpi slt, %add3A_193, %lt3A_194 : i32
      %convert_element_type3A_196 = arith.extui %lt3A_195 : i1 to i32
      %cond3A_197 = arith.constant 0 : i32
      %cond3A_198 = arith.cmpi ne, %convert_element_type3A_196, %cond3A_197 : i32
      scf.if %cond3A_198 {
        %add3A_279 = arith.constant 3 : i32
        %add3A_280 = arith.addi %add3A_160, %add3A_279 : i32
        %dma_start3A_281 = arith.constant 0 : i32
        %dma_start3A_282 = arith.constant 0 : i32
        %dma_start3A_283 = arith.constant 0 : i32
        %dma_start3A_284 = tpu.memref_slice %arg9[%dma_start3A_281, %dma_start3A_282, %dma_start3A_283] : memref<5x128x64xf32, #tpu.memory_space<vmem>> -> memref<1x128x64xf32, #tpu.memory_space<vmem>>
        %dma_start3A_285 = tpu.memref_squeeze %dma_start3A_284 : memref<1x128x64xf32, #tpu.memory_space<vmem>> -> memref<128x64xf32, #tpu.memory_space<vmem>>
        %dma_start3A_286 = arith.constant 0 : i32
        %dma_start3A_287 = tpu.memref_slice %arg7[%add3A_280, %dma_start3A_286] : memref<160x128xi32, #tpu.memory_space<vmem>> -> memref<1x128xi32, #tpu.memory_space<vmem>>
        %dma_start3A_288 = tpu.memref_squeeze %dma_start3A_287 : memref<1x128xi32, #tpu.memory_space<vmem>> -> memref<128xi32, #tpu.memory_space<vmem>>
        %dma_start3A_289 = arith.constant 0 : i32
        %dma_start3A_290 = arith.constant 0 : i32
        %dma_start3A_291 = tpu.memref_slice %arg2[%arg0, %dma_start3A_289, %dma_start3A_290] : memref<2x10240x64xf32, #tpu.memory_space<hbm>> -> memref<1x10240x64xf32, #tpu.memory_space<hbm>>
        %dma_start3A_292 = tpu.memref_squeeze %dma_start3A_291 : memref<1x10240x64xf32, #tpu.memory_space<hbm>> -> memref<10240x64xf32, #tpu.memory_space<hbm>>
        %dma_start3A_293 = arith.constant 0 : i32
        %dma_start3A_294 = arith.constant 0 : i32
        %dma_start3A_295 = tpu.memref_slice %dma_start3A_292[%dma_start3A_293, %dma_start3A_294] : memref<10240x64xf32, #tpu.memory_space<hbm>> -> memref<10240x64xf32, #tpu.memory_space<hbm>>
        tpu.enqueue_indirect_dma source(%dma_start3A_295 : memref<10240x64xf32, #tpu.memory_space<hbm>>) target(%dma_start3A_285 : memref<128x64xf32, #tpu.memory_space<vmem>>) offsets(%dma_start3A_288 : memref<128xi32, #tpu.memory_space<vmem>>) semaphore(%arg10 : memref<!tpu.dma_semaphore, #tpu.memory_space<semaphore_mem>>)
      } else {
      }
      %add3A_199 = arith.constant 3 : i32
      %add3A_200 = arith.addi %mul3A_83, %add3A_199 : i32
      %dma_wait3A_201 = arith.constant 3 : i32
      %dma_wait3A_202 = arith.constant 0 : i32
      %dma_wait3A_203 = arith.constant 0 : i32
      %dma_wait3A_204 = tpu.memref_slice %arg9[%dma_wait3A_201, %dma_wait3A_202, %dma_wait3A_203] : memref<5x128x64xf32, #tpu.memory_space<vmem>> -> memref<1x128x64xf32, #tpu.memory_space<vmem>>
      %dma_wait3A_205 = tpu.memref_squeeze %dma_wait3A_204 : memref<1x128x64xf32, #tpu.memory_space<vmem>> -> memref<128x64xf32, #tpu.memory_space<vmem>>
      %dma_wait3A_206 = arith.constant 0 : i32
      %dma_wait3A_207 = tpu.memref_slice %arg7[%add3A_200, %dma_wait3A_206] : memref<160x128xi32, #tpu.memory_space<vmem>> -> memref<1x128xi32, #tpu.memory_space<vmem>>
      %dma_wait3A_208 = tpu.memref_squeeze %dma_wait3A_207 : memref<1x128xi32, #tpu.memory_space<vmem>> -> memref<128xi32, #tpu.memory_space<vmem>>
      %dma_wait3A_209 = arith.constant 0 : i32
      %dma_wait3A_210 = arith.constant 0 : i32
      %dma_wait3A_211 = tpu.memref_slice %arg2[%arg0, %dma_wait3A_209, %dma_wait3A_210] : memref<2x10240x64xf32, #tpu.memory_space<hbm>> -> memref<1x10240x64xf32, #tpu.memory_space<hbm>>
      %dma_wait3A_212 = tpu.memref_squeeze %dma_wait3A_211 : memref<1x10240x64xf32, #tpu.memory_space<hbm>> -> memref<10240x64xf32, #tpu.memory_space<hbm>>
      %dma_wait3A_213 = arith.constant 0 : i32
      %dma_wait3A_214 = arith.constant 0 : i32
      %dma_wait3A_215 = tpu.memref_slice %dma_wait3A_212[%dma_wait3A_213, %dma_wait3A_214] : memref<10240x64xf32, #tpu.memory_space<hbm>> -> memref<10240x64xf32, #tpu.memory_space<hbm>>
      tpu.wait_indirect_dma semaphore(%arg10 : memref<!tpu.dma_semaphore, #tpu.memory_space<semaphore_mem>>) src(%dma_wait3A_215 : memref<10240x64xf32, #tpu.memory_space<hbm>>) dst(%dma_wait3A_205 : memref<128x64xf32, #tpu.memory_space<vmem>>)
      %dma_start3A_216 = arith.constant 3 : i32
      %dma_start3A_217 = arith.constant 0 : i32
      %dma_start3A_218 = arith.constant 0 : i32
      %dma_start3A_219 = tpu.memref_slice %arg9[%dma_start3A_216, %dma_start3A_217, %dma_start3A_218] : memref<5x128x64xf32, #tpu.memory_space<vmem>> -> memref<1x128x64xf32, #tpu.memory_space<vmem>>
      %dma_start3A_220 = tpu.memref_squeeze %dma_start3A_219 : memref<1x128x64xf32, #tpu.memory_space<vmem>> -> memref<128x64xf32, #tpu.memory_space<vmem>>
      %dma_start3A_221 = arith.constant 0 : i32
      %dma_start3A_222 = tpu.memref_slice %arg8[%add3A_200, %dma_start3A_221] : memref<160x128xi32, #tpu.memory_space<vmem>> -> memref<1x128xi32, #tpu.memory_space<vmem>>
      %dma_start3A_223 = tpu.memref_squeeze %dma_start3A_222 : memref<1x128xi32, #tpu.memory_space<vmem>> -> memref<128xi32, #tpu.memory_space<vmem>>
      %dma_start3A_224 = arith.constant 0 : i32
      %dma_start3A_225 = arith.constant 0 : i32
      %dma_start3A_226 = tpu.memref_slice %arg12[%dma_start3A_224, %dma_start3A_225] : memref<10240x64xf32, #tpu.memory_space<vmem_shared>> -> memref<10240x64xf32, #tpu.memory_space<vmem_shared>>
      tpu.enqueue_indirect_dma source(%dma_start3A_220 : memref<128x64xf32, #tpu.memory_space<vmem>>) target(%dma_start3A_226 : memref<10240x64xf32, #tpu.memory_space<vmem_shared>>) offsets(%dma_start3A_223 : memref<128xi32, #tpu.memory_space<vmem>>) semaphore(%arg11 : memref<!tpu.dma_semaphore, #tpu.memory_space<semaphore_mem>>) {add = true}
      %ge3A_227 = arith.constant 2 : i32
      %ge3A_228 = arith.cmpi sge, %add3A_200, %ge3A_227 : i32
      %convert_element_type3A_229 = arith.extui %ge3A_228 : i1 to i32
      %cond3A_230 = arith.constant 0 : i32
      %cond3A_231 = arith.cmpi ne, %convert_element_type3A_229, %cond3A_230 : i32
      scf.if %cond3A_231 {
        %sub3A = arith.constant 2 : i32
        %sub3A_279 = arith.subi %add3A_200, %sub3A : i32
        %dma_wait3A_280 = arith.constant 1 : i32
        %dma_wait3A_281 = arith.constant 0 : i32
        %dma_wait3A_282 = arith.constant 0 : i32
        %dma_wait3A_283 = tpu.memref_slice %arg9[%dma_wait3A_280, %dma_wait3A_281, %dma_wait3A_282] : memref<5x128x64xf32, #tpu.memory_space<vmem>> -> memref<1x128x64xf32, #tpu.memory_space<vmem>>
        %dma_wait3A_284 = tpu.memref_squeeze %dma_wait3A_283 : memref<1x128x64xf32, #tpu.memory_space<vmem>> -> memref<128x64xf32, #tpu.memory_space<vmem>>
        %dma_wait3A_285 = arith.constant 0 : i32
        %dma_wait3A_286 = tpu.memref_slice %arg8[%sub3A_279, %dma_wait3A_285] : memref<160x128xi32, #tpu.memory_space<vmem>> -> memref<1x128xi32, #tpu.memory_space<vmem>>
        %dma_wait3A_287 = tpu.memref_squeeze %dma_wait3A_286 : memref<1x128xi32, #tpu.memory_space<vmem>> -> memref<128xi32, #tpu.memory_space<vmem>>
        %dma_wait3A_288 = arith.constant 0 : i32
        %dma_wait3A_289 = arith.constant 0 : i32
        %dma_wait3A_290 = tpu.memref_slice %arg12[%dma_wait3A_288, %dma_wait3A_289] : memref<10240x64xf32, #tpu.memory_space<vmem_shared>> -> memref<10240x64xf32, #tpu.memory_space<vmem_shared>>
        tpu.wait_indirect_dma semaphore(%arg11 : memref<!tpu.dma_semaphore, #tpu.memory_space<semaphore_mem>>) src(%dma_wait3A_284 : memref<128x64xf32, #tpu.memory_space<vmem>>) dst(%dma_wait3A_290 : memref<10240x64xf32, #tpu.memory_space<vmem_shared>>)
      } else {
      }
      %add3A_232 = arith.constant 3 : i32
      %add3A_233 = arith.addi %add3A_200, %add3A_232 : i32
      %lt3A_234 = arith.constant 160 : i32
      %lt3A_235 = arith.cmpi slt, %add3A_233, %lt3A_234 : i32
      %convert_element_type3A_236 = arith.extui %lt3A_235 : i1 to i32
      %cond3A_237 = arith.constant 0 : i32
      %cond3A_238 = arith.cmpi ne, %convert_element_type3A_236, %cond3A_237 : i32
      scf.if %cond3A_238 {
        %add3A_279 = arith.constant 3 : i32
        %add3A_280 = arith.addi %add3A_200, %add3A_279 : i32
        %dma_start3A_281 = arith.constant 1 : i32
        %dma_start3A_282 = arith.constant 0 : i32
        %dma_start3A_283 = arith.constant 0 : i32
        %dma_start3A_284 = tpu.memref_slice %arg9[%dma_start3A_281, %dma_start3A_282, %dma_start3A_283] : memref<5x128x64xf32, #tpu.memory_space<vmem>> -> memref<1x128x64xf32, #tpu.memory_space<vmem>>
        %dma_start3A_285 = tpu.memref_squeeze %dma_start3A_284 : memref<1x128x64xf32, #tpu.memory_space<vmem>> -> memref<128x64xf32, #tpu.memory_space<vmem>>
        %dma_start3A_286 = arith.constant 0 : i32
        %dma_start3A_287 = tpu.memref_slice %arg7[%add3A_280, %dma_start3A_286] : memref<160x128xi32, #tpu.memory_space<vmem>> -> memref<1x128xi32, #tpu.memory_space<vmem>>
        %dma_start3A_288 = tpu.memref_squeeze %dma_start3A_287 : memref<1x128xi32, #tpu.memory_space<vmem>> -> memref<128xi32, #tpu.memory_space<vmem>>
        %dma_start3A_289 = arith.constant 0 : i32
        %dma_start3A_290 = arith.constant 0 : i32
        %dma_start3A_291 = tpu.memref_slice %arg2[%arg0, %dma_start3A_289, %dma_start3A_290] : memref<2x10240x64xf32, #tpu.memory_space<hbm>> -> memref<1x10240x64xf32, #tpu.memory_space<hbm>>
        %dma_start3A_292 = tpu.memref_squeeze %dma_start3A_291 : memref<1x10240x64xf32, #tpu.memory_space<hbm>> -> memref<10240x64xf32, #tpu.memory_space<hbm>>
        %dma_start3A_293 = arith.constant 0 : i32
        %dma_start3A_294 = arith.constant 0 : i32
        %dma_start3A_295 = tpu.memref_slice %dma_start3A_292[%dma_start3A_293, %dma_start3A_294] : memref<10240x64xf32, #tpu.memory_space<hbm>> -> memref<10240x64xf32, #tpu.memory_space<hbm>>
        tpu.enqueue_indirect_dma source(%dma_start3A_295 : memref<10240x64xf32, #tpu.memory_space<hbm>>) target(%dma_start3A_285 : memref<128x64xf32, #tpu.memory_space<vmem>>) offsets(%dma_start3A_288 : memref<128xi32, #tpu.memory_space<vmem>>) semaphore(%arg10 : memref<!tpu.dma_semaphore, #tpu.memory_space<semaphore_mem>>)
      } else {
      }
      %add3A_239 = arith.constant 4 : i32
      %add3A_240 = arith.addi %mul3A_83, %add3A_239 : i32
      %dma_wait3A_241 = arith.constant 4 : i32
      %dma_wait3A_242 = arith.constant 0 : i32
      %dma_wait3A_243 = arith.constant 0 : i32
      %dma_wait3A_244 = tpu.memref_slice %arg9[%dma_wait3A_241, %dma_wait3A_242, %dma_wait3A_243] : memref<5x128x64xf32, #tpu.memory_space<vmem>> -> memref<1x128x64xf32, #tpu.memory_space<vmem>>
      %dma_wait3A_245 = tpu.memref_squeeze %dma_wait3A_244 : memref<1x128x64xf32, #tpu.memory_space<vmem>> -> memref<128x64xf32, #tpu.memory_space<vmem>>
      %dma_wait3A_246 = arith.constant 0 : i32
      %dma_wait3A_247 = tpu.memref_slice %arg7[%add3A_240, %dma_wait3A_246] : memref<160x128xi32, #tpu.memory_space<vmem>> -> memref<1x128xi32, #tpu.memory_space<vmem>>
      %dma_wait3A_248 = tpu.memref_squeeze %dma_wait3A_247 : memref<1x128xi32, #tpu.memory_space<vmem>> -> memref<128xi32, #tpu.memory_space<vmem>>
      %dma_wait3A_249 = arith.constant 0 : i32
      %dma_wait3A_250 = arith.constant 0 : i32
      %dma_wait3A_251 = tpu.memref_slice %arg2[%arg0, %dma_wait3A_249, %dma_wait3A_250] : memref<2x10240x64xf32, #tpu.memory_space<hbm>> -> memref<1x10240x64xf32, #tpu.memory_space<hbm>>
      %dma_wait3A_252 = tpu.memref_squeeze %dma_wait3A_251 : memref<1x10240x64xf32, #tpu.memory_space<hbm>> -> memref<10240x64xf32, #tpu.memory_space<hbm>>
      %dma_wait3A_253 = arith.constant 0 : i32
      %dma_wait3A_254 = arith.constant 0 : i32
      %dma_wait3A_255 = tpu.memref_slice %dma_wait3A_252[%dma_wait3A_253, %dma_wait3A_254] : memref<10240x64xf32, #tpu.memory_space<hbm>> -> memref<10240x64xf32, #tpu.memory_space<hbm>>
      tpu.wait_indirect_dma semaphore(%arg10 : memref<!tpu.dma_semaphore, #tpu.memory_space<semaphore_mem>>) src(%dma_wait3A_255 : memref<10240x64xf32, #tpu.memory_space<hbm>>) dst(%dma_wait3A_245 : memref<128x64xf32, #tpu.memory_space<vmem>>)
      %dma_start3A_256 = arith.constant 4 : i32
      %dma_start3A_257 = arith.constant 0 : i32
      %dma_start3A_258 = arith.constant 0 : i32
      %dma_start3A_259 = tpu.memref_slice %arg9[%dma_start3A_256, %dma_start3A_257, %dma_start3A_258] : memref<5x128x64xf32, #tpu.memory_space<vmem>> -> memref<1x128x64xf32, #tpu.memory_space<vmem>>
      %dma_start3A_260 = tpu.memref_squeeze %dma_start3A_259 : memref<1x128x64xf32, #tpu.memory_space<vmem>> -> memref<128x64xf32, #tpu.memory_space<vmem>>
      %dma_start3A_261 = arith.constant 0 : i32
      %dma_start3A_262 = tpu.memref_slice %arg8[%add3A_240, %dma_start3A_261] : memref<160x128xi32, #tpu.memory_space<vmem>> -> memref<1x128xi32, #tpu.memory_space<vmem>>
      %dma_start3A_263 = tpu.memref_squeeze %dma_start3A_262 : memref<1x128xi32, #tpu.memory_space<vmem>> -> memref<128xi32, #tpu.memory_space<vmem>>
      %dma_start3A_264 = arith.constant 0 : i32
      %dma_start3A_265 = arith.constant 0 : i32
      %dma_start3A_266 = tpu.memref_slice %arg12[%dma_start3A_264, %dma_start3A_265] : memref<10240x64xf32, #tpu.memory_space<vmem_shared>> -> memref<10240x64xf32, #tpu.memory_space<vmem_shared>>
      tpu.enqueue_indirect_dma source(%dma_start3A_260 : memref<128x64xf32, #tpu.memory_space<vmem>>) target(%dma_start3A_266 : memref<10240x64xf32, #tpu.memory_space<vmem_shared>>) offsets(%dma_start3A_263 : memref<128xi32, #tpu.memory_space<vmem>>) semaphore(%arg11 : memref<!tpu.dma_semaphore, #tpu.memory_space<semaphore_mem>>) {add = true}
      %ge3A_267 = arith.constant 2 : i32
      %ge3A_268 = arith.cmpi sge, %add3A_240, %ge3A_267 : i32
      %convert_element_type3A_269 = arith.extui %ge3A_268 : i1 to i32
      %cond3A_270 = arith.constant 0 : i32
      %cond3A_271 = arith.cmpi ne, %convert_element_type3A_269, %cond3A_270 : i32
      scf.if %cond3A_271 {
        %sub3A = arith.constant 2 : i32
        %sub3A_279 = arith.subi %add3A_240, %sub3A : i32
        %dma_wait3A_280 = arith.constant 2 : i32
        %dma_wait3A_281 = arith.constant 0 : i32
        %dma_wait3A_282 = arith.constant 0 : i32
        %dma_wait3A_283 = tpu.memref_slice %arg9[%dma_wait3A_280, %dma_wait3A_281, %dma_wait3A_282] : memref<5x128x64xf32, #tpu.memory_space<vmem>> -> memref<1x128x64xf32, #tpu.memory_space<vmem>>
        %dma_wait3A_284 = tpu.memref_squeeze %dma_wait3A_283 : memref<1x128x64xf32, #tpu.memory_space<vmem>> -> memref<128x64xf32, #tpu.memory_space<vmem>>
        %dma_wait3A_285 = arith.constant 0 : i32
        %dma_wait3A_286 = tpu.memref_slice %arg8[%sub3A_279, %dma_wait3A_285] : memref<160x128xi32, #tpu.memory_space<vmem>> -> memref<1x128xi32, #tpu.memory_space<vmem>>
        %dma_wait3A_287 = tpu.memref_squeeze %dma_wait3A_286 : memref<1x128xi32, #tpu.memory_space<vmem>> -> memref<128xi32, #tpu.memory_space<vmem>>
        %dma_wait3A_288 = arith.constant 0 : i32
        %dma_wait3A_289 = arith.constant 0 : i32
        %dma_wait3A_290 = tpu.memref_slice %arg12[%dma_wait3A_288, %dma_wait3A_289] : memref<10240x64xf32, #tpu.memory_space<vmem_shared>> -> memref<10240x64xf32, #tpu.memory_space<vmem_shared>>
        tpu.wait_indirect_dma semaphore(%arg11 : memref<!tpu.dma_semaphore, #tpu.memory_space<semaphore_mem>>) src(%dma_wait3A_284 : memref<128x64xf32, #tpu.memory_space<vmem>>) dst(%dma_wait3A_290 : memref<10240x64xf32, #tpu.memory_space<vmem_shared>>)
      } else {
      }
      %add3A_272 = arith.constant 3 : i32
      %add3A_273 = arith.addi %add3A_240, %add3A_272 : i32
      %lt3A_274 = arith.constant 160 : i32
      %lt3A_275 = arith.cmpi slt, %add3A_273, %lt3A_274 : i32
      %convert_element_type3A_276 = arith.extui %lt3A_275 : i1 to i32
      %cond3A_277 = arith.constant 0 : i32
      %cond3A_278 = arith.cmpi ne, %convert_element_type3A_276, %cond3A_277 : i32
      scf.if %cond3A_278 {
        %add3A_279 = arith.constant 3 : i32
        %add3A_280 = arith.addi %add3A_240, %add3A_279 : i32
        %dma_start3A_281 = arith.constant 2 : i32
        %dma_start3A_282 = arith.constant 0 : i32
        %dma_start3A_283 = arith.constant 0 : i32
        %dma_start3A_284 = tpu.memref_slice %arg9[%dma_start3A_281, %dma_start3A_282, %dma_start3A_283] : memref<5x128x64xf32, #tpu.memory_space<vmem>> -> memref<1x128x64xf32, #tpu.memory_space<vmem>>
        %dma_start3A_285 = tpu.memref_squeeze %dma_start3A_284 : memref<1x128x64xf32, #tpu.memory_space<vmem>> -> memref<128x64xf32, #tpu.memory_space<vmem>>
        %dma_start3A_286 = arith.constant 0 : i32
        %dma_start3A_287 = tpu.memref_slice %arg7[%add3A_280, %dma_start3A_286] : memref<160x128xi32, #tpu.memory_space<vmem>> -> memref<1x128xi32, #tpu.memory_space<vmem>>
        %dma_start3A_288 = tpu.memref_squeeze %dma_start3A_287 : memref<1x128xi32, #tpu.memory_space<vmem>> -> memref<128xi32, #tpu.memory_space<vmem>>
        %dma_start3A_289 = arith.constant 0 : i32
        %dma_start3A_290 = arith.constant 0 : i32
        %dma_start3A_291 = tpu.memref_slice %arg2[%arg0, %dma_start3A_289, %dma_start3A_290] : memref<2x10240x64xf32, #tpu.memory_space<hbm>> -> memref<1x10240x64xf32, #tpu.memory_space<hbm>>
        %dma_start3A_292 = tpu.memref_squeeze %dma_start3A_291 : memref<1x10240x64xf32, #tpu.memory_space<hbm>> -> memref<10240x64xf32, #tpu.memory_space<hbm>>
        %dma_start3A_293 = arith.constant 0 : i32
        %dma_start3A_294 = arith.constant 0 : i32
        %dma_start3A_295 = tpu.memref_slice %dma_start3A_292[%dma_start3A_293, %dma_start3A_294] : memref<10240x64xf32, #tpu.memory_space<hbm>> -> memref<10240x64xf32, #tpu.memory_space<hbm>>
        tpu.enqueue_indirect_dma source(%dma_start3A_295 : memref<10240x64xf32, #tpu.memory_space<hbm>>) target(%dma_start3A_285 : memref<128x64xf32, #tpu.memory_space<vmem>>) offsets(%dma_start3A_288 : memref<128xi32, #tpu.memory_space<vmem>>) semaphore(%arg10 : memref<!tpu.dma_semaphore, #tpu.memory_space<semaphore_mem>>)
      } else {
      }
    }
    %scan3A_56 = arith.constant 32 : i32
    %dma_wait3A = arith.constant 3 : i32
    %dma_wait3A_57 = arith.constant 158 : i32
    %dma_wait3A_58 = arith.constant 0 : i32
    %dma_wait3A_59 = arith.constant 0 : i32
    %dma_wait3A_60 = tpu.memref_slice %arg9[%dma_wait3A, %dma_wait3A_58, %dma_wait3A_59] : memref<5x128x64xf32, #tpu.memory_space<vmem>> -> memref<1x128x64xf32, #tpu.memory_space<vmem>>
    %dma_wait3A_61 = tpu.memref_squeeze %dma_wait3A_60 : memref<1x128x64xf32, #tpu.memory_space<vmem>> -> memref<128x64xf32, #tpu.memory_space<vmem>>
    %dma_wait3A_62 = arith.constant 0 : i32
    %dma_wait3A_63 = tpu.memref_slice %arg8[%dma_wait3A_57, %dma_wait3A_62] : memref<160x128xi32, #tpu.memory_space<vmem>> -> memref<1x128xi32, #tpu.memory_space<vmem>>
    %dma_wait3A_64 = tpu.memref_squeeze %dma_wait3A_63 : memref<1x128xi32, #tpu.memory_space<vmem>> -> memref<128xi32, #tpu.memory_space<vmem>>
    %dma_wait3A_65 = arith.constant 0 : i32
    %dma_wait3A_66 = arith.constant 0 : i32
    %dma_wait3A_67 = tpu.memref_slice %arg12[%dma_wait3A_65, %dma_wait3A_66] : memref<10240x64xf32, #tpu.memory_space<vmem_shared>> -> memref<10240x64xf32, #tpu.memory_space<vmem_shared>>
    tpu.wait_indirect_dma semaphore(%arg11 : memref<!tpu.dma_semaphore, #tpu.memory_space<semaphore_mem>>) src(%dma_wait3A_61 : memref<128x64xf32, #tpu.memory_space<vmem>>) dst(%dma_wait3A_67 : memref<10240x64xf32, #tpu.memory_space<vmem_shared>>)
    %dma_wait3A_68 = arith.constant 4 : i32
    %dma_wait3A_69 = arith.constant 159 : i32
    %dma_wait3A_70 = arith.constant 0 : i32
    %dma_wait3A_71 = arith.constant 0 : i32
    %dma_wait3A_72 = tpu.memref_slice %arg9[%dma_wait3A_68, %dma_wait3A_70, %dma_wait3A_71] : memref<5x128x64xf32, #tpu.memory_space<vmem>> -> memref<1x128x64xf32, #tpu.memory_space<vmem>>
    %dma_wait3A_73 = tpu.memref_squeeze %dma_wait3A_72 : memref<1x128x64xf32, #tpu.memory_space<vmem>> -> memref<128x64xf32, #tpu.memory_space<vmem>>
    %dma_wait3A_74 = arith.constant 0 : i32
    %dma_wait3A_75 = tpu.memref_slice %arg8[%dma_wait3A_69, %dma_wait3A_74] : memref<160x128xi32, #tpu.memory_space<vmem>> -> memref<1x128xi32, #tpu.memory_space<vmem>>
    %dma_wait3A_76 = tpu.memref_squeeze %dma_wait3A_75 : memref<1x128xi32, #tpu.memory_space<vmem>> -> memref<128xi32, #tpu.memory_space<vmem>>
    %dma_wait3A_77 = arith.constant 0 : i32
    %dma_wait3A_78 = arith.constant 0 : i32
    %dma_wait3A_79 = tpu.memref_slice %arg12[%dma_wait3A_77, %dma_wait3A_78] : memref<10240x64xf32, #tpu.memory_space<vmem_shared>> -> memref<10240x64xf32, #tpu.memory_space<vmem_shared>>
    tpu.wait_indirect_dma semaphore(%arg11 : memref<!tpu.dma_semaphore, #tpu.memory_space<semaphore_mem>>) src(%dma_wait3A_73 : memref<128x64xf32, #tpu.memory_space<vmem>>) dst(%dma_wait3A_79 : memref<10240x64xf32, #tpu.memory_space<vmem_shared>>)
    %barrier3A_80 = arith.constant 0 : index
    tpu.barrier barrier_id(%barrier3A_80)
    "tpu.region"() ({
      %run_scoped3A = tpu.sem_alloc : memref<!tpu.dma_semaphore, #tpu.memory_space<semaphore_mem>>
      %dma_start3A_81 = arith.constant 0 : i32
      %dma_start3A_82 = tpu.memref_slice %arg6[%arg0, %mul3A_4, %dma_start3A_81] : memref<2x10240x64xf32, #tpu.memory_space<hbm>> -> memref<1x640x64xf32, #tpu.memory_space<hbm>>
      %dma_start3A_83 = tpu.memref_squeeze %dma_start3A_82 : memref<1x640x64xf32, #tpu.memory_space<hbm>> -> memref<640x64xf32, #tpu.memory_space<hbm>>
      %dma_start3A_84 = arith.constant 0 : i32
      %dma_start3A_85 = tpu.memref_slice %arg12[%mul3A_4, %dma_start3A_84] : memref<10240x64xf32, #tpu.memory_space<vmem_shared>> -> memref<640x64xf32, #tpu.memory_space<vmem_shared>>
      tpu.enqueue_dma source(%dma_start3A_85 : memref<640x64xf32, #tpu.memory_space<vmem_shared>>) target(%dma_start3A_83 : memref<640x64xf32, #tpu.memory_space<hbm>>) target_semaphore(%run_scoped3A : memref<!tpu.dma_semaphore, #tpu.memory_space<semaphore_mem>>)
      %dma_wait3A_86 = arith.constant 0 : i32
      %dma_wait3A_87 = tpu.memref_slice %arg6[%arg0, %mul3A_4, %dma_wait3A_86] : memref<2x10240x64xf32, #tpu.memory_space<hbm>> -> memref<1x640x64xf32, #tpu.memory_space<hbm>>
      %dma_wait3A_88 = tpu.memref_squeeze %dma_wait3A_87 : memref<1x640x64xf32, #tpu.memory_space<hbm>> -> memref<640x64xf32, #tpu.memory_space<hbm>>
      %dma_wait3A_89 = arith.constant 0 : i32
      %dma_wait3A_90 = tpu.memref_slice %arg12[%mul3A_4, %dma_wait3A_89] : memref<10240x64xf32, #tpu.memory_space<vmem_shared>> -> memref<640x64xf32, #tpu.memory_space<vmem_shared>>
      tpu.wait_dma2 semaphore(%run_scoped3A : memref<!tpu.dma_semaphore, #tpu.memory_space<semaphore_mem>>) src(%dma_wait3A_90 : memref<640x64xf32, #tpu.memory_space<vmem_shared>>) dst(%dma_wait3A_88 : memref<640x64xf32, #tpu.memory_space<hbm>>)
      tpu.yield
    }) : () -> ()
    return
  }
}

#map = affine_map<(d0, d1) -> (0, 0, 0)>
#map1 = affine_map<(d0, d1) -> (0, 0)>
module attributes {stable_mosaic.version = 14 : i64} {
  func.func @_agg_body(%arg0: i32, %arg1: i32, %arg2: memref<2x10240x64xf32, #tpu.memory_space<hbm>>, %arg3: memref<2560x128xi32, #tpu.memory_space<hbm>>, %arg4: memref<2560x128xi32, #tpu.memory_space<hbm>>, %arg5: memref<10240x64xf32, #tpu.memory_space<hbm>>, %arg6: memref<2x10240x64xf32, #tpu.memory_space<hbm>>, %arg7: memref<160x128xi32, #tpu.memory_space<vmem>>, %arg8: memref<160x128xi32, #tpu.memory_space<vmem>>, %arg9: memref<5x128x64xf32, #tpu.memory_space<vmem>>, %arg10: memref<!tpu.dma_semaphore, #tpu.memory_space<semaphore_mem>>, %arg11: memref<!tpu.dma_semaphore, #tpu.memory_space<semaphore_mem>>, %arg12: memref<10240x64xf32, #tpu.memory_space<vmem_shared>>) attributes {dimension_semantics = [#tpu.dimension_semantics<core_parallel>, #tpu.dimension_semantics<subcore_parallel>], iteration_bounds = array<i64: 2, 16>, scalar_prefetch = 0 : i64, scratch_operands = 6 : i64, tpu.core_type = #tpu.core_type<sc_vector_subcore>, window_params = [{transform_indices = #map}, {transform_indices = #map1}, {transform_indices = #map1}, {transform_indices = #map1}, {transform_indices = #map}]} {
    %mul3A = arith.constant 160 : i32
    %mul3A_0 = arith.muli %arg1, %mul3A : i32
    "tpu.region"() ({
      %run_scoped3A = tpu.sem_alloc : memref<!tpu.dma_semaphore, #tpu.memory_space<semaphore_mem>>
      %dma_start3A_81 = arith.constant 0 : i32
      %dma_start3A_82 = tpu.memref_slice %arg3[%mul3A_0, %dma_start3A_81] : memref<2560x128xi32, #tpu.memory_space<hbm>> -> memref<160x128xi32, #tpu.memory_space<hbm>>
      %dma_start3A_83 = arith.constant 0 : i32
      %dma_start3A_84 = tpu.memref_slice %arg3[%mul3A_0, %dma_start3A_83] : memref<2560x128xi32, #tpu.memory_space<hbm>> -> memref<160x128xi32, #tpu.memory_space<hbm>>
      tpu.enqueue_dma source(%dma_start3A_84 : memref<160x128xi32, #tpu.memory_space<hbm>>) target(%arg7 : memref<160x128xi32, #tpu.memory_space<vmem>>) target_semaphore(%run_scoped3A : memref<!tpu.dma_semaphore, #tpu.memory_space<semaphore_mem>>)
      %dma_wait3A_85 = arith.constant 0 : i32
      %dma_wait3A_86 = tpu.memref_slice %arg3[%mul3A_0, %dma_wait3A_85] : memref<2560x128xi32, #tpu.memory_space<hbm>> -> memref<160x128xi32, #tpu.memory_space<hbm>>
      %dma_wait3A_87 = arith.constant 0 : i32
      %dma_wait3A_88 = tpu.memref_slice %arg3[%mul3A_0, %dma_wait3A_87] : memref<2560x128xi32, #tpu.memory_space<hbm>> -> memref<160x128xi32, #tpu.memory_space<hbm>>
      tpu.wait_dma2 semaphore(%run_scoped3A : memref<!tpu.dma_semaphore, #tpu.memory_space<semaphore_mem>>) src(%dma_wait3A_88 : memref<160x128xi32, #tpu.memory_space<hbm>>) dst(%arg7 : memref<160x128xi32, #tpu.memory_space<vmem>>)
      tpu.yield
    }) : () -> ()
    %mul3A_1 = arith.constant 160 : i32
    %mul3A_2 = arith.muli %arg1, %mul3A_1 : i32
    "tpu.region"() ({
      %run_scoped3A = tpu.sem_alloc : memref<!tpu.dma_semaphore, #tpu.memory_space<semaphore_mem>>
      %dma_start3A_81 = arith.constant 0 : i32
      %dma_start3A_82 = tpu.memref_slice %arg4[%mul3A_2, %dma_start3A_81] : memref<2560x128xi32, #tpu.memory_space<hbm>> -> memref<160x128xi32, #tpu.memory_space<hbm>>
      %dma_start3A_83 = arith.constant 0 : i32
      %dma_start3A_84 = tpu.memref_slice %arg4[%mul3A_2, %dma_start3A_83] : memref<2560x128xi32, #tpu.memory_space<hbm>> -> memref<160x128xi32, #tpu.memory_space<hbm>>
      tpu.enqueue_dma source(%dma_start3A_84 : memref<160x128xi32, #tpu.memory_space<hbm>>) target(%arg8 : memref<160x128xi32, #tpu.memory_space<vmem>>) target_semaphore(%run_scoped3A : memref<!tpu.dma_semaphore, #tpu.memory_space<semaphore_mem>>)
      %dma_wait3A_85 = arith.constant 0 : i32
      %dma_wait3A_86 = tpu.memref_slice %arg4[%mul3A_2, %dma_wait3A_85] : memref<2560x128xi32, #tpu.memory_space<hbm>> -> memref<160x128xi32, #tpu.memory_space<hbm>>
      %dma_wait3A_87 = arith.constant 0 : i32
      %dma_wait3A_88 = tpu.memref_slice %arg4[%mul3A_2, %dma_wait3A_87] : memref<2560x128xi32, #tpu.memory_space<hbm>> -> memref<160x128xi32, #tpu.memory_space<hbm>>
      tpu.wait_dma2 semaphore(%run_scoped3A : memref<!tpu.dma_semaphore, #tpu.memory_space<semaphore_mem>>) src(%dma_wait3A_88 : memref<160x128xi32, #tpu.memory_space<hbm>>) dst(%arg8 : memref<160x128xi32, #tpu.memory_space<vmem>>)
      tpu.yield
    }) : () -> ()
    %mul3A_3 = arith.constant 640 : i32
    %mul3A_4 = arith.muli %arg1, %mul3A_3 : i32
    "tpu.region"() ({
      %run_scoped3A = tpu.sem_alloc : memref<!tpu.dma_semaphore, #tpu.memory_space<semaphore_mem>>
      %dma_start3A_81 = arith.constant 0 : i32
      %dma_start3A_82 = tpu.memref_slice %arg12[%mul3A_4, %dma_start3A_81] : memref<10240x64xf32, #tpu.memory_space<vmem_shared>> -> memref<640x64xf32, #tpu.memory_space<vmem_shared>>
      %dma_start3A_83 = arith.constant 0 : i32
      %dma_start3A_84 = tpu.memref_slice %arg5[%mul3A_4, %dma_start3A_83] : memref<10240x64xf32, #tpu.memory_space<hbm>> -> memref<640x64xf32, #tpu.memory_space<hbm>>
      tpu.enqueue_dma source(%dma_start3A_84 : memref<640x64xf32, #tpu.memory_space<hbm>>) target(%dma_start3A_82 : memref<640x64xf32, #tpu.memory_space<vmem_shared>>) target_semaphore(%run_scoped3A : memref<!tpu.dma_semaphore, #tpu.memory_space<semaphore_mem>>)
      %dma_wait3A_85 = arith.constant 0 : i32
      %dma_wait3A_86 = tpu.memref_slice %arg12[%mul3A_4, %dma_wait3A_85] : memref<10240x64xf32, #tpu.memory_space<vmem_shared>> -> memref<640x64xf32, #tpu.memory_space<vmem_shared>>
      %dma_wait3A_87 = arith.constant 0 : i32
      %dma_wait3A_88 = tpu.memref_slice %arg5[%mul3A_4, %dma_wait3A_87] : memref<10240x64xf32, #tpu.memory_space<hbm>> -> memref<640x64xf32, #tpu.memory_space<hbm>>
      tpu.wait_dma2 semaphore(%run_scoped3A : memref<!tpu.dma_semaphore, #tpu.memory_space<semaphore_mem>>) src(%dma_wait3A_88 : memref<640x64xf32, #tpu.memory_space<hbm>>) dst(%dma_wait3A_86 : memref<640x64xf32, #tpu.memory_space<vmem_shared>>)
      tpu.yield
    }) : () -> ()
    %barrier3A = arith.constant 0 : index
    tpu.barrier barrier_id(%barrier3A)
    %dma_start3A = arith.constant 0 : i32
    %dma_start3A_5 = arith.constant 0 : i32
    %dma_start3A_6 = arith.constant 0 : i32
    %dma_start3A_7 = arith.constant 0 : i32
    %dma_start3A_8 = tpu.memref_slice %arg9[%dma_start3A_5, %dma_start3A_6, %dma_start3A_7] : memref<5x128x64xf32, #tpu.memory_space<vmem>> -> memref<1x128x64xf32, #tpu.memory_space<vmem>>
    %dma_start3A_9 = tpu.memref_squeeze %dma_start3A_8 : memref<1x128x64xf32, #tpu.memory_space<vmem>> -> memref<128x64xf32, #tpu.memory_space<vmem>>
    %dma_start3A_10 = arith.constant 0 : i32
    %dma_start3A_11 = tpu.memref_slice %arg7[%dma_start3A, %dma_start3A_10] : memref<160x128xi32, #tpu.memory_space<vmem>> -> memref<1x128xi32, #tpu.memory_space<vmem>>
    %dma_start3A_12 = tpu.memref_squeeze %dma_start3A_11 : memref<1x128xi32, #tpu.memory_space<vmem>> -> memref<128xi32, #tpu.memory_space<vmem>>
    %dma_start3A_13 = arith.constant 0 : i32
    %dma_start3A_14 = arith.constant 0 : i32
    %dma_start3A_15 = tpu.memref_slice %arg2[%arg0, %dma_start3A_13, %dma_start3A_14] : memref<2x10240x64xf32, #tpu.memory_space<hbm>> -> memref<1x10240x64xf32, #tpu.memory_space<hbm>>
    %dma_start3A_16 = tpu.memref_squeeze %dma_start3A_15 : memref<1x10240x64xf32, #tpu.memory_space<hbm>> -> memref<10240x64xf32, #tpu.memory_space<hbm>>
    %dma_start3A_17 = arith.constant 0 : i32
    %dma_start3A_18 = arith.constant 0 : i32
    %dma_start3A_19 = tpu.memref_slice %dma_start3A_16[%dma_start3A_17, %dma_start3A_18] : memref<10240x64xf32, #tpu.memory_space<hbm>> -> memref<10240x64xf32, #tpu.memory_space<hbm>>
    tpu.enqueue_indirect_dma source(%dma_start3A_19 : memref<10240x64xf32, #tpu.memory_space<hbm>>) target(%dma_start3A_9 : memref<128x64xf32, #tpu.memory_space<vmem>>) offsets(%dma_start3A_12 : memref<128xi32, #tpu.memory_space<vmem>>) semaphore(%arg10 : memref<!tpu.dma_semaphore, #tpu.memory_space<semaphore_mem>>)
    %dma_start3A_20 = arith.constant 1 : i32
    %dma_start3A_21 = arith.constant 1 : i32
    %dma_start3A_22 = arith.constant 0 : i32
    %dma_start3A_23 = arith.constant 0 : i32
    %dma_start3A_24 = tpu.memref_slice %arg9[%dma_start3A_21, %dma_start3A_22, %dma_start3A_23] : memref<5x128x64xf32, #tpu.memory_space<vmem>> -> memref<1x128x64xf32, #tpu.memory_space<vmem>>
    %dma_start3A_25 = tpu.memref_squeeze %dma_start3A_24 : memref<1x128x64xf32, #tpu.memory_space<vmem>> -> memref<128x64xf32, #tpu.memory_space<vmem>>
    %dma_start3A_26 = arith.constant 0 : i32
    %dma_start3A_27 = tpu.memref_slice %arg7[%dma_start3A_20, %dma_start3A_26] : memref<160x128xi32, #tpu.memory_space<vmem>> -> memref<1x128xi32, #tpu.memory_space<vmem>>
    %dma_start3A_28 = tpu.memref_squeeze %dma_start3A_27 : memref<1x128xi32, #tpu.memory_space<vmem>> -> memref<128xi32, #tpu.memory_space<vmem>>
    %dma_start3A_29 = arith.constant 0 : i32
    %dma_start3A_30 = arith.constant 0 : i32
    %dma_start3A_31 = tpu.memref_slice %arg2[%arg0, %dma_start3A_29, %dma_start3A_30] : memref<2x10240x64xf32, #tpu.memory_space<hbm>> -> memref<1x10240x64xf32, #tpu.memory_space<hbm>>
    %dma_start3A_32 = tpu.memref_squeeze %dma_start3A_31 : memref<1x10240x64xf32, #tpu.memory_space<hbm>> -> memref<10240x64xf32, #tpu.memory_space<hbm>>
    %dma_start3A_33 = arith.constant 0 : i32
    %dma_start3A_34 = arith.constant 0 : i32
    %dma_start3A_35 = tpu.memref_slice %dma_start3A_32[%dma_start3A_33, %dma_start3A_34] : memref<10240x64xf32, #tpu.memory_space<hbm>> -> memref<10240x64xf32, #tpu.memory_space<hbm>>
    tpu.enqueue_indirect_dma source(%dma_start3A_35 : memref<10240x64xf32, #tpu.memory_space<hbm>>) target(%dma_start3A_25 : memref<128x64xf32, #tpu.memory_space<vmem>>) offsets(%dma_start3A_28 : memref<128xi32, #tpu.memory_space<vmem>>) semaphore(%arg10 : memref<!tpu.dma_semaphore, #tpu.memory_space<semaphore_mem>>)
    %dma_start3A_36 = arith.constant 2 : i32
    %dma_start3A_37 = arith.constant 2 : i32
    %dma_start3A_38 = arith.constant 0 : i32
    %dma_start3A_39 = arith.constant 0 : i32
    %dma_start3A_40 = tpu.memref_slice %arg9[%dma_start3A_37, %dma_start3A_38, %dma_start3A_39] : memref<5x128x64xf32, #tpu.memory_space<vmem>> -> memref<1x128x64xf32, #tpu.memory_space<vmem>>
    %dma_start3A_41 = tpu.memref_squeeze %dma_start3A_40 : memref<1x128x64xf32, #tpu.memory_space<vmem>> -> memref<128x64xf32, #tpu.memory_space<vmem>>
    %dma_start3A_42 = arith.constant 0 : i32
    %dma_start3A_43 = tpu.memref_slice %arg7[%dma_start3A_36, %dma_start3A_42] : memref<160x128xi32, #tpu.memory_space<vmem>> -> memref<1x128xi32, #tpu.memory_space<vmem>>
    %dma_start3A_44 = tpu.memref_squeeze %dma_start3A_43 : memref<1x128xi32, #tpu.memory_space<vmem>> -> memref<128xi32, #tpu.memory_space<vmem>>
    %dma_start3A_45 = arith.constant 0 : i32
    %dma_start3A_46 = arith.constant 0 : i32
    %dma_start3A_47 = tpu.memref_slice %arg2[%arg0, %dma_start3A_45, %dma_start3A_46] : memref<2x10240x64xf32, #tpu.memory_space<hbm>> -> memref<1x10240x64xf32, #tpu.memory_space<hbm>>
    %dma_start3A_48 = tpu.memref_squeeze %dma_start3A_47 : memref<1x10240x64xf32, #tpu.memory_space<hbm>> -> memref<10240x64xf32, #tpu.memory_space<hbm>>
    %dma_start3A_49 = arith.constant 0 : i32
    %dma_start3A_50 = arith.constant 0 : i32
    %dma_start3A_51 = tpu.memref_slice %dma_start3A_48[%dma_start3A_49, %dma_start3A_50] : memref<10240x64xf32, #tpu.memory_space<hbm>> -> memref<10240x64xf32, #tpu.memory_space<hbm>>
    tpu.enqueue_indirect_dma source(%dma_start3A_51 : memref<10240x64xf32, #tpu.memory_space<hbm>>) target(%dma_start3A_41 : memref<128x64xf32, #tpu.memory_space<vmem>>) offsets(%dma_start3A_44 : memref<128xi32, #tpu.memory_space<vmem>>) semaphore(%arg10 : memref<!tpu.dma_semaphore, #tpu.memory_space<semaphore_mem>>)
    %scan3A = arith.constant 0 : i32
    %scan3A_52 = arith.constant 0 : i32
    %scan3A_53 = arith.constant 32 : i32
    %scan3A_54 = arith.addi %scan3A_52, %scan3A_53 : i32
    %scan3A_55 = arith.constant 1 : i32
    scf.for %scan3A_81 = %scan3A_52 to %scan3A_54 step %scan3A_55  : i32 {
      %mul3A_82 = arith.constant 5 : i32
      %mul3A_83 = arith.muli %mul3A_82, %scan3A_81 : i32
      %add3A = arith.constant 0 : i32
      %add3A_84 = arith.addi %mul3A_83, %add3A : i32
      %dma_wait3A_85 = arith.constant 0 : i32
      %dma_wait3A_86 = arith.constant 0 : i32
      %dma_wait3A_87 = arith.constant 0 : i32
      %dma_wait3A_88 = tpu.memref_slice %arg9[%dma_wait3A_85, %dma_wait3A_86, %dma_wait3A_87] : memref<5x128x64xf32, #tpu.memory_space<vmem>> -> memref<1x128x64xf32, #tpu.memory_space<vmem>>
      %dma_wait3A_89 = tpu.memref_squeeze %dma_wait3A_88 : memref<1x128x64xf32, #tpu.memory_space<vmem>> -> memref<128x64xf32, #tpu.memory_space<vmem>>
      %dma_wait3A_90 = arith.constant 0 : i32
      %dma_wait3A_91 = tpu.memref_slice %arg7[%add3A_84, %dma_wait3A_90] : memref<160x128xi32, #tpu.memory_space<vmem>> -> memref<1x128xi32, #tpu.memory_space<vmem>>
      %dma_wait3A_92 = tpu.memref_squeeze %dma_wait3A_91 : memref<1x128xi32, #tpu.memory_space<vmem>> -> memref<128xi32, #tpu.memory_space<vmem>>
      %dma_wait3A_93 = arith.constant 0 : i32
      %dma_wait3A_94 = arith.constant 0 : i32
      %dma_wait3A_95 = tpu.memref_slice %arg2[%arg0, %dma_wait3A_93, %dma_wait3A_94] : memref<2x10240x64xf32, #tpu.memory_space<hbm>> -> memref<1x10240x64xf32, #tpu.memory_space<hbm>>
      %dma_wait3A_96 = tpu.memref_squeeze %dma_wait3A_95 : memref<1x10240x64xf32, #tpu.memory_space<hbm>> -> memref<10240x64xf32, #tpu.memory_space<hbm>>
      %dma_wait3A_97 = arith.constant 0 : i32
      %dma_wait3A_98 = arith.constant 0 : i32
      %dma_wait3A_99 = tpu.memref_slice %dma_wait3A_96[%dma_wait3A_97, %dma_wait3A_98] : memref<10240x64xf32, #tpu.memory_space<hbm>> -> memref<10240x64xf32, #tpu.memory_space<hbm>>
      tpu.wait_indirect_dma semaphore(%arg10 : memref<!tpu.dma_semaphore, #tpu.memory_space<semaphore_mem>>) src(%dma_wait3A_99 : memref<10240x64xf32, #tpu.memory_space<hbm>>) dst(%dma_wait3A_89 : memref<128x64xf32, #tpu.memory_space<vmem>>)
      %dma_start3A_100 = arith.constant 0 : i32
      %dma_start3A_101 = arith.constant 0 : i32
      %dma_start3A_102 = arith.constant 0 : i32
      %dma_start3A_103 = tpu.memref_slice %arg9[%dma_start3A_100, %dma_start3A_101, %dma_start3A_102] : memref<5x128x64xf32, #tpu.memory_space<vmem>> -> memref<1x128x64xf32, #tpu.memory_space<vmem>>
      %dma_start3A_104 = tpu.memref_squeeze %dma_start3A_103 : memref<1x128x64xf32, #tpu.memory_space<vmem>> -> memref<128x64xf32, #tpu.memory_space<vmem>>
      %dma_start3A_105 = arith.constant 0 : i32
      %dma_start3A_106 = tpu.memref_slice %arg8[%add3A_84, %dma_start3A_105] : memref<160x128xi32, #tpu.memory_space<vmem>> -> memref<1x128xi32, #tpu.memory_space<vmem>>
      %dma_start3A_107 = tpu.memref_squeeze %dma_start3A_106 : memref<1x128xi32, #tpu.memory_space<vmem>> -> memref<128xi32, #tpu.memory_space<vmem>>
      %dma_start3A_108 = arith.constant 0 : i32
      %dma_start3A_109 = arith.constant 0 : i32
      %dma_start3A_110 = tpu.memref_slice %arg12[%dma_start3A_108, %dma_start3A_109] : memref<10240x64xf32, #tpu.memory_space<vmem_shared>> -> memref<10240x64xf32, #tpu.memory_space<vmem_shared>>
      tpu.enqueue_indirect_dma source(%dma_start3A_104 : memref<128x64xf32, #tpu.memory_space<vmem>>) target(%dma_start3A_110 : memref<10240x64xf32, #tpu.memory_space<vmem_shared>>) offsets(%dma_start3A_107 : memref<128xi32, #tpu.memory_space<vmem>>) semaphore(%arg11 : memref<!tpu.dma_semaphore, #tpu.memory_space<semaphore_mem>>) {add = true}
      %ge3A = arith.constant 2 : i32
      %ge3A_111 = arith.cmpi sge, %add3A_84, %ge3A : i32
      %convert_element_type3A = arith.extui %ge3A_111 : i1 to i32
      %cond3A = arith.constant 0 : i32
      %cond3A_112 = arith.cmpi ne, %convert_element_type3A, %cond3A : i32
      scf.if %cond3A_112 {
        %sub3A = arith.constant 2 : i32
        %sub3A_279 = arith.subi %add3A_84, %sub3A : i32
        %dma_wait3A_280 = arith.constant 3 : i32
        %dma_wait3A_281 = arith.constant 0 : i32
        %dma_wait3A_282 = arith.constant 0 : i32
        %dma_wait3A_283 = tpu.memref_slice %arg9[%dma_wait3A_280, %dma_wait3A_281, %dma_wait3A_282] : memref<5x128x64xf32, #tpu.memory_space<vmem>> -> memref<1x128x64xf32, #tpu.memory_space<vmem>>
        %dma_wait3A_284 = tpu.memref_squeeze %dma_wait3A_283 : memref<1x128x64xf32, #tpu.memory_space<vmem>> -> memref<128x64xf32, #tpu.memory_space<vmem>>
        %dma_wait3A_285 = arith.constant 0 : i32
        %dma_wait3A_286 = tpu.memref_slice %arg8[%sub3A_279, %dma_wait3A_285] : memref<160x128xi32, #tpu.memory_space<vmem>> -> memref<1x128xi32, #tpu.memory_space<vmem>>
        %dma_wait3A_287 = tpu.memref_squeeze %dma_wait3A_286 : memref<1x128xi32, #tpu.memory_space<vmem>> -> memref<128xi32, #tpu.memory_space<vmem>>
        %dma_wait3A_288 = arith.constant 0 : i32
        %dma_wait3A_289 = arith.constant 0 : i32
        %dma_wait3A_290 = tpu.memref_slice %arg12[%dma_wait3A_288, %dma_wait3A_289] : memref<10240x64xf32, #tpu.memory_space<vmem_shared>> -> memref<10240x64xf32, #tpu.memory_space<vmem_shared>>
        tpu.wait_indirect_dma semaphore(%arg11 : memref<!tpu.dma_semaphore, #tpu.memory_space<semaphore_mem>>) src(%dma_wait3A_284 : memref<128x64xf32, #tpu.memory_space<vmem>>) dst(%dma_wait3A_290 : memref<10240x64xf32, #tpu.memory_space<vmem_shared>>)
      } else {
      }
      %add3A_113 = arith.constant 3 : i32
      %add3A_114 = arith.addi %add3A_84, %add3A_113 : i32
      %lt3A = arith.constant 160 : i32
      %lt3A_115 = arith.cmpi slt, %add3A_114, %lt3A : i32
      %convert_element_type3A_116 = arith.extui %lt3A_115 : i1 to i32
      %cond3A_117 = arith.constant 0 : i32
      %cond3A_118 = arith.cmpi ne, %convert_element_type3A_116, %cond3A_117 : i32
      scf.if %cond3A_118 {
        %add3A_279 = arith.constant 3 : i32
        %add3A_280 = arith.addi %add3A_84, %add3A_279 : i32
        %dma_start3A_281 = arith.constant 3 : i32
        %dma_start3A_282 = arith.constant 0 : i32
        %dma_start3A_283 = arith.constant 0 : i32
        %dma_start3A_284 = tpu.memref_slice %arg9[%dma_start3A_281, %dma_start3A_282, %dma_start3A_283] : memref<5x128x64xf32, #tpu.memory_space<vmem>> -> memref<1x128x64xf32, #tpu.memory_space<vmem>>
        %dma_start3A_285 = tpu.memref_squeeze %dma_start3A_284 : memref<1x128x64xf32, #tpu.memory_space<vmem>> -> memref<128x64xf32, #tpu.memory_space<vmem>>
        %dma_start3A_286 = arith.constant 0 : i32
        %dma_start3A_287 = tpu.memref_slice %arg7[%add3A_280, %dma_start3A_286] : memref<160x128xi32, #tpu.memory_space<vmem>> -> memref<1x128xi32, #tpu.memory_space<vmem>>
        %dma_start3A_288 = tpu.memref_squeeze %dma_start3A_287 : memref<1x128xi32, #tpu.memory_space<vmem>> -> memref<128xi32, #tpu.memory_space<vmem>>
        %dma_start3A_289 = arith.constant 0 : i32
        %dma_start3A_290 = arith.constant 0 : i32
        %dma_start3A_291 = tpu.memref_slice %arg2[%arg0, %dma_start3A_289, %dma_start3A_290] : memref<2x10240x64xf32, #tpu.memory_space<hbm>> -> memref<1x10240x64xf32, #tpu.memory_space<hbm>>
        %dma_start3A_292 = tpu.memref_squeeze %dma_start3A_291 : memref<1x10240x64xf32, #tpu.memory_space<hbm>> -> memref<10240x64xf32, #tpu.memory_space<hbm>>
        %dma_start3A_293 = arith.constant 0 : i32
        %dma_start3A_294 = arith.constant 0 : i32
        %dma_start3A_295 = tpu.memref_slice %dma_start3A_292[%dma_start3A_293, %dma_start3A_294] : memref<10240x64xf32, #tpu.memory_space<hbm>> -> memref<10240x64xf32, #tpu.memory_space<hbm>>
        tpu.enqueue_indirect_dma source(%dma_start3A_295 : memref<10240x64xf32, #tpu.memory_space<hbm>>) target(%dma_start3A_285 : memref<128x64xf32, #tpu.memory_space<vmem>>) offsets(%dma_start3A_288 : memref<128xi32, #tpu.memory_space<vmem>>) semaphore(%arg10 : memref<!tpu.dma_semaphore, #tpu.memory_space<semaphore_mem>>)
      } else {
      }
      %add3A_119 = arith.constant 1 : i32
      %add3A_120 = arith.addi %mul3A_83, %add3A_119 : i32
      %dma_wait3A_121 = arith.constant 1 : i32
      %dma_wait3A_122 = arith.constant 0 : i32
      %dma_wait3A_123 = arith.constant 0 : i32
      %dma_wait3A_124 = tpu.memref_slice %arg9[%dma_wait3A_121, %dma_wait3A_122, %dma_wait3A_123] : memref<5x128x64xf32, #tpu.memory_space<vmem>> -> memref<1x128x64xf32, #tpu.memory_space<vmem>>
      %dma_wait3A_125 = tpu.memref_squeeze %dma_wait3A_124 : memref<1x128x64xf32, #tpu.memory_space<vmem>> -> memref<128x64xf32, #tpu.memory_space<vmem>>
      %dma_wait3A_126 = arith.constant 0 : i32
      %dma_wait3A_127 = tpu.memref_slice %arg7[%add3A_120, %dma_wait3A_126] : memref<160x128xi32, #tpu.memory_space<vmem>> -> memref<1x128xi32, #tpu.memory_space<vmem>>
      %dma_wait3A_128 = tpu.memref_squeeze %dma_wait3A_127 : memref<1x128xi32, #tpu.memory_space<vmem>> -> memref<128xi32, #tpu.memory_space<vmem>>
      %dma_wait3A_129 = arith.constant 0 : i32
      %dma_wait3A_130 = arith.constant 0 : i32
      %dma_wait3A_131 = tpu.memref_slice %arg2[%arg0, %dma_wait3A_129, %dma_wait3A_130] : memref<2x10240x64xf32, #tpu.memory_space<hbm>> -> memref<1x10240x64xf32, #tpu.memory_space<hbm>>
      %dma_wait3A_132 = tpu.memref_squeeze %dma_wait3A_131 : memref<1x10240x64xf32, #tpu.memory_space<hbm>> -> memref<10240x64xf32, #tpu.memory_space<hbm>>
      %dma_wait3A_133 = arith.constant 0 : i32
      %dma_wait3A_134 = arith.constant 0 : i32
      %dma_wait3A_135 = tpu.memref_slice %dma_wait3A_132[%dma_wait3A_133, %dma_wait3A_134] : memref<10240x64xf32, #tpu.memory_space<hbm>> -> memref<10240x64xf32, #tpu.memory_space<hbm>>
      tpu.wait_indirect_dma semaphore(%arg10 : memref<!tpu.dma_semaphore, #tpu.memory_space<semaphore_mem>>) src(%dma_wait3A_135 : memref<10240x64xf32, #tpu.memory_space<hbm>>) dst(%dma_wait3A_125 : memref<128x64xf32, #tpu.memory_space<vmem>>)
      %dma_start3A_136 = arith.constant 1 : i32
      %dma_start3A_137 = arith.constant 0 : i32
      %dma_start3A_138 = arith.constant 0 : i32
      %dma_start3A_139 = tpu.memref_slice %arg9[%dma_start3A_136, %dma_start3A_137, %dma_start3A_138] : memref<5x128x64xf32, #tpu.memory_space<vmem>> -> memref<1x128x64xf32, #tpu.memory_space<vmem>>
      %dma_start3A_140 = tpu.memref_squeeze %dma_start3A_139 : memref<1x128x64xf32, #tpu.memory_space<vmem>> -> memref<128x64xf32, #tpu.memory_space<vmem>>
      %dma_start3A_141 = arith.constant 0 : i32
      %dma_start3A_142 = tpu.memref_slice %arg8[%add3A_120, %dma_start3A_141] : memref<160x128xi32, #tpu.memory_space<vmem>> -> memref<1x128xi32, #tpu.memory_space<vmem>>
      %dma_start3A_143 = tpu.memref_squeeze %dma_start3A_142 : memref<1x128xi32, #tpu.memory_space<vmem>> -> memref<128xi32, #tpu.memory_space<vmem>>
      %dma_start3A_144 = arith.constant 0 : i32
      %dma_start3A_145 = arith.constant 0 : i32
      %dma_start3A_146 = tpu.memref_slice %arg12[%dma_start3A_144, %dma_start3A_145] : memref<10240x64xf32, #tpu.memory_space<vmem_shared>> -> memref<10240x64xf32, #tpu.memory_space<vmem_shared>>
      tpu.enqueue_indirect_dma source(%dma_start3A_140 : memref<128x64xf32, #tpu.memory_space<vmem>>) target(%dma_start3A_146 : memref<10240x64xf32, #tpu.memory_space<vmem_shared>>) offsets(%dma_start3A_143 : memref<128xi32, #tpu.memory_space<vmem>>) semaphore(%arg11 : memref<!tpu.dma_semaphore, #tpu.memory_space<semaphore_mem>>) {add = true}
      %ge3A_147 = arith.constant 2 : i32
      %ge3A_148 = arith.cmpi sge, %add3A_120, %ge3A_147 : i32
      %convert_element_type3A_149 = arith.extui %ge3A_148 : i1 to i32
      %cond3A_150 = arith.constant 0 : i32
      %cond3A_151 = arith.cmpi ne, %convert_element_type3A_149, %cond3A_150 : i32
      scf.if %cond3A_151 {
        %sub3A = arith.constant 2 : i32
        %sub3A_279 = arith.subi %add3A_120, %sub3A : i32
        %dma_wait3A_280 = arith.constant 4 : i32
        %dma_wait3A_281 = arith.constant 0 : i32
        %dma_wait3A_282 = arith.constant 0 : i32
        %dma_wait3A_283 = tpu.memref_slice %arg9[%dma_wait3A_280, %dma_wait3A_281, %dma_wait3A_282] : memref<5x128x64xf32, #tpu.memory_space<vmem>> -> memref<1x128x64xf32, #tpu.memory_space<vmem>>
        %dma_wait3A_284 = tpu.memref_squeeze %dma_wait3A_283 : memref<1x128x64xf32, #tpu.memory_space<vmem>> -> memref<128x64xf32, #tpu.memory_space<vmem>>
        %dma_wait3A_285 = arith.constant 0 : i32
        %dma_wait3A_286 = tpu.memref_slice %arg8[%sub3A_279, %dma_wait3A_285] : memref<160x128xi32, #tpu.memory_space<vmem>> -> memref<1x128xi32, #tpu.memory_space<vmem>>
        %dma_wait3A_287 = tpu.memref_squeeze %dma_wait3A_286 : memref<1x128xi32, #tpu.memory_space<vmem>> -> memref<128xi32, #tpu.memory_space<vmem>>
        %dma_wait3A_288 = arith.constant 0 : i32
        %dma_wait3A_289 = arith.constant 0 : i32
        %dma_wait3A_290 = tpu.memref_slice %arg12[%dma_wait3A_288, %dma_wait3A_289] : memref<10240x64xf32, #tpu.memory_space<vmem_shared>> -> memref<10240x64xf32, #tpu.memory_space<vmem_shared>>
        tpu.wait_indirect_dma semaphore(%arg11 : memref<!tpu.dma_semaphore, #tpu.memory_space<semaphore_mem>>) src(%dma_wait3A_284 : memref<128x64xf32, #tpu.memory_space<vmem>>) dst(%dma_wait3A_290 : memref<10240x64xf32, #tpu.memory_space<vmem_shared>>)
      } else {
      }
      %add3A_152 = arith.constant 3 : i32
      %add3A_153 = arith.addi %add3A_120, %add3A_152 : i32
      %lt3A_154 = arith.constant 160 : i32
      %lt3A_155 = arith.cmpi slt, %add3A_153, %lt3A_154 : i32
      %convert_element_type3A_156 = arith.extui %lt3A_155 : i1 to i32
      %cond3A_157 = arith.constant 0 : i32
      %cond3A_158 = arith.cmpi ne, %convert_element_type3A_156, %cond3A_157 : i32
      scf.if %cond3A_158 {
        %add3A_279 = arith.constant 3 : i32
        %add3A_280 = arith.addi %add3A_120, %add3A_279 : i32
        %dma_start3A_281 = arith.constant 4 : i32
        %dma_start3A_282 = arith.constant 0 : i32
        %dma_start3A_283 = arith.constant 0 : i32
        %dma_start3A_284 = tpu.memref_slice %arg9[%dma_start3A_281, %dma_start3A_282, %dma_start3A_283] : memref<5x128x64xf32, #tpu.memory_space<vmem>> -> memref<1x128x64xf32, #tpu.memory_space<vmem>>
        %dma_start3A_285 = tpu.memref_squeeze %dma_start3A_284 : memref<1x128x64xf32, #tpu.memory_space<vmem>> -> memref<128x64xf32, #tpu.memory_space<vmem>>
        %dma_start3A_286 = arith.constant 0 : i32
        %dma_start3A_287 = tpu.memref_slice %arg7[%add3A_280, %dma_start3A_286] : memref<160x128xi32, #tpu.memory_space<vmem>> -> memref<1x128xi32, #tpu.memory_space<vmem>>
        %dma_start3A_288 = tpu.memref_squeeze %dma_start3A_287 : memref<1x128xi32, #tpu.memory_space<vmem>> -> memref<128xi32, #tpu.memory_space<vmem>>
        %dma_start3A_289 = arith.constant 0 : i32
        %dma_start3A_290 = arith.constant 0 : i32
        %dma_start3A_291 = tpu.memref_slice %arg2[%arg0, %dma_start3A_289, %dma_start3A_290] : memref<2x10240x64xf32, #tpu.memory_space<hbm>> -> memref<1x10240x64xf32, #tpu.memory_space<hbm>>
        %dma_start3A_292 = tpu.memref_squeeze %dma_start3A_291 : memref<1x10240x64xf32, #tpu.memory_space<hbm>> -> memref<10240x64xf32, #tpu.memory_space<hbm>>
        %dma_start3A_293 = arith.constant 0 : i32
        %dma_start3A_294 = arith.constant 0 : i32
        %dma_start3A_295 = tpu.memref_slice %dma_start3A_292[%dma_start3A_293, %dma_start3A_294] : memref<10240x64xf32, #tpu.memory_space<hbm>> -> memref<10240x64xf32, #tpu.memory_space<hbm>>
        tpu.enqueue_indirect_dma source(%dma_start3A_295 : memref<10240x64xf32, #tpu.memory_space<hbm>>) target(%dma_start3A_285 : memref<128x64xf32, #tpu.memory_space<vmem>>) offsets(%dma_start3A_288 : memref<128xi32, #tpu.memory_space<vmem>>) semaphore(%arg10 : memref<!tpu.dma_semaphore, #tpu.memory_space<semaphore_mem>>)
      } else {
      }
      %add3A_159 = arith.constant 2 : i32
      %add3A_160 = arith.addi %mul3A_83, %add3A_159 : i32
      %dma_wait3A_161 = arith.constant 2 : i32
      %dma_wait3A_162 = arith.constant 0 : i32
      %dma_wait3A_163 = arith.constant 0 : i32
      %dma_wait3A_164 = tpu.memref_slice %arg9[%dma_wait3A_161, %dma_wait3A_162, %dma_wait3A_163] : memref<5x128x64xf32, #tpu.memory_space<vmem>> -> memref<1x128x64xf32, #tpu.memory_space<vmem>>
      %dma_wait3A_165 = tpu.memref_squeeze %dma_wait3A_164 : memref<1x128x64xf32, #tpu.memory_space<vmem>> -> memref<128x64xf32, #tpu.memory_space<vmem>>
      %dma_wait3A_166 = arith.constant 0 : i32
      %dma_wait3A_167 = tpu.memref_slice %arg7[%add3A_160, %dma_wait3A_166] : memref<160x128xi32, #tpu.memory_space<vmem>> -> memref<1x128xi32, #tpu.memory_space<vmem>>
      %dma_wait3A_168 = tpu.memref_squeeze %dma_wait3A_167 : memref<1x128xi32, #tpu.memory_space<vmem>> -> memref<128xi32, #tpu.memory_space<vmem>>
      %dma_wait3A_169 = arith.constant 0 : i32
      %dma_wait3A_170 = arith.constant 0 : i32
      %dma_wait3A_171 = tpu.memref_slice %arg2[%arg0, %dma_wait3A_169, %dma_wait3A_170] : memref<2x10240x64xf32, #tpu.memory_space<hbm>> -> memref<1x10240x64xf32, #tpu.memory_space<hbm>>
      %dma_wait3A_172 = tpu.memref_squeeze %dma_wait3A_171 : memref<1x10240x64xf32, #tpu.memory_space<hbm>> -> memref<10240x64xf32, #tpu.memory_space<hbm>>
      %dma_wait3A_173 = arith.constant 0 : i32
      %dma_wait3A_174 = arith.constant 0 : i32
      %dma_wait3A_175 = tpu.memref_slice %dma_wait3A_172[%dma_wait3A_173, %dma_wait3A_174] : memref<10240x64xf32, #tpu.memory_space<hbm>> -> memref<10240x64xf32, #tpu.memory_space<hbm>>
      tpu.wait_indirect_dma semaphore(%arg10 : memref<!tpu.dma_semaphore, #tpu.memory_space<semaphore_mem>>) src(%dma_wait3A_175 : memref<10240x64xf32, #tpu.memory_space<hbm>>) dst(%dma_wait3A_165 : memref<128x64xf32, #tpu.memory_space<vmem>>)
      %dma_start3A_176 = arith.constant 2 : i32
      %dma_start3A_177 = arith.constant 0 : i32
      %dma_start3A_178 = arith.constant 0 : i32
      %dma_start3A_179 = tpu.memref_slice %arg9[%dma_start3A_176, %dma_start3A_177, %dma_start3A_178] : memref<5x128x64xf32, #tpu.memory_space<vmem>> -> memref<1x128x64xf32, #tpu.memory_space<vmem>>
      %dma_start3A_180 = tpu.memref_squeeze %dma_start3A_179 : memref<1x128x64xf32, #tpu.memory_space<vmem>> -> memref<128x64xf32, #tpu.memory_space<vmem>>
      %dma_start3A_181 = arith.constant 0 : i32
      %dma_start3A_182 = tpu.memref_slice %arg8[%add3A_160, %dma_start3A_181] : memref<160x128xi32, #tpu.memory_space<vmem>> -> memref<1x128xi32, #tpu.memory_space<vmem>>
      %dma_start3A_183 = tpu.memref_squeeze %dma_start3A_182 : memref<1x128xi32, #tpu.memory_space<vmem>> -> memref<128xi32, #tpu.memory_space<vmem>>
      %dma_start3A_184 = arith.constant 0 : i32
      %dma_start3A_185 = arith.constant 0 : i32
      %dma_start3A_186 = tpu.memref_slice %arg12[%dma_start3A_184, %dma_start3A_185] : memref<10240x64xf32, #tpu.memory_space<vmem_shared>> -> memref<10240x64xf32, #tpu.memory_space<vmem_shared>>
      tpu.enqueue_indirect_dma source(%dma_start3A_180 : memref<128x64xf32, #tpu.memory_space<vmem>>) target(%dma_start3A_186 : memref<10240x64xf32, #tpu.memory_space<vmem_shared>>) offsets(%dma_start3A_183 : memref<128xi32, #tpu.memory_space<vmem>>) semaphore(%arg11 : memref<!tpu.dma_semaphore, #tpu.memory_space<semaphore_mem>>) {add = true}
      %ge3A_187 = arith.constant 2 : i32
      %ge3A_188 = arith.cmpi sge, %add3A_160, %ge3A_187 : i32
      %convert_element_type3A_189 = arith.extui %ge3A_188 : i1 to i32
      %cond3A_190 = arith.constant 0 : i32
      %cond3A_191 = arith.cmpi ne, %convert_element_type3A_189, %cond3A_190 : i32
      scf.if %cond3A_191 {
        %sub3A = arith.constant 2 : i32
        %sub3A_279 = arith.subi %add3A_160, %sub3A : i32
        %dma_wait3A_280 = arith.constant 0 : i32
        %dma_wait3A_281 = arith.constant 0 : i32
        %dma_wait3A_282 = arith.constant 0 : i32
        %dma_wait3A_283 = tpu.memref_slice %arg9[%dma_wait3A_280, %dma_wait3A_281, %dma_wait3A_282] : memref<5x128x64xf32, #tpu.memory_space<vmem>> -> memref<1x128x64xf32, #tpu.memory_space<vmem>>
        %dma_wait3A_284 = tpu.memref_squeeze %dma_wait3A_283 : memref<1x128x64xf32, #tpu.memory_space<vmem>> -> memref<128x64xf32, #tpu.memory_space<vmem>>
        %dma_wait3A_285 = arith.constant 0 : i32
        %dma_wait3A_286 = tpu.memref_slice %arg8[%sub3A_279, %dma_wait3A_285] : memref<160x128xi32, #tpu.memory_space<vmem>> -> memref<1x128xi32, #tpu.memory_space<vmem>>
        %dma_wait3A_287 = tpu.memref_squeeze %dma_wait3A_286 : memref<1x128xi32, #tpu.memory_space<vmem>> -> memref<128xi32, #tpu.memory_space<vmem>>
        %dma_wait3A_288 = arith.constant 0 : i32
        %dma_wait3A_289 = arith.constant 0 : i32
        %dma_wait3A_290 = tpu.memref_slice %arg12[%dma_wait3A_288, %dma_wait3A_289] : memref<10240x64xf32, #tpu.memory_space<vmem_shared>> -> memref<10240x64xf32, #tpu.memory_space<vmem_shared>>
        tpu.wait_indirect_dma semaphore(%arg11 : memref<!tpu.dma_semaphore, #tpu.memory_space<semaphore_mem>>) src(%dma_wait3A_284 : memref<128x64xf32, #tpu.memory_space<vmem>>) dst(%dma_wait3A_290 : memref<10240x64xf32, #tpu.memory_space<vmem_shared>>)
      } else {
      }
      %add3A_192 = arith.constant 3 : i32
      %add3A_193 = arith.addi %add3A_160, %add3A_192 : i32
      %lt3A_194 = arith.constant 160 : i32
      %lt3A_195 = arith.cmpi slt, %add3A_193, %lt3A_194 : i32
      %convert_element_type3A_196 = arith.extui %lt3A_195 : i1 to i32
      %cond3A_197 = arith.constant 0 : i32
      %cond3A_198 = arith.cmpi ne, %convert_element_type3A_196, %cond3A_197 : i32
      scf.if %cond3A_198 {
        %add3A_279 = arith.constant 3 : i32
        %add3A_280 = arith.addi %add3A_160, %add3A_279 : i32
        %dma_start3A_281 = arith.constant 0 : i32
        %dma_start3A_282 = arith.constant 0 : i32
        %dma_start3A_283 = arith.constant 0 : i32
        %dma_start3A_284 = tpu.memref_slice %arg9[%dma_start3A_281, %dma_start3A_282, %dma_start3A_283] : memref<5x128x64xf32, #tpu.memory_space<vmem>> -> memref<1x128x64xf32, #tpu.memory_space<vmem>>
        %dma_start3A_285 = tpu.memref_squeeze %dma_start3A_284 : memref<1x128x64xf32, #tpu.memory_space<vmem>> -> memref<128x64xf32, #tpu.memory_space<vmem>>
        %dma_start3A_286 = arith.constant 0 : i32
        %dma_start3A_287 = tpu.memref_slice %arg7[%add3A_280, %dma_start3A_286] : memref<160x128xi32, #tpu.memory_space<vmem>> -> memref<1x128xi32, #tpu.memory_space<vmem>>
        %dma_start3A_288 = tpu.memref_squeeze %dma_start3A_287 : memref<1x128xi32, #tpu.memory_space<vmem>> -> memref<128xi32, #tpu.memory_space<vmem>>
        %dma_start3A_289 = arith.constant 0 : i32
        %dma_start3A_290 = arith.constant 0 : i32
        %dma_start3A_291 = tpu.memref_slice %arg2[%arg0, %dma_start3A_289, %dma_start3A_290] : memref<2x10240x64xf32, #tpu.memory_space<hbm>> -> memref<1x10240x64xf32, #tpu.memory_space<hbm>>
        %dma_start3A_292 = tpu.memref_squeeze %dma_start3A_291 : memref<1x10240x64xf32, #tpu.memory_space<hbm>> -> memref<10240x64xf32, #tpu.memory_space<hbm>>
        %dma_start3A_293 = arith.constant 0 : i32
        %dma_start3A_294 = arith.constant 0 : i32
        %dma_start3A_295 = tpu.memref_slice %dma_start3A_292[%dma_start3A_293, %dma_start3A_294] : memref<10240x64xf32, #tpu.memory_space<hbm>> -> memref<10240x64xf32, #tpu.memory_space<hbm>>
        tpu.enqueue_indirect_dma source(%dma_start3A_295 : memref<10240x64xf32, #tpu.memory_space<hbm>>) target(%dma_start3A_285 : memref<128x64xf32, #tpu.memory_space<vmem>>) offsets(%dma_start3A_288 : memref<128xi32, #tpu.memory_space<vmem>>) semaphore(%arg10 : memref<!tpu.dma_semaphore, #tpu.memory_space<semaphore_mem>>)
      } else {
      }
      %add3A_199 = arith.constant 3 : i32
      %add3A_200 = arith.addi %mul3A_83, %add3A_199 : i32
      %dma_wait3A_201 = arith.constant 3 : i32
      %dma_wait3A_202 = arith.constant 0 : i32
      %dma_wait3A_203 = arith.constant 0 : i32
      %dma_wait3A_204 = tpu.memref_slice %arg9[%dma_wait3A_201, %dma_wait3A_202, %dma_wait3A_203] : memref<5x128x64xf32, #tpu.memory_space<vmem>> -> memref<1x128x64xf32, #tpu.memory_space<vmem>>
      %dma_wait3A_205 = tpu.memref_squeeze %dma_wait3A_204 : memref<1x128x64xf32, #tpu.memory_space<vmem>> -> memref<128x64xf32, #tpu.memory_space<vmem>>
      %dma_wait3A_206 = arith.constant 0 : i32
      %dma_wait3A_207 = tpu.memref_slice %arg7[%add3A_200, %dma_wait3A_206] : memref<160x128xi32, #tpu.memory_space<vmem>> -> memref<1x128xi32, #tpu.memory_space<vmem>>
      %dma_wait3A_208 = tpu.memref_squeeze %dma_wait3A_207 : memref<1x128xi32, #tpu.memory_space<vmem>> -> memref<128xi32, #tpu.memory_space<vmem>>
      %dma_wait3A_209 = arith.constant 0 : i32
      %dma_wait3A_210 = arith.constant 0 : i32
      %dma_wait3A_211 = tpu.memref_slice %arg2[%arg0, %dma_wait3A_209, %dma_wait3A_210] : memref<2x10240x64xf32, #tpu.memory_space<hbm>> -> memref<1x10240x64xf32, #tpu.memory_space<hbm>>
      %dma_wait3A_212 = tpu.memref_squeeze %dma_wait3A_211 : memref<1x10240x64xf32, #tpu.memory_space<hbm>> -> memref<10240x64xf32, #tpu.memory_space<hbm>>
      %dma_wait3A_213 = arith.constant 0 : i32
      %dma_wait3A_214 = arith.constant 0 : i32
      %dma_wait3A_215 = tpu.memref_slice %dma_wait3A_212[%dma_wait3A_213, %dma_wait3A_214] : memref<10240x64xf32, #tpu.memory_space<hbm>> -> memref<10240x64xf32, #tpu.memory_space<hbm>>
      tpu.wait_indirect_dma semaphore(%arg10 : memref<!tpu.dma_semaphore, #tpu.memory_space<semaphore_mem>>) src(%dma_wait3A_215 : memref<10240x64xf32, #tpu.memory_space<hbm>>) dst(%dma_wait3A_205 : memref<128x64xf32, #tpu.memory_space<vmem>>)
      %dma_start3A_216 = arith.constant 3 : i32
      %dma_start3A_217 = arith.constant 0 : i32
      %dma_start3A_218 = arith.constant 0 : i32
      %dma_start3A_219 = tpu.memref_slice %arg9[%dma_start3A_216, %dma_start3A_217, %dma_start3A_218] : memref<5x128x64xf32, #tpu.memory_space<vmem>> -> memref<1x128x64xf32, #tpu.memory_space<vmem>>
      %dma_start3A_220 = tpu.memref_squeeze %dma_start3A_219 : memref<1x128x64xf32, #tpu.memory_space<vmem>> -> memref<128x64xf32, #tpu.memory_space<vmem>>
      %dma_start3A_221 = arith.constant 0 : i32
      %dma_start3A_222 = tpu.memref_slice %arg8[%add3A_200, %dma_start3A_221] : memref<160x128xi32, #tpu.memory_space<vmem>> -> memref<1x128xi32, #tpu.memory_space<vmem>>
      %dma_start3A_223 = tpu.memref_squeeze %dma_start3A_222 : memref<1x128xi32, #tpu.memory_space<vmem>> -> memref<128xi32, #tpu.memory_space<vmem>>
      %dma_start3A_224 = arith.constant 0 : i32
      %dma_start3A_225 = arith.constant 0 : i32
      %dma_start3A_226 = tpu.memref_slice %arg12[%dma_start3A_224, %dma_start3A_225] : memref<10240x64xf32, #tpu.memory_space<vmem_shared>> -> memref<10240x64xf32, #tpu.memory_space<vmem_shared>>
      tpu.enqueue_indirect_dma source(%dma_start3A_220 : memref<128x64xf32, #tpu.memory_space<vmem>>) target(%dma_start3A_226 : memref<10240x64xf32, #tpu.memory_space<vmem_shared>>) offsets(%dma_start3A_223 : memref<128xi32, #tpu.memory_space<vmem>>) semaphore(%arg11 : memref<!tpu.dma_semaphore, #tpu.memory_space<semaphore_mem>>) {add = true}
      %ge3A_227 = arith.constant 2 : i32
      %ge3A_228 = arith.cmpi sge, %add3A_200, %ge3A_227 : i32
      %convert_element_type3A_229 = arith.extui %ge3A_228 : i1 to i32
      %cond3A_230 = arith.constant 0 : i32
      %cond3A_231 = arith.cmpi ne, %convert_element_type3A_229, %cond3A_230 : i32
      scf.if %cond3A_231 {
        %sub3A = arith.constant 2 : i32
        %sub3A_279 = arith.subi %add3A_200, %sub3A : i32
        %dma_wait3A_280 = arith.constant 1 : i32
        %dma_wait3A_281 = arith.constant 0 : i32
        %dma_wait3A_282 = arith.constant 0 : i32
        %dma_wait3A_283 = tpu.memref_slice %arg9[%dma_wait3A_280, %dma_wait3A_281, %dma_wait3A_282] : memref<5x128x64xf32, #tpu.memory_space<vmem>> -> memref<1x128x64xf32, #tpu.memory_space<vmem>>
        %dma_wait3A_284 = tpu.memref_squeeze %dma_wait3A_283 : memref<1x128x64xf32, #tpu.memory_space<vmem>> -> memref<128x64xf32, #tpu.memory_space<vmem>>
        %dma_wait3A_285 = arith.constant 0 : i32
        %dma_wait3A_286 = tpu.memref_slice %arg8[%sub3A_279, %dma_wait3A_285] : memref<160x128xi32, #tpu.memory_space<vmem>> -> memref<1x128xi32, #tpu.memory_space<vmem>>
        %dma_wait3A_287 = tpu.memref_squeeze %dma_wait3A_286 : memref<1x128xi32, #tpu.memory_space<vmem>> -> memref<128xi32, #tpu.memory_space<vmem>>
        %dma_wait3A_288 = arith.constant 0 : i32
        %dma_wait3A_289 = arith.constant 0 : i32
        %dma_wait3A_290 = tpu.memref_slice %arg12[%dma_wait3A_288, %dma_wait3A_289] : memref<10240x64xf32, #tpu.memory_space<vmem_shared>> -> memref<10240x64xf32, #tpu.memory_space<vmem_shared>>
        tpu.wait_indirect_dma semaphore(%arg11 : memref<!tpu.dma_semaphore, #tpu.memory_space<semaphore_mem>>) src(%dma_wait3A_284 : memref<128x64xf32, #tpu.memory_space<vmem>>) dst(%dma_wait3A_290 : memref<10240x64xf32, #tpu.memory_space<vmem_shared>>)
      } else {
      }
      %add3A_232 = arith.constant 3 : i32
      %add3A_233 = arith.addi %add3A_200, %add3A_232 : i32
      %lt3A_234 = arith.constant 160 : i32
      %lt3A_235 = arith.cmpi slt, %add3A_233, %lt3A_234 : i32
      %convert_element_type3A_236 = arith.extui %lt3A_235 : i1 to i32
      %cond3A_237 = arith.constant 0 : i32
      %cond3A_238 = arith.cmpi ne, %convert_element_type3A_236, %cond3A_237 : i32
      scf.if %cond3A_238 {
        %add3A_279 = arith.constant 3 : i32
        %add3A_280 = arith.addi %add3A_200, %add3A_279 : i32
        %dma_start3A_281 = arith.constant 1 : i32
        %dma_start3A_282 = arith.constant 0 : i32
        %dma_start3A_283 = arith.constant 0 : i32
        %dma_start3A_284 = tpu.memref_slice %arg9[%dma_start3A_281, %dma_start3A_282, %dma_start3A_283] : memref<5x128x64xf32, #tpu.memory_space<vmem>> -> memref<1x128x64xf32, #tpu.memory_space<vmem>>
        %dma_start3A_285 = tpu.memref_squeeze %dma_start3A_284 : memref<1x128x64xf32, #tpu.memory_space<vmem>> -> memref<128x64xf32, #tpu.memory_space<vmem>>
        %dma_start3A_286 = arith.constant 0 : i32
        %dma_start3A_287 = tpu.memref_slice %arg7[%add3A_280, %dma_start3A_286] : memref<160x128xi32, #tpu.memory_space<vmem>> -> memref<1x128xi32, #tpu.memory_space<vmem>>
        %dma_start3A_288 = tpu.memref_squeeze %dma_start3A_287 : memref<1x128xi32, #tpu.memory_space<vmem>> -> memref<128xi32, #tpu.memory_space<vmem>>
        %dma_start3A_289 = arith.constant 0 : i32
        %dma_start3A_290 = arith.constant 0 : i32
        %dma_start3A_291 = tpu.memref_slice %arg2[%arg0, %dma_start3A_289, %dma_start3A_290] : memref<2x10240x64xf32, #tpu.memory_space<hbm>> -> memref<1x10240x64xf32, #tpu.memory_space<hbm>>
        %dma_start3A_292 = tpu.memref_squeeze %dma_start3A_291 : memref<1x10240x64xf32, #tpu.memory_space<hbm>> -> memref<10240x64xf32, #tpu.memory_space<hbm>>
        %dma_start3A_293 = arith.constant 0 : i32
        %dma_start3A_294 = arith.constant 0 : i32
        %dma_start3A_295 = tpu.memref_slice %dma_start3A_292[%dma_start3A_293, %dma_start3A_294] : memref<10240x64xf32, #tpu.memory_space<hbm>> -> memref<10240x64xf32, #tpu.memory_space<hbm>>
        tpu.enqueue_indirect_dma source(%dma_start3A_295 : memref<10240x64xf32, #tpu.memory_space<hbm>>) target(%dma_start3A_285 : memref<128x64xf32, #tpu.memory_space<vmem>>) offsets(%dma_start3A_288 : memref<128xi32, #tpu.memory_space<vmem>>) semaphore(%arg10 : memref<!tpu.dma_semaphore, #tpu.memory_space<semaphore_mem>>)
      } else {
      }
      %add3A_239 = arith.constant 4 : i32
      %add3A_240 = arith.addi %mul3A_83, %add3A_239 : i32
      %dma_wait3A_241 = arith.constant 4 : i32
      %dma_wait3A_242 = arith.constant 0 : i32
      %dma_wait3A_243 = arith.constant 0 : i32
      %dma_wait3A_244 = tpu.memref_slice %arg9[%dma_wait3A_241, %dma_wait3A_242, %dma_wait3A_243] : memref<5x128x64xf32, #tpu.memory_space<vmem>> -> memref<1x128x64xf32, #tpu.memory_space<vmem>>
      %dma_wait3A_245 = tpu.memref_squeeze %dma_wait3A_244 : memref<1x128x64xf32, #tpu.memory_space<vmem>> -> memref<128x64xf32, #tpu.memory_space<vmem>>
      %dma_wait3A_246 = arith.constant 0 : i32
      %dma_wait3A_247 = tpu.memref_slice %arg7[%add3A_240, %dma_wait3A_246] : memref<160x128xi32, #tpu.memory_space<vmem>> -> memref<1x128xi32, #tpu.memory_space<vmem>>
      %dma_wait3A_248 = tpu.memref_squeeze %dma_wait3A_247 : memref<1x128xi32, #tpu.memory_space<vmem>> -> memref<128xi32, #tpu.memory_space<vmem>>
      %dma_wait3A_249 = arith.constant 0 : i32
      %dma_wait3A_250 = arith.constant 0 : i32
      %dma_wait3A_251 = tpu.memref_slice %arg2[%arg0, %dma_wait3A_249, %dma_wait3A_250] : memref<2x10240x64xf32, #tpu.memory_space<hbm>> -> memref<1x10240x64xf32, #tpu.memory_space<hbm>>
      %dma_wait3A_252 = tpu.memref_squeeze %dma_wait3A_251 : memref<1x10240x64xf32, #tpu.memory_space<hbm>> -> memref<10240x64xf32, #tpu.memory_space<hbm>>
      %dma_wait3A_253 = arith.constant 0 : i32
      %dma_wait3A_254 = arith.constant 0 : i32
      %dma_wait3A_255 = tpu.memref_slice %dma_wait3A_252[%dma_wait3A_253, %dma_wait3A_254] : memref<10240x64xf32, #tpu.memory_space<hbm>> -> memref<10240x64xf32, #tpu.memory_space<hbm>>
      tpu.wait_indirect_dma semaphore(%arg10 : memref<!tpu.dma_semaphore, #tpu.memory_space<semaphore_mem>>) src(%dma_wait3A_255 : memref<10240x64xf32, #tpu.memory_space<hbm>>) dst(%dma_wait3A_245 : memref<128x64xf32, #tpu.memory_space<vmem>>)
      %dma_start3A_256 = arith.constant 4 : i32
      %dma_start3A_257 = arith.constant 0 : i32
      %dma_start3A_258 = arith.constant 0 : i32
      %dma_start3A_259 = tpu.memref_slice %arg9[%dma_start3A_256, %dma_start3A_257, %dma_start3A_258] : memref<5x128x64xf32, #tpu.memory_space<vmem>> -> memref<1x128x64xf32, #tpu.memory_space<vmem>>
      %dma_start3A_260 = tpu.memref_squeeze %dma_start3A_259 : memref<1x128x64xf32, #tpu.memory_space<vmem>> -> memref<128x64xf32, #tpu.memory_space<vmem>>
      %dma_start3A_261 = arith.constant 0 : i32
      %dma_start3A_262 = tpu.memref_slice %arg8[%add3A_240, %dma_start3A_261] : memref<160x128xi32, #tpu.memory_space<vmem>> -> memref<1x128xi32, #tpu.memory_space<vmem>>
      %dma_start3A_263 = tpu.memref_squeeze %dma_start3A_262 : memref<1x128xi32, #tpu.memory_space<vmem>> -> memref<128xi32, #tpu.memory_space<vmem>>
      %dma_start3A_264 = arith.constant 0 : i32
      %dma_start3A_265 = arith.constant 0 : i32
      %dma_start3A_266 = tpu.memref_slice %arg12[%dma_start3A_264, %dma_start3A_265] : memref<10240x64xf32, #tpu.memory_space<vmem_shared>> -> memref<10240x64xf32, #tpu.memory_space<vmem_shared>>
      tpu.enqueue_indirect_dma source(%dma_start3A_260 : memref<128x64xf32, #tpu.memory_space<vmem>>) target(%dma_start3A_266 : memref<10240x64xf32, #tpu.memory_space<vmem_shared>>) offsets(%dma_start3A_263 : memref<128xi32, #tpu.memory_space<vmem>>) semaphore(%arg11 : memref<!tpu.dma_semaphore, #tpu.memory_space<semaphore_mem>>) {add = true}
      %ge3A_267 = arith.constant 2 : i32
      %ge3A_268 = arith.cmpi sge, %add3A_240, %ge3A_267 : i32
      %convert_element_type3A_269 = arith.extui %ge3A_268 : i1 to i32
      %cond3A_270 = arith.constant 0 : i32
      %cond3A_271 = arith.cmpi ne, %convert_element_type3A_269, %cond3A_270 : i32
      scf.if %cond3A_271 {
        %sub3A = arith.constant 2 : i32
        %sub3A_279 = arith.subi %add3A_240, %sub3A : i32
        %dma_wait3A_280 = arith.constant 2 : i32
        %dma_wait3A_281 = arith.constant 0 : i32
        %dma_wait3A_282 = arith.constant 0 : i32
        %dma_wait3A_283 = tpu.memref_slice %arg9[%dma_wait3A_280, %dma_wait3A_281, %dma_wait3A_282] : memref<5x128x64xf32, #tpu.memory_space<vmem>> -> memref<1x128x64xf32, #tpu.memory_space<vmem>>
        %dma_wait3A_284 = tpu.memref_squeeze %dma_wait3A_283 : memref<1x128x64xf32, #tpu.memory_space<vmem>> -> memref<128x64xf32, #tpu.memory_space<vmem>>
        %dma_wait3A_285 = arith.constant 0 : i32
        %dma_wait3A_286 = tpu.memref_slice %arg8[%sub3A_279, %dma_wait3A_285] : memref<160x128xi32, #tpu.memory_space<vmem>> -> memref<1x128xi32, #tpu.memory_space<vmem>>
        %dma_wait3A_287 = tpu.memref_squeeze %dma_wait3A_286 : memref<1x128xi32, #tpu.memory_space<vmem>> -> memref<128xi32, #tpu.memory_space<vmem>>
        %dma_wait3A_288 = arith.constant 0 : i32
        %dma_wait3A_289 = arith.constant 0 : i32
        %dma_wait3A_290 = tpu.memref_slice %arg12[%dma_wait3A_288, %dma_wait3A_289] : memref<10240x64xf32, #tpu.memory_space<vmem_shared>> -> memref<10240x64xf32, #tpu.memory_space<vmem_shared>>
        tpu.wait_indirect_dma semaphore(%arg11 : memref<!tpu.dma_semaphore, #tpu.memory_space<semaphore_mem>>) src(%dma_wait3A_284 : memref<128x64xf32, #tpu.memory_space<vmem>>) dst(%dma_wait3A_290 : memref<10240x64xf32, #tpu.memory_space<vmem_shared>>)
      } else {
      }
      %add3A_272 = arith.constant 3 : i32
      %add3A_273 = arith.addi %add3A_240, %add3A_272 : i32
      %lt3A_274 = arith.constant 160 : i32
      %lt3A_275 = arith.cmpi slt, %add3A_273, %lt3A_274 : i32
      %convert_element_type3A_276 = arith.extui %lt3A_275 : i1 to i32
      %cond3A_277 = arith.constant 0 : i32
      %cond3A_278 = arith.cmpi ne, %convert_element_type3A_276, %cond3A_277 : i32
      scf.if %cond3A_278 {
        %add3A_279 = arith.constant 3 : i32
        %add3A_280 = arith.addi %add3A_240, %add3A_279 : i32
        %dma_start3A_281 = arith.constant 2 : i32
        %dma_start3A_282 = arith.constant 0 : i32
        %dma_start3A_283 = arith.constant 0 : i32
        %dma_start3A_284 = tpu.memref_slice %arg9[%dma_start3A_281, %dma_start3A_282, %dma_start3A_283] : memref<5x128x64xf32, #tpu.memory_space<vmem>> -> memref<1x128x64xf32, #tpu.memory_space<vmem>>
        %dma_start3A_285 = tpu.memref_squeeze %dma_start3A_284 : memref<1x128x64xf32, #tpu.memory_space<vmem>> -> memref<128x64xf32, #tpu.memory_space<vmem>>
        %dma_start3A_286 = arith.constant 0 : i32
        %dma_start3A_287 = tpu.memref_slice %arg7[%add3A_280, %dma_start3A_286] : memref<160x128xi32, #tpu.memory_space<vmem>> -> memref<1x128xi32, #tpu.memory_space<vmem>>
        %dma_start3A_288 = tpu.memref_squeeze %dma_start3A_287 : memref<1x128xi32, #tpu.memory_space<vmem>> -> memref<128xi32, #tpu.memory_space<vmem>>
        %dma_start3A_289 = arith.constant 0 : i32
        %dma_start3A_290 = arith.constant 0 : i32
        %dma_start3A_291 = tpu.memref_slice %arg2[%arg0, %dma_start3A_289, %dma_start3A_290] : memref<2x10240x64xf32, #tpu.memory_space<hbm>> -> memref<1x10240x64xf32, #tpu.memory_space<hbm>>
        %dma_start3A_292 = tpu.memref_squeeze %dma_start3A_291 : memref<1x10240x64xf32, #tpu.memory_space<hbm>> -> memref<10240x64xf32, #tpu.memory_space<hbm>>
        %dma_start3A_293 = arith.constant 0 : i32
        %dma_start3A_294 = arith.constant 0 : i32
        %dma_start3A_295 = tpu.memref_slice %dma_start3A_292[%dma_start3A_293, %dma_start3A_294] : memref<10240x64xf32, #tpu.memory_space<hbm>> -> memref<10240x64xf32, #tpu.memory_space<hbm>>
        tpu.enqueue_indirect_dma source(%dma_start3A_295 : memref<10240x64xf32, #tpu.memory_space<hbm>>) target(%dma_start3A_285 : memref<128x64xf32, #tpu.memory_space<vmem>>) offsets(%dma_start3A_288 : memref<128xi32, #tpu.memory_space<vmem>>) semaphore(%arg10 : memref<!tpu.dma_semaphore, #tpu.memory_space<semaphore_mem>>)
      } else {
      }
    }
    %scan3A_56 = arith.constant 32 : i32
    %dma_wait3A = arith.constant 3 : i32
    %dma_wait3A_57 = arith.constant 158 : i32
    %dma_wait3A_58 = arith.constant 0 : i32
    %dma_wait3A_59 = arith.constant 0 : i32
    %dma_wait3A_60 = tpu.memref_slice %arg9[%dma_wait3A, %dma_wait3A_58, %dma_wait3A_59] : memref<5x128x64xf32, #tpu.memory_space<vmem>> -> memref<1x128x64xf32, #tpu.memory_space<vmem>>
    %dma_wait3A_61 = tpu.memref_squeeze %dma_wait3A_60 : memref<1x128x64xf32, #tpu.memory_space<vmem>> -> memref<128x64xf32, #tpu.memory_space<vmem>>
    %dma_wait3A_62 = arith.constant 0 : i32
    %dma_wait3A_63 = tpu.memref_slice %arg8[%dma_wait3A_57, %dma_wait3A_62] : memref<160x128xi32, #tpu.memory_space<vmem>> -> memref<1x128xi32, #tpu.memory_space<vmem>>
    %dma_wait3A_64 = tpu.memref_squeeze %dma_wait3A_63 : memref<1x128xi32, #tpu.memory_space<vmem>> -> memref<128xi32, #tpu.memory_space<vmem>>
    %dma_wait3A_65 = arith.constant 0 : i32
    %dma_wait3A_66 = arith.constant 0 : i32
    %dma_wait3A_67 = tpu.memref_slice %arg12[%dma_wait3A_65, %dma_wait3A_66] : memref<10240x64xf32, #tpu.memory_space<vmem_shared>> -> memref<10240x64xf32, #tpu.memory_space<vmem_shared>>
    tpu.wait_indirect_dma semaphore(%arg11 : memref<!tpu.dma_semaphore, #tpu.memory_space<semaphore_mem>>) src(%dma_wait3A_61 : memref<128x64xf32, #tpu.memory_space<vmem>>) dst(%dma_wait3A_67 : memref<10240x64xf32, #tpu.memory_space<vmem_shared>>)
    %dma_wait3A_68 = arith.constant 4 : i32
    %dma_wait3A_69 = arith.constant 159 : i32
    %dma_wait3A_70 = arith.constant 0 : i32
    %dma_wait3A_71 = arith.constant 0 : i32
    %dma_wait3A_72 = tpu.memref_slice %arg9[%dma_wait3A_68, %dma_wait3A_70, %dma_wait3A_71] : memref<5x128x64xf32, #tpu.memory_space<vmem>> -> memref<1x128x64xf32, #tpu.memory_space<vmem>>
    %dma_wait3A_73 = tpu.memref_squeeze %dma_wait3A_72 : memref<1x128x64xf32, #tpu.memory_space<vmem>> -> memref<128x64xf32, #tpu.memory_space<vmem>>
    %dma_wait3A_74 = arith.constant 0 : i32
    %dma_wait3A_75 = tpu.memref_slice %arg8[%dma_wait3A_69, %dma_wait3A_74] : memref<160x128xi32, #tpu.memory_space<vmem>> -> memref<1x128xi32, #tpu.memory_space<vmem>>
    %dma_wait3A_76 = tpu.memref_squeeze %dma_wait3A_75 : memref<1x128xi32, #tpu.memory_space<vmem>> -> memref<128xi32, #tpu.memory_space<vmem>>
    %dma_wait3A_77 = arith.constant 0 : i32
    %dma_wait3A_78 = arith.constant 0 : i32
    %dma_wait3A_79 = tpu.memref_slice %arg12[%dma_wait3A_77, %dma_wait3A_78] : memref<10240x64xf32, #tpu.memory_space<vmem_shared>> -> memref<10240x64xf32, #tpu.memory_space<vmem_shared>>
    tpu.wait_indirect_dma semaphore(%arg11 : memref<!tpu.dma_semaphore, #tpu.memory_space<semaphore_mem>>) src(%dma_wait3A_73 : memref<128x64xf32, #tpu.memory_space<vmem>>) dst(%dma_wait3A_79 : memref<10240x64xf32, #tpu.memory_space<vmem_shared>>)
    %barrier3A_80 = arith.constant 0 : index
    tpu.barrier barrier_id(%barrier3A_80)
    "tpu.region"() ({
      %run_scoped3A = tpu.sem_alloc : memref<!tpu.dma_semaphore, #tpu.memory_space<semaphore_mem>>
      %dma_start3A_81 = arith.constant 0 : i32
      %dma_start3A_82 = tpu.memref_slice %arg6[%arg0, %mul3A_4, %dma_start3A_81] : memref<2x10240x64xf32, #tpu.memory_space<hbm>> -> memref<1x640x64xf32, #tpu.memory_space<hbm>>
      %dma_start3A_83 = tpu.memref_squeeze %dma_start3A_82 : memref<1x640x64xf32, #tpu.memory_space<hbm>> -> memref<640x64xf32, #tpu.memory_space<hbm>>
      %dma_start3A_84 = arith.constant 0 : i32
      %dma_start3A_85 = tpu.memref_slice %arg12[%mul3A_4, %dma_start3A_84] : memref<10240x64xf32, #tpu.memory_space<vmem_shared>> -> memref<640x64xf32, #tpu.memory_space<vmem_shared>>
      tpu.enqueue_dma source(%dma_start3A_85 : memref<640x64xf32, #tpu.memory_space<vmem_shared>>) target(%dma_start3A_83 : memref<640x64xf32, #tpu.memory_space<hbm>>) target_semaphore(%run_scoped3A : memref<!tpu.dma_semaphore, #tpu.memory_space<semaphore_mem>>)
      %dma_wait3A_86 = arith.constant 0 : i32
      %dma_wait3A_87 = tpu.memref_slice %arg6[%arg0, %mul3A_4, %dma_wait3A_86] : memref<2x10240x64xf32, #tpu.memory_space<hbm>> -> memref<1x640x64xf32, #tpu.memory_space<hbm>>
      %dma_wait3A_88 = tpu.memref_squeeze %dma_wait3A_87 : memref<1x640x64xf32, #tpu.memory_space<hbm>> -> memref<640x64xf32, #tpu.memory_space<hbm>>
      %dma_wait3A_89 = arith.constant 0 : i32
      %dma_wait3A_90 = tpu.memref_slice %arg12[%mul3A_4, %dma_wait3A_89] : memref<10240x64xf32, #tpu.memory_space<vmem_shared>> -> memref<640x64xf32, #tpu.memory_space<vmem_shared>>
      tpu.wait_dma2 semaphore(%run_scoped3A : memref<!tpu.dma_semaphore, #tpu.memory_space<semaphore_mem>>) src(%dma_wait3A_90 : memref<640x64xf32, #tpu.memory_space<vmem_shared>>) dst(%dma_wait3A_88 : memref<640x64xf32, #tpu.memory_space<hbm>>)
      tpu.yield
    }) : () -> ()
    return
  }
}

#map = affine_map<(d0, d1) -> (0, 0)>
#map1 = affine_map<(d0, d1) -> (0, 0, 0, 0)>
module attributes {stable_mosaic.version = 14 : i64} {
  func.func @_deg_body(%arg0: i32, %arg1: i32, %arg2: memref<2560x128xi32, #tpu.memory_space<hbm>>, %arg3: memref<2560x128xi32, #tpu.memory_space<hbm>>, %arg4: memref<128x16xf32, #tpu.memory_space<hbm>>, %arg5: memref<10240x16xf32, #tpu.memory_space<hbm>>, %arg6: memref<2x2x10240x16xf32, #tpu.memory_space<hbm>>, %arg7: memref<80x128xi32, #tpu.memory_space<vmem>>, %arg8: memref<80x128xi32, #tpu.memory_space<vmem>>, %arg9: memref<128x16xf32, #tpu.memory_space<vmem>>, %arg10: memref<10240x16xf32, #tpu.memory_space<vmem_shared>>, %arg11: memref<10240x16xf32, #tpu.memory_space<vmem_shared>>) attributes {dimension_semantics = [#tpu.dimension_semantics<core_parallel>, #tpu.dimension_semantics<subcore_parallel>], iteration_bounds = array<i64: 2, 16>, scalar_prefetch = 0 : i64, scratch_operands = 5 : i64, tpu.core_type = #tpu.core_type<sc_vector_subcore>, window_params = [{transform_indices = #map}, {transform_indices = #map}, {transform_indices = #map}, {transform_indices = #map}, {transform_indices = #map1}]} {
    %mul3A = arith.constant 16 : i32
    %mul3A_0 = arith.muli %arg0, %mul3A : i32
    %add3A = arith.addi %mul3A_0, %arg1 : i32
    %mul3A_1 = arith.constant 80 : i32
    %mul3A_2 = arith.muli %add3A, %mul3A_1 : i32
    "tpu.region"() ({
      %run_scoped3A_14 = tpu.sem_alloc : memref<!tpu.dma_semaphore, #tpu.memory_space<semaphore_mem>>
      %dma_start3A = arith.constant 0 : i32
      %dma_start3A_15 = tpu.memref_slice %arg2[%mul3A_2, %dma_start3A] : memref<2560x128xi32, #tpu.memory_space<hbm>> -> memref<80x128xi32, #tpu.memory_space<hbm>>
      %dma_start3A_16 = arith.constant 0 : i32
      %dma_start3A_17 = tpu.memref_slice %arg2[%mul3A_2, %dma_start3A_16] : memref<2560x128xi32, #tpu.memory_space<hbm>> -> memref<80x128xi32, #tpu.memory_space<hbm>>
      tpu.enqueue_dma source(%dma_start3A_17 : memref<80x128xi32, #tpu.memory_space<hbm>>) target(%arg7 : memref<80x128xi32, #tpu.memory_space<vmem>>) target_semaphore(%run_scoped3A_14 : memref<!tpu.dma_semaphore, #tpu.memory_space<semaphore_mem>>)
      %dma_wait3A = arith.constant 0 : i32
      %dma_wait3A_18 = tpu.memref_slice %arg2[%mul3A_2, %dma_wait3A] : memref<2560x128xi32, #tpu.memory_space<hbm>> -> memref<80x128xi32, #tpu.memory_space<hbm>>
      %dma_wait3A_19 = arith.constant 0 : i32
      %dma_wait3A_20 = tpu.memref_slice %arg2[%mul3A_2, %dma_wait3A_19] : memref<2560x128xi32, #tpu.memory_space<hbm>> -> memref<80x128xi32, #tpu.memory_space<hbm>>
      tpu.wait_dma2 semaphore(%run_scoped3A_14 : memref<!tpu.dma_semaphore, #tpu.memory_space<semaphore_mem>>) src(%dma_wait3A_20 : memref<80x128xi32, #tpu.memory_space<hbm>>) dst(%arg7 : memref<80x128xi32, #tpu.memory_space<vmem>>)
      tpu.yield
    }) : () -> ()
    %mul3A_3 = arith.constant 80 : i32
    %mul3A_4 = arith.muli %add3A, %mul3A_3 : i32
    "tpu.region"() ({
      %run_scoped3A_14 = tpu.sem_alloc : memref<!tpu.dma_semaphore, #tpu.memory_space<semaphore_mem>>
      %dma_start3A = arith.constant 0 : i32
      %dma_start3A_15 = tpu.memref_slice %arg3[%mul3A_4, %dma_start3A] : memref<2560x128xi32, #tpu.memory_space<hbm>> -> memref<80x128xi32, #tpu.memory_space<hbm>>
      %dma_start3A_16 = arith.constant 0 : i32
      %dma_start3A_17 = tpu.memref_slice %arg3[%mul3A_4, %dma_start3A_16] : memref<2560x128xi32, #tpu.memory_space<hbm>> -> memref<80x128xi32, #tpu.memory_space<hbm>>
      tpu.enqueue_dma source(%dma_start3A_17 : memref<80x128xi32, #tpu.memory_space<hbm>>) target(%arg8 : memref<80x128xi32, #tpu.memory_space<vmem>>) target_semaphore(%run_scoped3A_14 : memref<!tpu.dma_semaphore, #tpu.memory_space<semaphore_mem>>)
      %dma_wait3A = arith.constant 0 : i32
      %dma_wait3A_18 = tpu.memref_slice %arg3[%mul3A_4, %dma_wait3A] : memref<2560x128xi32, #tpu.memory_space<hbm>> -> memref<80x128xi32, #tpu.memory_space<hbm>>
      %dma_wait3A_19 = arith.constant 0 : i32
      %dma_wait3A_20 = tpu.memref_slice %arg3[%mul3A_4, %dma_wait3A_19] : memref<2560x128xi32, #tpu.memory_space<hbm>> -> memref<80x128xi32, #tpu.memory_space<hbm>>
      tpu.wait_dma2 semaphore(%run_scoped3A_14 : memref<!tpu.dma_semaphore, #tpu.memory_space<semaphore_mem>>) src(%dma_wait3A_20 : memref<80x128xi32, #tpu.memory_space<hbm>>) dst(%arg8 : memref<80x128xi32, #tpu.memory_space<vmem>>)
      tpu.yield
    }) : () -> ()
    "tpu.region"() ({
      %run_scoped3A_14 = tpu.sem_alloc : memref<!tpu.dma_semaphore, #tpu.memory_space<semaphore_mem>>
      tpu.enqueue_dma source(%arg4 : memref<128x16xf32, #tpu.memory_space<hbm>>) target(%arg9 : memref<128x16xf32, #tpu.memory_space<vmem>>) target_semaphore(%run_scoped3A_14 : memref<!tpu.dma_semaphore, #tpu.memory_space<semaphore_mem>>)
      tpu.wait_dma2 semaphore(%run_scoped3A_14 : memref<!tpu.dma_semaphore, #tpu.memory_space<semaphore_mem>>) src(%arg4 : memref<128x16xf32, #tpu.memory_space<hbm>>) dst(%arg9 : memref<128x16xf32, #tpu.memory_space<vmem>>)
      tpu.yield
    }) : () -> ()
    %mul3A_5 = arith.constant 640 : i32
    %mul3A_6 = arith.muli %arg1, %mul3A_5 : i32
    "tpu.region"() ({
      %run_scoped3A_14 = tpu.sem_alloc : memref<!tpu.dma_semaphore, #tpu.memory_space<semaphore_mem>>
      %dma_start3A = arith.constant 0 : i32
      %dma_start3A_15 = tpu.memref_slice %arg10[%mul3A_6, %dma_start3A] : memref<10240x16xf32, #tpu.memory_space<vmem_shared>> -> memref<640x16xf32, #tpu.memory_space<vmem_shared>>
      %dma_start3A_16 = arith.constant 0 : i32
      %dma_start3A_17 = tpu.memref_slice %arg5[%mul3A_6, %dma_start3A_16] : memref<10240x16xf32, #tpu.memory_space<hbm>> -> memref<640x16xf32, #tpu.memory_space<hbm>>
      tpu.enqueue_dma source(%dma_start3A_17 : memref<640x16xf32, #tpu.memory_space<hbm>>) target(%dma_start3A_15 : memref<640x16xf32, #tpu.memory_space<vmem_shared>>) target_semaphore(%run_scoped3A_14 : memref<!tpu.dma_semaphore, #tpu.memory_space<semaphore_mem>>)
      %dma_wait3A = arith.constant 0 : i32
      %dma_wait3A_18 = tpu.memref_slice %arg10[%mul3A_6, %dma_wait3A] : memref<10240x16xf32, #tpu.memory_space<vmem_shared>> -> memref<640x16xf32, #tpu.memory_space<vmem_shared>>
      %dma_wait3A_19 = arith.constant 0 : i32
      %dma_wait3A_20 = tpu.memref_slice %arg5[%mul3A_6, %dma_wait3A_19] : memref<10240x16xf32, #tpu.memory_space<hbm>> -> memref<640x16xf32, #tpu.memory_space<hbm>>
      tpu.wait_dma2 semaphore(%run_scoped3A_14 : memref<!tpu.dma_semaphore, #tpu.memory_space<semaphore_mem>>) src(%dma_wait3A_20 : memref<640x16xf32, #tpu.memory_space<hbm>>) dst(%dma_wait3A_18 : memref<640x16xf32, #tpu.memory_space<vmem_shared>>)
      tpu.yield
    }) : () -> ()
    "tpu.region"() ({
      %run_scoped3A_14 = tpu.sem_alloc : memref<!tpu.dma_semaphore, #tpu.memory_space<semaphore_mem>>
      %dma_start3A = arith.constant 0 : i32
      %dma_start3A_15 = tpu.memref_slice %arg11[%mul3A_6, %dma_start3A] : memref<10240x16xf32, #tpu.memory_space<vmem_shared>> -> memref<640x16xf32, #tpu.memory_space<vmem_shared>>
      %dma_start3A_16 = arith.constant 0 : i32
      %dma_start3A_17 = tpu.memref_slice %arg5[%mul3A_6, %dma_start3A_16] : memref<10240x16xf32, #tpu.memory_space<hbm>> -> memref<640x16xf32, #tpu.memory_space<hbm>>
      tpu.enqueue_dma source(%dma_start3A_17 : memref<640x16xf32, #tpu.memory_space<hbm>>) target(%dma_start3A_15 : memref<640x16xf32, #tpu.memory_space<vmem_shared>>) target_semaphore(%run_scoped3A_14 : memref<!tpu.dma_semaphore, #tpu.memory_space<semaphore_mem>>)
      %dma_wait3A = arith.constant 0 : i32
      %dma_wait3A_18 = tpu.memref_slice %arg11[%mul3A_6, %dma_wait3A] : memref<10240x16xf32, #tpu.memory_space<vmem_shared>> -> memref<640x16xf32, #tpu.memory_space<vmem_shared>>
      %dma_wait3A_19 = arith.constant 0 : i32
      %dma_wait3A_20 = tpu.memref_slice %arg5[%mul3A_6, %dma_wait3A_19] : memref<10240x16xf32, #tpu.memory_space<hbm>> -> memref<640x16xf32, #tpu.memory_space<hbm>>
      tpu.wait_dma2 semaphore(%run_scoped3A_14 : memref<!tpu.dma_semaphore, #tpu.memory_space<semaphore_mem>>) src(%dma_wait3A_20 : memref<640x16xf32, #tpu.memory_space<hbm>>) dst(%dma_wait3A_18 : memref<640x16xf32, #tpu.memory_space<vmem_shared>>)
      tpu.yield
    }) : () -> ()
    %barrier3A = arith.constant 0 : index
    tpu.barrier barrier_id(%barrier3A)
    %scan3A = arith.constant 0 : i32
    %scan3A_7 = arith.constant 0 : i32
    %scan3A_8 = arith.constant 80 : i32
    %scan3A_9 = arith.addi %scan3A_7, %scan3A_8 : i32
    %scan3A_10 = arith.constant 1 : i32
    scf.for %scan3A_14 = %scan3A_7 to %scan3A_9 step %scan3A_10  : i32 {
      "tpu.region"() ({
        %run_scoped3A_15 = tpu.sem_alloc : memref<!tpu.dma_semaphore, #tpu.memory_space<semaphore_mem>>
        %dma_start3A = arith.constant 0 : i32
        %dma_start3A_16 = tpu.memref_slice %arg7[%scan3A_14, %dma_start3A] : memref<80x128xi32, #tpu.memory_space<vmem>> -> memref<1x128xi32, #tpu.memory_space<vmem>>
        %dma_start3A_17 = tpu.memref_squeeze %dma_start3A_16 : memref<1x128xi32, #tpu.memory_space<vmem>> -> memref<128xi32, #tpu.memory_space<vmem>>
        %dma_start3A_18 = arith.constant 0 : i32
        %dma_start3A_19 = arith.constant 0 : i32
        %dma_start3A_20 = tpu.memref_slice %arg10[%dma_start3A_18, %dma_start3A_19] : memref<10240x16xf32, #tpu.memory_space<vmem_shared>> -> memref<10240x16xf32, #tpu.memory_space<vmem_shared>>
        tpu.enqueue_indirect_dma source(%arg9 : memref<128x16xf32, #tpu.memory_space<vmem>>) target(%dma_start3A_20 : memref<10240x16xf32, #tpu.memory_space<vmem_shared>>) offsets(%dma_start3A_17 : memref<128xi32, #tpu.memory_space<vmem>>) semaphore(%run_scoped3A_15 : memref<!tpu.dma_semaphore, #tpu.memory_space<semaphore_mem>>) {add = true}
        %dma_wait3A = arith.constant 0 : i32
        %dma_wait3A_21 = tpu.memref_slice %arg7[%scan3A_14, %dma_wait3A] : memref<80x128xi32, #tpu.memory_space<vmem>> -> memref<1x128xi32, #tpu.memory_space<vmem>>
        %dma_wait3A_22 = tpu.memref_squeeze %dma_wait3A_21 : memref<1x128xi32, #tpu.memory_space<vmem>> -> memref<128xi32, #tpu.memory_space<vmem>>
        %dma_wait3A_23 = arith.constant 0 : i32
        %dma_wait3A_24 = arith.constant 0 : i32
        %dma_wait3A_25 = tpu.memref_slice %arg10[%dma_wait3A_23, %dma_wait3A_24] : memref<10240x16xf32, #tpu.memory_space<vmem_shared>> -> memref<10240x16xf32, #tpu.memory_space<vmem_shared>>
        tpu.wait_indirect_dma semaphore(%run_scoped3A_15 : memref<!tpu.dma_semaphore, #tpu.memory_space<semaphore_mem>>) src(%arg9 : memref<128x16xf32, #tpu.memory_space<vmem>>) dst(%dma_wait3A_25 : memref<10240x16xf32, #tpu.memory_space<vmem_shared>>)
        tpu.yield
      }) : () -> ()
      "tpu.region"() ({
        %run_scoped3A_15 = tpu.sem_alloc : memref<!tpu.dma_semaphore, #tpu.memory_space<semaphore_mem>>
        %dma_start3A = arith.constant 0 : i32
        %dma_start3A_16 = tpu.memref_slice %arg8[%scan3A_14, %dma_start3A] : memref<80x128xi32, #tpu.memory_space<vmem>> -> memref<1x128xi32, #tpu.memory_space<vmem>>
        %dma_start3A_17 = tpu.memref_squeeze %dma_start3A_16 : memref<1x128xi32, #tpu.memory_space<vmem>> -> memref<128xi32, #tpu.memory_space<vmem>>
        %dma_start3A_18 = arith.constant 0 : i32
        %dma_start3A_19 = arith.constant 0 : i32
        %dma_start3A_20 = tpu.memref_slice %arg11[%dma_start3A_18, %dma_start3A_19] : memref<10240x16xf32, #tpu.memory_space<vmem_shared>> -> memref<10240x16xf32, #tpu.memory_space<vmem_shared>>
        tpu.enqueue_indirect_dma source(%arg9 : memref<128x16xf32, #tpu.memory_space<vmem>>) target(%dma_start3A_20 : memref<10240x16xf32, #tpu.memory_space<vmem_shared>>) offsets(%dma_start3A_17 : memref<128xi32, #tpu.memory_space<vmem>>) semaphore(%run_scoped3A_15 : memref<!tpu.dma_semaphore, #tpu.memory_space<semaphore_mem>>) {add = true}
        %dma_wait3A = arith.constant 0 : i32
        %dma_wait3A_21 = tpu.memref_slice %arg8[%scan3A_14, %dma_wait3A] : memref<80x128xi32, #tpu.memory_space<vmem>> -> memref<1x128xi32, #tpu.memory_space<vmem>>
        %dma_wait3A_22 = tpu.memref_squeeze %dma_wait3A_21 : memref<1x128xi32, #tpu.memory_space<vmem>> -> memref<128xi32, #tpu.memory_space<vmem>>
        %dma_wait3A_23 = arith.constant 0 : i32
        %dma_wait3A_24 = arith.constant 0 : i32
        %dma_wait3A_25 = tpu.memref_slice %arg11[%dma_wait3A_23, %dma_wait3A_24] : memref<10240x16xf32, #tpu.memory_space<vmem_shared>> -> memref<10240x16xf32, #tpu.memory_space<vmem_shared>>
        tpu.wait_indirect_dma semaphore(%run_scoped3A_15 : memref<!tpu.dma_semaphore, #tpu.memory_space<semaphore_mem>>) src(%arg9 : memref<128x16xf32, #tpu.memory_space<vmem>>) dst(%dma_wait3A_25 : memref<10240x16xf32, #tpu.memory_space<vmem_shared>>)
        tpu.yield
      }) : () -> ()
    }
    %scan3A_11 = arith.constant 80 : i32
    %barrier3A_12 = arith.constant 0 : index
    tpu.barrier barrier_id(%barrier3A_12)
    %run_scoped3A = arith.constant 0 : i32
    "tpu.region"() ({
      %run_scoped3A_14 = tpu.sem_alloc : memref<!tpu.dma_semaphore, #tpu.memory_space<semaphore_mem>>
      %dma_start3A = arith.constant 0 : i32
      %dma_start3A_15 = tpu.memref_slice %arg6[%arg0, %run_scoped3A, %mul3A_6, %dma_start3A] : memref<2x2x10240x16xf32, #tpu.memory_space<hbm>> -> memref<1x1x640x16xf32, #tpu.memory_space<hbm>>
      %dma_start3A_16 = tpu.memref_squeeze %dma_start3A_15 : memref<1x1x640x16xf32, #tpu.memory_space<hbm>> -> memref<640x16xf32, #tpu.memory_space<hbm>>
      %dma_start3A_17 = arith.constant 0 : i32
      %dma_start3A_18 = tpu.memref_slice %arg10[%mul3A_6, %dma_start3A_17] : memref<10240x16xf32, #tpu.memory_space<vmem_shared>> -> memref<640x16xf32, #tpu.memory_space<vmem_shared>>
      tpu.enqueue_dma source(%dma_start3A_18 : memref<640x16xf32, #tpu.memory_space<vmem_shared>>) target(%dma_start3A_16 : memref<640x16xf32, #tpu.memory_space<hbm>>) target_semaphore(%run_scoped3A_14 : memref<!tpu.dma_semaphore, #tpu.memory_space<semaphore_mem>>)
      %dma_wait3A = arith.constant 0 : i32
      %dma_wait3A_19 = tpu.memref_slice %arg6[%arg0, %run_scoped3A, %mul3A_6, %dma_wait3A] : memref<2x2x10240x16xf32, #tpu.memory_space<hbm>> -> memref<1x1x640x16xf32, #tpu.memory_space<hbm>>
      %dma_wait3A_20 = tpu.memref_squeeze %dma_wait3A_19 : memref<1x1x640x16xf32, #tpu.memory_space<hbm>> -> memref<640x16xf32, #tpu.memory_space<hbm>>
      %dma_wait3A_21 = arith.constant 0 : i32
      %dma_wait3A_22 = tpu.memref_slice %arg10[%mul3A_6, %dma_wait3A_21] : memref<10240x16xf32, #tpu.memory_space<vmem_shared>> -> memref<640x16xf32, #tpu.memory_space<vmem_shared>>
      tpu.wait_dma2 semaphore(%run_scoped3A_14 : memref<!tpu.dma_semaphore, #tpu.memory_space<semaphore_mem>>) src(%dma_wait3A_22 : memref<640x16xf32, #tpu.memory_space<vmem_shared>>) dst(%dma_wait3A_20 : memref<640x16xf32, #tpu.memory_space<hbm>>)
      tpu.yield
    }) : () -> ()
    %run_scoped3A_13 = arith.constant 1 : i32
    "tpu.region"() ({
      %run_scoped3A_14 = tpu.sem_alloc : memref<!tpu.dma_semaphore, #tpu.memory_space<semaphore_mem>>
      %dma_start3A = arith.constant 0 : i32
      %dma_start3A_15 = tpu.memref_slice %arg6[%arg0, %run_scoped3A_13, %mul3A_6, %dma_start3A] : memref<2x2x10240x16xf32, #tpu.memory_space<hbm>> -> memref<1x1x640x16xf32, #tpu.memory_space<hbm>>
      %dma_start3A_16 = tpu.memref_squeeze %dma_start3A_15 : memref<1x1x640x16xf32, #tpu.memory_space<hbm>> -> memref<640x16xf32, #tpu.memory_space<hbm>>
      %dma_start3A_17 = arith.constant 0 : i32
      %dma_start3A_18 = tpu.memref_slice %arg11[%mul3A_6, %dma_start3A_17] : memref<10240x16xf32, #tpu.memory_space<vmem_shared>> -> memref<640x16xf32, #tpu.memory_space<vmem_shared>>
      tpu.enqueue_dma source(%dma_start3A_18 : memref<640x16xf32, #tpu.memory_space<vmem_shared>>) target(%dma_start3A_16 : memref<640x16xf32, #tpu.memory_space<hbm>>) target_semaphore(%run_scoped3A_14 : memref<!tpu.dma_semaphore, #tpu.memory_space<semaphore_mem>>)
      %dma_wait3A = arith.constant 0 : i32
      %dma_wait3A_19 = tpu.memref_slice %arg6[%arg0, %run_scoped3A_13, %mul3A_6, %dma_wait3A] : memref<2x2x10240x16xf32, #tpu.memory_space<hbm>> -> memref<1x1x640x16xf32, #tpu.memory_space<hbm>>
      %dma_wait3A_20 = tpu.memref_squeeze %dma_wait3A_19 : memref<1x1x640x16xf32, #tpu.memory_space<hbm>> -> memref<640x16xf32, #tpu.memory_space<hbm>>
      %dma_wait3A_21 = arith.constant 0 : i32
      %dma_wait3A_22 = tpu.memref_slice %arg11[%mul3A_6, %dma_wait3A_21] : memref<10240x16xf32, #tpu.memory_space<vmem_shared>> -> memref<640x16xf32, #tpu.memory_space<vmem_shared>>
      tpu.wait_dma2 semaphore(%run_scoped3A_14 : memref<!tpu.dma_semaphore, #tpu.memory_space<semaphore_mem>>) src(%dma_wait3A_22 : memref<640x16xf32, #tpu.memory_space<vmem_shared>>) dst(%dma_wait3A_20 : memref<640x16xf32, #tpu.memory_space<hbm>>)
      tpu.yield
    }) : () -> ()
    return
  }
}

#map = affine_map<(d0, d1) -> (0, 0, 0)>
#map1 = affine_map<(d0, d1) -> (0, 0)>
module attributes {stable_mosaic.version = 14 : i64} {
  func.func @_agg_body(%arg0: i32, %arg1: i32, %arg2: memref<2x10240x64xf32, #tpu.memory_space<hbm>>, %arg3: memref<2560x128xi32, #tpu.memory_space<hbm>>, %arg4: memref<2560x128xi32, #tpu.memory_space<hbm>>, %arg5: memref<10240x64xf32, #tpu.memory_space<hbm>>, %arg6: memref<2x10240x64xf32, #tpu.memory_space<hbm>>, %arg7: memref<160x128xi32, #tpu.memory_space<vmem>>, %arg8: memref<160x128xi32, #tpu.memory_space<vmem>>, %arg9: memref<5x128x64xf32, #tpu.memory_space<vmem>>, %arg10: memref<!tpu.dma_semaphore, #tpu.memory_space<semaphore_mem>>, %arg11: memref<!tpu.dma_semaphore, #tpu.memory_space<semaphore_mem>>, %arg12: memref<10240x64xf32, #tpu.memory_space<vmem_shared>>) attributes {dimension_semantics = [#tpu.dimension_semantics<core_parallel>, #tpu.dimension_semantics<subcore_parallel>], iteration_bounds = array<i64: 2, 16>, scalar_prefetch = 0 : i64, scratch_operands = 6 : i64, tpu.core_type = #tpu.core_type<sc_vector_subcore>, window_params = [{transform_indices = #map}, {transform_indices = #map1}, {transform_indices = #map1}, {transform_indices = #map1}, {transform_indices = #map}]} {
    %mul3A = arith.constant 160 : i32
    %mul3A_0 = arith.muli %arg1, %mul3A : i32
    "tpu.region"() ({
      %run_scoped3A = tpu.sem_alloc : memref<!tpu.dma_semaphore, #tpu.memory_space<semaphore_mem>>
      %dma_start3A_81 = arith.constant 0 : i32
      %dma_start3A_82 = tpu.memref_slice %arg3[%mul3A_0, %dma_start3A_81] : memref<2560x128xi32, #tpu.memory_space<hbm>> -> memref<160x128xi32, #tpu.memory_space<hbm>>
      %dma_start3A_83 = arith.constant 0 : i32
      %dma_start3A_84 = tpu.memref_slice %arg3[%mul3A_0, %dma_start3A_83] : memref<2560x128xi32, #tpu.memory_space<hbm>> -> memref<160x128xi32, #tpu.memory_space<hbm>>
      tpu.enqueue_dma source(%dma_start3A_84 : memref<160x128xi32, #tpu.memory_space<hbm>>) target(%arg7 : memref<160x128xi32, #tpu.memory_space<vmem>>) target_semaphore(%run_scoped3A : memref<!tpu.dma_semaphore, #tpu.memory_space<semaphore_mem>>)
      %dma_wait3A_85 = arith.constant 0 : i32
      %dma_wait3A_86 = tpu.memref_slice %arg3[%mul3A_0, %dma_wait3A_85] : memref<2560x128xi32, #tpu.memory_space<hbm>> -> memref<160x128xi32, #tpu.memory_space<hbm>>
      %dma_wait3A_87 = arith.constant 0 : i32
      %dma_wait3A_88 = tpu.memref_slice %arg3[%mul3A_0, %dma_wait3A_87] : memref<2560x128xi32, #tpu.memory_space<hbm>> -> memref<160x128xi32, #tpu.memory_space<hbm>>
      tpu.wait_dma2 semaphore(%run_scoped3A : memref<!tpu.dma_semaphore, #tpu.memory_space<semaphore_mem>>) src(%dma_wait3A_88 : memref<160x128xi32, #tpu.memory_space<hbm>>) dst(%arg7 : memref<160x128xi32, #tpu.memory_space<vmem>>)
      tpu.yield
    }) : () -> ()
    %mul3A_1 = arith.constant 160 : i32
    %mul3A_2 = arith.muli %arg1, %mul3A_1 : i32
    "tpu.region"() ({
      %run_scoped3A = tpu.sem_alloc : memref<!tpu.dma_semaphore, #tpu.memory_space<semaphore_mem>>
      %dma_start3A_81 = arith.constant 0 : i32
      %dma_start3A_82 = tpu.memref_slice %arg4[%mul3A_2, %dma_start3A_81] : memref<2560x128xi32, #tpu.memory_space<hbm>> -> memref<160x128xi32, #tpu.memory_space<hbm>>
      %dma_start3A_83 = arith.constant 0 : i32
      %dma_start3A_84 = tpu.memref_slice %arg4[%mul3A_2, %dma_start3A_83] : memref<2560x128xi32, #tpu.memory_space<hbm>> -> memref<160x128xi32, #tpu.memory_space<hbm>>
      tpu.enqueue_dma source(%dma_start3A_84 : memref<160x128xi32, #tpu.memory_space<hbm>>) target(%arg8 : memref<160x128xi32, #tpu.memory_space<vmem>>) target_semaphore(%run_scoped3A : memref<!tpu.dma_semaphore, #tpu.memory_space<semaphore_mem>>)
      %dma_wait3A_85 = arith.constant 0 : i32
      %dma_wait3A_86 = tpu.memref_slice %arg4[%mul3A_2, %dma_wait3A_85] : memref<2560x128xi32, #tpu.memory_space<hbm>> -> memref<160x128xi32, #tpu.memory_space<hbm>>
      %dma_wait3A_87 = arith.constant 0 : i32
      %dma_wait3A_88 = tpu.memref_slice %arg4[%mul3A_2, %dma_wait3A_87] : memref<2560x128xi32, #tpu.memory_space<hbm>> -> memref<160x128xi32, #tpu.memory_space<hbm>>
      tpu.wait_dma2 semaphore(%run_scoped3A : memref<!tpu.dma_semaphore, #tpu.memory_space<semaphore_mem>>) src(%dma_wait3A_88 : memref<160x128xi32, #tpu.memory_space<hbm>>) dst(%arg8 : memref<160x128xi32, #tpu.memory_space<vmem>>)
      tpu.yield
    }) : () -> ()
    %mul3A_3 = arith.constant 640 : i32
    %mul3A_4 = arith.muli %arg1, %mul3A_3 : i32
    "tpu.region"() ({
      %run_scoped3A = tpu.sem_alloc : memref<!tpu.dma_semaphore, #tpu.memory_space<semaphore_mem>>
      %dma_start3A_81 = arith.constant 0 : i32
      %dma_start3A_82 = tpu.memref_slice %arg12[%mul3A_4, %dma_start3A_81] : memref<10240x64xf32, #tpu.memory_space<vmem_shared>> -> memref<640x64xf32, #tpu.memory_space<vmem_shared>>
      %dma_start3A_83 = arith.constant 0 : i32
      %dma_start3A_84 = tpu.memref_slice %arg5[%mul3A_4, %dma_start3A_83] : memref<10240x64xf32, #tpu.memory_space<hbm>> -> memref<640x64xf32, #tpu.memory_space<hbm>>
      tpu.enqueue_dma source(%dma_start3A_84 : memref<640x64xf32, #tpu.memory_space<hbm>>) target(%dma_start3A_82 : memref<640x64xf32, #tpu.memory_space<vmem_shared>>) target_semaphore(%run_scoped3A : memref<!tpu.dma_semaphore, #tpu.memory_space<semaphore_mem>>)
      %dma_wait3A_85 = arith.constant 0 : i32
      %dma_wait3A_86 = tpu.memref_slice %arg12[%mul3A_4, %dma_wait3A_85] : memref<10240x64xf32, #tpu.memory_space<vmem_shared>> -> memref<640x64xf32, #tpu.memory_space<vmem_shared>>
      %dma_wait3A_87 = arith.constant 0 : i32
      %dma_wait3A_88 = tpu.memref_slice %arg5[%mul3A_4, %dma_wait3A_87] : memref<10240x64xf32, #tpu.memory_space<hbm>> -> memref<640x64xf32, #tpu.memory_space<hbm>>
      tpu.wait_dma2 semaphore(%run_scoped3A : memref<!tpu.dma_semaphore, #tpu.memory_space<semaphore_mem>>) src(%dma_wait3A_88 : memref<640x64xf32, #tpu.memory_space<hbm>>) dst(%dma_wait3A_86 : memref<640x64xf32, #tpu.memory_space<vmem_shared>>)
      tpu.yield
    }) : () -> ()
    %barrier3A = arith.constant 0 : index
    tpu.barrier barrier_id(%barrier3A)
    %dma_start3A = arith.constant 0 : i32
    %dma_start3A_5 = arith.constant 0 : i32
    %dma_start3A_6 = arith.constant 0 : i32
    %dma_start3A_7 = arith.constant 0 : i32
    %dma_start3A_8 = tpu.memref_slice %arg9[%dma_start3A_5, %dma_start3A_6, %dma_start3A_7] : memref<5x128x64xf32, #tpu.memory_space<vmem>> -> memref<1x128x64xf32, #tpu.memory_space<vmem>>
    %dma_start3A_9 = tpu.memref_squeeze %dma_start3A_8 : memref<1x128x64xf32, #tpu.memory_space<vmem>> -> memref<128x64xf32, #tpu.memory_space<vmem>>
    %dma_start3A_10 = arith.constant 0 : i32
    %dma_start3A_11 = tpu.memref_slice %arg7[%dma_start3A, %dma_start3A_10] : memref<160x128xi32, #tpu.memory_space<vmem>> -> memref<1x128xi32, #tpu.memory_space<vmem>>
    %dma_start3A_12 = tpu.memref_squeeze %dma_start3A_11 : memref<1x128xi32, #tpu.memory_space<vmem>> -> memref<128xi32, #tpu.memory_space<vmem>>
    %dma_start3A_13 = arith.constant 0 : i32
    %dma_start3A_14 = arith.constant 0 : i32
    %dma_start3A_15 = tpu.memref_slice %arg2[%arg0, %dma_start3A_13, %dma_start3A_14] : memref<2x10240x64xf32, #tpu.memory_space<hbm>> -> memref<1x10240x64xf32, #tpu.memory_space<hbm>>
    %dma_start3A_16 = tpu.memref_squeeze %dma_start3A_15 : memref<1x10240x64xf32, #tpu.memory_space<hbm>> -> memref<10240x64xf32, #tpu.memory_space<hbm>>
    %dma_start3A_17 = arith.constant 0 : i32
    %dma_start3A_18 = arith.constant 0 : i32
    %dma_start3A_19 = tpu.memref_slice %dma_start3A_16[%dma_start3A_17, %dma_start3A_18] : memref<10240x64xf32, #tpu.memory_space<hbm>> -> memref<10240x64xf32, #tpu.memory_space<hbm>>
    tpu.enqueue_indirect_dma source(%dma_start3A_19 : memref<10240x64xf32, #tpu.memory_space<hbm>>) target(%dma_start3A_9 : memref<128x64xf32, #tpu.memory_space<vmem>>) offsets(%dma_start3A_12 : memref<128xi32, #tpu.memory_space<vmem>>) semaphore(%arg10 : memref<!tpu.dma_semaphore, #tpu.memory_space<semaphore_mem>>)
    %dma_start3A_20 = arith.constant 1 : i32
    %dma_start3A_21 = arith.constant 1 : i32
    %dma_start3A_22 = arith.constant 0 : i32
    %dma_start3A_23 = arith.constant 0 : i32
    %dma_start3A_24 = tpu.memref_slice %arg9[%dma_start3A_21, %dma_start3A_22, %dma_start3A_23] : memref<5x128x64xf32, #tpu.memory_space<vmem>> -> memref<1x128x64xf32, #tpu.memory_space<vmem>>
    %dma_start3A_25 = tpu.memref_squeeze %dma_start3A_24 : memref<1x128x64xf32, #tpu.memory_space<vmem>> -> memref<128x64xf32, #tpu.memory_space<vmem>>
    %dma_start3A_26 = arith.constant 0 : i32
    %dma_start3A_27 = tpu.memref_slice %arg7[%dma_start3A_20, %dma_start3A_26] : memref<160x128xi32, #tpu.memory_space<vmem>> -> memref<1x128xi32, #tpu.memory_space<vmem>>
    %dma_start3A_28 = tpu.memref_squeeze %dma_start3A_27 : memref<1x128xi32, #tpu.memory_space<vmem>> -> memref<128xi32, #tpu.memory_space<vmem>>
    %dma_start3A_29 = arith.constant 0 : i32
    %dma_start3A_30 = arith.constant 0 : i32
    %dma_start3A_31 = tpu.memref_slice %arg2[%arg0, %dma_start3A_29, %dma_start3A_30] : memref<2x10240x64xf32, #tpu.memory_space<hbm>> -> memref<1x10240x64xf32, #tpu.memory_space<hbm>>
    %dma_start3A_32 = tpu.memref_squeeze %dma_start3A_31 : memref<1x10240x64xf32, #tpu.memory_space<hbm>> -> memref<10240x64xf32, #tpu.memory_space<hbm>>
    %dma_start3A_33 = arith.constant 0 : i32
    %dma_start3A_34 = arith.constant 0 : i32
    %dma_start3A_35 = tpu.memref_slice %dma_start3A_32[%dma_start3A_33, %dma_start3A_34] : memref<10240x64xf32, #tpu.memory_space<hbm>> -> memref<10240x64xf32, #tpu.memory_space<hbm>>
    tpu.enqueue_indirect_dma source(%dma_start3A_35 : memref<10240x64xf32, #tpu.memory_space<hbm>>) target(%dma_start3A_25 : memref<128x64xf32, #tpu.memory_space<vmem>>) offsets(%dma_start3A_28 : memref<128xi32, #tpu.memory_space<vmem>>) semaphore(%arg10 : memref<!tpu.dma_semaphore, #tpu.memory_space<semaphore_mem>>)
    %dma_start3A_36 = arith.constant 2 : i32
    %dma_start3A_37 = arith.constant 2 : i32
    %dma_start3A_38 = arith.constant 0 : i32
    %dma_start3A_39 = arith.constant 0 : i32
    %dma_start3A_40 = tpu.memref_slice %arg9[%dma_start3A_37, %dma_start3A_38, %dma_start3A_39] : memref<5x128x64xf32, #tpu.memory_space<vmem>> -> memref<1x128x64xf32, #tpu.memory_space<vmem>>
    %dma_start3A_41 = tpu.memref_squeeze %dma_start3A_40 : memref<1x128x64xf32, #tpu.memory_space<vmem>> -> memref<128x64xf32, #tpu.memory_space<vmem>>
    %dma_start3A_42 = arith.constant 0 : i32
    %dma_start3A_43 = tpu.memref_slice %arg7[%dma_start3A_36, %dma_start3A_42] : memref<160x128xi32, #tpu.memory_space<vmem>> -> memref<1x128xi32, #tpu.memory_space<vmem>>
    %dma_start3A_44 = tpu.memref_squeeze %dma_start3A_43 : memref<1x128xi32, #tpu.memory_space<vmem>> -> memref<128xi32, #tpu.memory_space<vmem>>
    %dma_start3A_45 = arith.constant 0 : i32
    %dma_start3A_46 = arith.constant 0 : i32
    %dma_start3A_47 = tpu.memref_slice %arg2[%arg0, %dma_start3A_45, %dma_start3A_46] : memref<2x10240x64xf32, #tpu.memory_space<hbm>> -> memref<1x10240x64xf32, #tpu.memory_space<hbm>>
    %dma_start3A_48 = tpu.memref_squeeze %dma_start3A_47 : memref<1x10240x64xf32, #tpu.memory_space<hbm>> -> memref<10240x64xf32, #tpu.memory_space<hbm>>
    %dma_start3A_49 = arith.constant 0 : i32
    %dma_start3A_50 = arith.constant 0 : i32
    %dma_start3A_51 = tpu.memref_slice %dma_start3A_48[%dma_start3A_49, %dma_start3A_50] : memref<10240x64xf32, #tpu.memory_space<hbm>> -> memref<10240x64xf32, #tpu.memory_space<hbm>>
    tpu.enqueue_indirect_dma source(%dma_start3A_51 : memref<10240x64xf32, #tpu.memory_space<hbm>>) target(%dma_start3A_41 : memref<128x64xf32, #tpu.memory_space<vmem>>) offsets(%dma_start3A_44 : memref<128xi32, #tpu.memory_space<vmem>>) semaphore(%arg10 : memref<!tpu.dma_semaphore, #tpu.memory_space<semaphore_mem>>)
    %scan3A = arith.constant 0 : i32
    %scan3A_52 = arith.constant 0 : i32
    %scan3A_53 = arith.constant 32 : i32
    %scan3A_54 = arith.addi %scan3A_52, %scan3A_53 : i32
    %scan3A_55 = arith.constant 1 : i32
    scf.for %scan3A_81 = %scan3A_52 to %scan3A_54 step %scan3A_55  : i32 {
      %mul3A_82 = arith.constant 5 : i32
      %mul3A_83 = arith.muli %mul3A_82, %scan3A_81 : i32
      %add3A = arith.constant 0 : i32
      %add3A_84 = arith.addi %mul3A_83, %add3A : i32
      %dma_wait3A_85 = arith.constant 0 : i32
      %dma_wait3A_86 = arith.constant 0 : i32
      %dma_wait3A_87 = arith.constant 0 : i32
      %dma_wait3A_88 = tpu.memref_slice %arg9[%dma_wait3A_85, %dma_wait3A_86, %dma_wait3A_87] : memref<5x128x64xf32, #tpu.memory_space<vmem>> -> memref<1x128x64xf32, #tpu.memory_space<vmem>>
      %dma_wait3A_89 = tpu.memref_squeeze %dma_wait3A_88 : memref<1x128x64xf32, #tpu.memory_space<vmem>> -> memref<128x64xf32, #tpu.memory_space<vmem>>
      %dma_wait3A_90 = arith.constant 0 : i32
      %dma_wait3A_91 = tpu.memref_slice %arg7[%add3A_84, %dma_wait3A_90] : memref<160x128xi32, #tpu.memory_space<vmem>> -> memref<1x128xi32, #tpu.memory_space<vmem>>
      %dma_wait3A_92 = tpu.memref_squeeze %dma_wait3A_91 : memref<1x128xi32, #tpu.memory_space<vmem>> -> memref<128xi32, #tpu.memory_space<vmem>>
      %dma_wait3A_93 = arith.constant 0 : i32
      %dma_wait3A_94 = arith.constant 0 : i32
      %dma_wait3A_95 = tpu.memref_slice %arg2[%arg0, %dma_wait3A_93, %dma_wait3A_94] : memref<2x10240x64xf32, #tpu.memory_space<hbm>> -> memref<1x10240x64xf32, #tpu.memory_space<hbm>>
      %dma_wait3A_96 = tpu.memref_squeeze %dma_wait3A_95 : memref<1x10240x64xf32, #tpu.memory_space<hbm>> -> memref<10240x64xf32, #tpu.memory_space<hbm>>
      %dma_wait3A_97 = arith.constant 0 : i32
      %dma_wait3A_98 = arith.constant 0 : i32
      %dma_wait3A_99 = tpu.memref_slice %dma_wait3A_96[%dma_wait3A_97, %dma_wait3A_98] : memref<10240x64xf32, #tpu.memory_space<hbm>> -> memref<10240x64xf32, #tpu.memory_space<hbm>>
      tpu.wait_indirect_dma semaphore(%arg10 : memref<!tpu.dma_semaphore, #tpu.memory_space<semaphore_mem>>) src(%dma_wait3A_99 : memref<10240x64xf32, #tpu.memory_space<hbm>>) dst(%dma_wait3A_89 : memref<128x64xf32, #tpu.memory_space<vmem>>)
      %dma_start3A_100 = arith.constant 0 : i32
      %dma_start3A_101 = arith.constant 0 : i32
      %dma_start3A_102 = arith.constant 0 : i32
      %dma_start3A_103 = tpu.memref_slice %arg9[%dma_start3A_100, %dma_start3A_101, %dma_start3A_102] : memref<5x128x64xf32, #tpu.memory_space<vmem>> -> memref<1x128x64xf32, #tpu.memory_space<vmem>>
      %dma_start3A_104 = tpu.memref_squeeze %dma_start3A_103 : memref<1x128x64xf32, #tpu.memory_space<vmem>> -> memref<128x64xf32, #tpu.memory_space<vmem>>
      %dma_start3A_105 = arith.constant 0 : i32
      %dma_start3A_106 = tpu.memref_slice %arg8[%add3A_84, %dma_start3A_105] : memref<160x128xi32, #tpu.memory_space<vmem>> -> memref<1x128xi32, #tpu.memory_space<vmem>>
      %dma_start3A_107 = tpu.memref_squeeze %dma_start3A_106 : memref<1x128xi32, #tpu.memory_space<vmem>> -> memref<128xi32, #tpu.memory_space<vmem>>
      %dma_start3A_108 = arith.constant 0 : i32
      %dma_start3A_109 = arith.constant 0 : i32
      %dma_start3A_110 = tpu.memref_slice %arg12[%dma_start3A_108, %dma_start3A_109] : memref<10240x64xf32, #tpu.memory_space<vmem_shared>> -> memref<10240x64xf32, #tpu.memory_space<vmem_shared>>
      tpu.enqueue_indirect_dma source(%dma_start3A_104 : memref<128x64xf32, #tpu.memory_space<vmem>>) target(%dma_start3A_110 : memref<10240x64xf32, #tpu.memory_space<vmem_shared>>) offsets(%dma_start3A_107 : memref<128xi32, #tpu.memory_space<vmem>>) semaphore(%arg11 : memref<!tpu.dma_semaphore, #tpu.memory_space<semaphore_mem>>) {add = true}
      %ge3A = arith.constant 2 : i32
      %ge3A_111 = arith.cmpi sge, %add3A_84, %ge3A : i32
      %convert_element_type3A = arith.extui %ge3A_111 : i1 to i32
      %cond3A = arith.constant 0 : i32
      %cond3A_112 = arith.cmpi ne, %convert_element_type3A, %cond3A : i32
      scf.if %cond3A_112 {
        %sub3A = arith.constant 2 : i32
        %sub3A_279 = arith.subi %add3A_84, %sub3A : i32
        %dma_wait3A_280 = arith.constant 3 : i32
        %dma_wait3A_281 = arith.constant 0 : i32
        %dma_wait3A_282 = arith.constant 0 : i32
        %dma_wait3A_283 = tpu.memref_slice %arg9[%dma_wait3A_280, %dma_wait3A_281, %dma_wait3A_282] : memref<5x128x64xf32, #tpu.memory_space<vmem>> -> memref<1x128x64xf32, #tpu.memory_space<vmem>>
        %dma_wait3A_284 = tpu.memref_squeeze %dma_wait3A_283 : memref<1x128x64xf32, #tpu.memory_space<vmem>> -> memref<128x64xf32, #tpu.memory_space<vmem>>
        %dma_wait3A_285 = arith.constant 0 : i32
        %dma_wait3A_286 = tpu.memref_slice %arg8[%sub3A_279, %dma_wait3A_285] : memref<160x128xi32, #tpu.memory_space<vmem>> -> memref<1x128xi32, #tpu.memory_space<vmem>>
        %dma_wait3A_287 = tpu.memref_squeeze %dma_wait3A_286 : memref<1x128xi32, #tpu.memory_space<vmem>> -> memref<128xi32, #tpu.memory_space<vmem>>
        %dma_wait3A_288 = arith.constant 0 : i32
        %dma_wait3A_289 = arith.constant 0 : i32
        %dma_wait3A_290 = tpu.memref_slice %arg12[%dma_wait3A_288, %dma_wait3A_289] : memref<10240x64xf32, #tpu.memory_space<vmem_shared>> -> memref<10240x64xf32, #tpu.memory_space<vmem_shared>>
        tpu.wait_indirect_dma semaphore(%arg11 : memref<!tpu.dma_semaphore, #tpu.memory_space<semaphore_mem>>) src(%dma_wait3A_284 : memref<128x64xf32, #tpu.memory_space<vmem>>) dst(%dma_wait3A_290 : memref<10240x64xf32, #tpu.memory_space<vmem_shared>>)
      } else {
      }
      %add3A_113 = arith.constant 3 : i32
      %add3A_114 = arith.addi %add3A_84, %add3A_113 : i32
      %lt3A = arith.constant 160 : i32
      %lt3A_115 = arith.cmpi slt, %add3A_114, %lt3A : i32
      %convert_element_type3A_116 = arith.extui %lt3A_115 : i1 to i32
      %cond3A_117 = arith.constant 0 : i32
      %cond3A_118 = arith.cmpi ne, %convert_element_type3A_116, %cond3A_117 : i32
      scf.if %cond3A_118 {
        %add3A_279 = arith.constant 3 : i32
        %add3A_280 = arith.addi %add3A_84, %add3A_279 : i32
        %dma_start3A_281 = arith.constant 3 : i32
        %dma_start3A_282 = arith.constant 0 : i32
        %dma_start3A_283 = arith.constant 0 : i32
        %dma_start3A_284 = tpu.memref_slice %arg9[%dma_start3A_281, %dma_start3A_282, %dma_start3A_283] : memref<5x128x64xf32, #tpu.memory_space<vmem>> -> memref<1x128x64xf32, #tpu.memory_space<vmem>>
        %dma_start3A_285 = tpu.memref_squeeze %dma_start3A_284 : memref<1x128x64xf32, #tpu.memory_space<vmem>> -> memref<128x64xf32, #tpu.memory_space<vmem>>
        %dma_start3A_286 = arith.constant 0 : i32
        %dma_start3A_287 = tpu.memref_slice %arg7[%add3A_280, %dma_start3A_286] : memref<160x128xi32, #tpu.memory_space<vmem>> -> memref<1x128xi32, #tpu.memory_space<vmem>>
        %dma_start3A_288 = tpu.memref_squeeze %dma_start3A_287 : memref<1x128xi32, #tpu.memory_space<vmem>> -> memref<128xi32, #tpu.memory_space<vmem>>
        %dma_start3A_289 = arith.constant 0 : i32
        %dma_start3A_290 = arith.constant 0 : i32
        %dma_start3A_291 = tpu.memref_slice %arg2[%arg0, %dma_start3A_289, %dma_start3A_290] : memref<2x10240x64xf32, #tpu.memory_space<hbm>> -> memref<1x10240x64xf32, #tpu.memory_space<hbm>>
        %dma_start3A_292 = tpu.memref_squeeze %dma_start3A_291 : memref<1x10240x64xf32, #tpu.memory_space<hbm>> -> memref<10240x64xf32, #tpu.memory_space<hbm>>
        %dma_start3A_293 = arith.constant 0 : i32
        %dma_start3A_294 = arith.constant 0 : i32
        %dma_start3A_295 = tpu.memref_slice %dma_start3A_292[%dma_start3A_293, %dma_start3A_294] : memref<10240x64xf32, #tpu.memory_space<hbm>> -> memref<10240x64xf32, #tpu.memory_space<hbm>>
        tpu.enqueue_indirect_dma source(%dma_start3A_295 : memref<10240x64xf32, #tpu.memory_space<hbm>>) target(%dma_start3A_285 : memref<128x64xf32, #tpu.memory_space<vmem>>) offsets(%dma_start3A_288 : memref<128xi32, #tpu.memory_space<vmem>>) semaphore(%arg10 : memref<!tpu.dma_semaphore, #tpu.memory_space<semaphore_mem>>)
      } else {
      }
      %add3A_119 = arith.constant 1 : i32
      %add3A_120 = arith.addi %mul3A_83, %add3A_119 : i32
      %dma_wait3A_121 = arith.constant 1 : i32
      %dma_wait3A_122 = arith.constant 0 : i32
      %dma_wait3A_123 = arith.constant 0 : i32
      %dma_wait3A_124 = tpu.memref_slice %arg9[%dma_wait3A_121, %dma_wait3A_122, %dma_wait3A_123] : memref<5x128x64xf32, #tpu.memory_space<vmem>> -> memref<1x128x64xf32, #tpu.memory_space<vmem>>
      %dma_wait3A_125 = tpu.memref_squeeze %dma_wait3A_124 : memref<1x128x64xf32, #tpu.memory_space<vmem>> -> memref<128x64xf32, #tpu.memory_space<vmem>>
      %dma_wait3A_126 = arith.constant 0 : i32
      %dma_wait3A_127 = tpu.memref_slice %arg7[%add3A_120, %dma_wait3A_126] : memref<160x128xi32, #tpu.memory_space<vmem>> -> memref<1x128xi32, #tpu.memory_space<vmem>>
      %dma_wait3A_128 = tpu.memref_squeeze %dma_wait3A_127 : memref<1x128xi32, #tpu.memory_space<vmem>> -> memref<128xi32, #tpu.memory_space<vmem>>
      %dma_wait3A_129 = arith.constant 0 : i32
      %dma_wait3A_130 = arith.constant 0 : i32
      %dma_wait3A_131 = tpu.memref_slice %arg2[%arg0, %dma_wait3A_129, %dma_wait3A_130] : memref<2x10240x64xf32, #tpu.memory_space<hbm>> -> memref<1x10240x64xf32, #tpu.memory_space<hbm>>
      %dma_wait3A_132 = tpu.memref_squeeze %dma_wait3A_131 : memref<1x10240x64xf32, #tpu.memory_space<hbm>> -> memref<10240x64xf32, #tpu.memory_space<hbm>>
      %dma_wait3A_133 = arith.constant 0 : i32
      %dma_wait3A_134 = arith.constant 0 : i32
      %dma_wait3A_135 = tpu.memref_slice %dma_wait3A_132[%dma_wait3A_133, %dma_wait3A_134] : memref<10240x64xf32, #tpu.memory_space<hbm>> -> memref<10240x64xf32, #tpu.memory_space<hbm>>
      tpu.wait_indirect_dma semaphore(%arg10 : memref<!tpu.dma_semaphore, #tpu.memory_space<semaphore_mem>>) src(%dma_wait3A_135 : memref<10240x64xf32, #tpu.memory_space<hbm>>) dst(%dma_wait3A_125 : memref<128x64xf32, #tpu.memory_space<vmem>>)
      %dma_start3A_136 = arith.constant 1 : i32
      %dma_start3A_137 = arith.constant 0 : i32
      %dma_start3A_138 = arith.constant 0 : i32
      %dma_start3A_139 = tpu.memref_slice %arg9[%dma_start3A_136, %dma_start3A_137, %dma_start3A_138] : memref<5x128x64xf32, #tpu.memory_space<vmem>> -> memref<1x128x64xf32, #tpu.memory_space<vmem>>
      %dma_start3A_140 = tpu.memref_squeeze %dma_start3A_139 : memref<1x128x64xf32, #tpu.memory_space<vmem>> -> memref<128x64xf32, #tpu.memory_space<vmem>>
      %dma_start3A_141 = arith.constant 0 : i32
      %dma_start3A_142 = tpu.memref_slice %arg8[%add3A_120, %dma_start3A_141] : memref<160x128xi32, #tpu.memory_space<vmem>> -> memref<1x128xi32, #tpu.memory_space<vmem>>
      %dma_start3A_143 = tpu.memref_squeeze %dma_start3A_142 : memref<1x128xi32, #tpu.memory_space<vmem>> -> memref<128xi32, #tpu.memory_space<vmem>>
      %dma_start3A_144 = arith.constant 0 : i32
      %dma_start3A_145 = arith.constant 0 : i32
      %dma_start3A_146 = tpu.memref_slice %arg12[%dma_start3A_144, %dma_start3A_145] : memref<10240x64xf32, #tpu.memory_space<vmem_shared>> -> memref<10240x64xf32, #tpu.memory_space<vmem_shared>>
      tpu.enqueue_indirect_dma source(%dma_start3A_140 : memref<128x64xf32, #tpu.memory_space<vmem>>) target(%dma_start3A_146 : memref<10240x64xf32, #tpu.memory_space<vmem_shared>>) offsets(%dma_start3A_143 : memref<128xi32, #tpu.memory_space<vmem>>) semaphore(%arg11 : memref<!tpu.dma_semaphore, #tpu.memory_space<semaphore_mem>>) {add = true}
      %ge3A_147 = arith.constant 2 : i32
      %ge3A_148 = arith.cmpi sge, %add3A_120, %ge3A_147 : i32
      %convert_element_type3A_149 = arith.extui %ge3A_148 : i1 to i32
      %cond3A_150 = arith.constant 0 : i32
      %cond3A_151 = arith.cmpi ne, %convert_element_type3A_149, %cond3A_150 : i32
      scf.if %cond3A_151 {
        %sub3A = arith.constant 2 : i32
        %sub3A_279 = arith.subi %add3A_120, %sub3A : i32
        %dma_wait3A_280 = arith.constant 4 : i32
        %dma_wait3A_281 = arith.constant 0 : i32
        %dma_wait3A_282 = arith.constant 0 : i32
        %dma_wait3A_283 = tpu.memref_slice %arg9[%dma_wait3A_280, %dma_wait3A_281, %dma_wait3A_282] : memref<5x128x64xf32, #tpu.memory_space<vmem>> -> memref<1x128x64xf32, #tpu.memory_space<vmem>>
        %dma_wait3A_284 = tpu.memref_squeeze %dma_wait3A_283 : memref<1x128x64xf32, #tpu.memory_space<vmem>> -> memref<128x64xf32, #tpu.memory_space<vmem>>
        %dma_wait3A_285 = arith.constant 0 : i32
        %dma_wait3A_286 = tpu.memref_slice %arg8[%sub3A_279, %dma_wait3A_285] : memref<160x128xi32, #tpu.memory_space<vmem>> -> memref<1x128xi32, #tpu.memory_space<vmem>>
        %dma_wait3A_287 = tpu.memref_squeeze %dma_wait3A_286 : memref<1x128xi32, #tpu.memory_space<vmem>> -> memref<128xi32, #tpu.memory_space<vmem>>
        %dma_wait3A_288 = arith.constant 0 : i32
        %dma_wait3A_289 = arith.constant 0 : i32
        %dma_wait3A_290 = tpu.memref_slice %arg12[%dma_wait3A_288, %dma_wait3A_289] : memref<10240x64xf32, #tpu.memory_space<vmem_shared>> -> memref<10240x64xf32, #tpu.memory_space<vmem_shared>>
        tpu.wait_indirect_dma semaphore(%arg11 : memref<!tpu.dma_semaphore, #tpu.memory_space<semaphore_mem>>) src(%dma_wait3A_284 : memref<128x64xf32, #tpu.memory_space<vmem>>) dst(%dma_wait3A_290 : memref<10240x64xf32, #tpu.memory_space<vmem_shared>>)
      } else {
      }
      %add3A_152 = arith.constant 3 : i32
      %add3A_153 = arith.addi %add3A_120, %add3A_152 : i32
      %lt3A_154 = arith.constant 160 : i32
      %lt3A_155 = arith.cmpi slt, %add3A_153, %lt3A_154 : i32
      %convert_element_type3A_156 = arith.extui %lt3A_155 : i1 to i32
      %cond3A_157 = arith.constant 0 : i32
      %cond3A_158 = arith.cmpi ne, %convert_element_type3A_156, %cond3A_157 : i32
      scf.if %cond3A_158 {
        %add3A_279 = arith.constant 3 : i32
        %add3A_280 = arith.addi %add3A_120, %add3A_279 : i32
        %dma_start3A_281 = arith.constant 4 : i32
        %dma_start3A_282 = arith.constant 0 : i32
        %dma_start3A_283 = arith.constant 0 : i32
        %dma_start3A_284 = tpu.memref_slice %arg9[%dma_start3A_281, %dma_start3A_282, %dma_start3A_283] : memref<5x128x64xf32, #tpu.memory_space<vmem>> -> memref<1x128x64xf32, #tpu.memory_space<vmem>>
        %dma_start3A_285 = tpu.memref_squeeze %dma_start3A_284 : memref<1x128x64xf32, #tpu.memory_space<vmem>> -> memref<128x64xf32, #tpu.memory_space<vmem>>
        %dma_start3A_286 = arith.constant 0 : i32
        %dma_start3A_287 = tpu.memref_slice %arg7[%add3A_280, %dma_start3A_286] : memref<160x128xi32, #tpu.memory_space<vmem>> -> memref<1x128xi32, #tpu.memory_space<vmem>>
        %dma_start3A_288 = tpu.memref_squeeze %dma_start3A_287 : memref<1x128xi32, #tpu.memory_space<vmem>> -> memref<128xi32, #tpu.memory_space<vmem>>
        %dma_start3A_289 = arith.constant 0 : i32
        %dma_start3A_290 = arith.constant 0 : i32
        %dma_start3A_291 = tpu.memref_slice %arg2[%arg0, %dma_start3A_289, %dma_start3A_290] : memref<2x10240x64xf32, #tpu.memory_space<hbm>> -> memref<1x10240x64xf32, #tpu.memory_space<hbm>>
        %dma_start3A_292 = tpu.memref_squeeze %dma_start3A_291 : memref<1x10240x64xf32, #tpu.memory_space<hbm>> -> memref<10240x64xf32, #tpu.memory_space<hbm>>
        %dma_start3A_293 = arith.constant 0 : i32
        %dma_start3A_294 = arith.constant 0 : i32
        %dma_start3A_295 = tpu.memref_slice %dma_start3A_292[%dma_start3A_293, %dma_start3A_294] : memref<10240x64xf32, #tpu.memory_space<hbm>> -> memref<10240x64xf32, #tpu.memory_space<hbm>>
        tpu.enqueue_indirect_dma source(%dma_start3A_295 : memref<10240x64xf32, #tpu.memory_space<hbm>>) target(%dma_start3A_285 : memref<128x64xf32, #tpu.memory_space<vmem>>) offsets(%dma_start3A_288 : memref<128xi32, #tpu.memory_space<vmem>>) semaphore(%arg10 : memref<!tpu.dma_semaphore, #tpu.memory_space<semaphore_mem>>)
      } else {
      }
      %add3A_159 = arith.constant 2 : i32
      %add3A_160 = arith.addi %mul3A_83, %add3A_159 : i32
      %dma_wait3A_161 = arith.constant 2 : i32
      %dma_wait3A_162 = arith.constant 0 : i32
      %dma_wait3A_163 = arith.constant 0 : i32
      %dma_wait3A_164 = tpu.memref_slice %arg9[%dma_wait3A_161, %dma_wait3A_162, %dma_wait3A_163] : memref<5x128x64xf32, #tpu.memory_space<vmem>> -> memref<1x128x64xf32, #tpu.memory_space<vmem>>
      %dma_wait3A_165 = tpu.memref_squeeze %dma_wait3A_164 : memref<1x128x64xf32, #tpu.memory_space<vmem>> -> memref<128x64xf32, #tpu.memory_space<vmem>>
      %dma_wait3A_166 = arith.constant 0 : i32
      %dma_wait3A_167 = tpu.memref_slice %arg7[%add3A_160, %dma_wait3A_166] : memref<160x128xi32, #tpu.memory_space<vmem>> -> memref<1x128xi32, #tpu.memory_space<vmem>>
      %dma_wait3A_168 = tpu.memref_squeeze %dma_wait3A_167 : memref<1x128xi32, #tpu.memory_space<vmem>> -> memref<128xi32, #tpu.memory_space<vmem>>
      %dma_wait3A_169 = arith.constant 0 : i32
      %dma_wait3A_170 = arith.constant 0 : i32
      %dma_wait3A_171 = tpu.memref_slice %arg2[%arg0, %dma_wait3A_169, %dma_wait3A_170] : memref<2x10240x64xf32, #tpu.memory_space<hbm>> -> memref<1x10240x64xf32, #tpu.memory_space<hbm>>
      %dma_wait3A_172 = tpu.memref_squeeze %dma_wait3A_171 : memref<1x10240x64xf32, #tpu.memory_space<hbm>> -> memref<10240x64xf32, #tpu.memory_space<hbm>>
      %dma_wait3A_173 = arith.constant 0 : i32
      %dma_wait3A_174 = arith.constant 0 : i32
      %dma_wait3A_175 = tpu.memref_slice %dma_wait3A_172[%dma_wait3A_173, %dma_wait3A_174] : memref<10240x64xf32, #tpu.memory_space<hbm>> -> memref<10240x64xf32, #tpu.memory_space<hbm>>
      tpu.wait_indirect_dma semaphore(%arg10 : memref<!tpu.dma_semaphore, #tpu.memory_space<semaphore_mem>>) src(%dma_wait3A_175 : memref<10240x64xf32, #tpu.memory_space<hbm>>) dst(%dma_wait3A_165 : memref<128x64xf32, #tpu.memory_space<vmem>>)
      %dma_start3A_176 = arith.constant 2 : i32
      %dma_start3A_177 = arith.constant 0 : i32
      %dma_start3A_178 = arith.constant 0 : i32
      %dma_start3A_179 = tpu.memref_slice %arg9[%dma_start3A_176, %dma_start3A_177, %dma_start3A_178] : memref<5x128x64xf32, #tpu.memory_space<vmem>> -> memref<1x128x64xf32, #tpu.memory_space<vmem>>
      %dma_start3A_180 = tpu.memref_squeeze %dma_start3A_179 : memref<1x128x64xf32, #tpu.memory_space<vmem>> -> memref<128x64xf32, #tpu.memory_space<vmem>>
      %dma_start3A_181 = arith.constant 0 : i32
      %dma_start3A_182 = tpu.memref_slice %arg8[%add3A_160, %dma_start3A_181] : memref<160x128xi32, #tpu.memory_space<vmem>> -> memref<1x128xi32, #tpu.memory_space<vmem>>
      %dma_start3A_183 = tpu.memref_squeeze %dma_start3A_182 : memref<1x128xi32, #tpu.memory_space<vmem>> -> memref<128xi32, #tpu.memory_space<vmem>>
      %dma_start3A_184 = arith.constant 0 : i32
      %dma_start3A_185 = arith.constant 0 : i32
      %dma_start3A_186 = tpu.memref_slice %arg12[%dma_start3A_184, %dma_start3A_185] : memref<10240x64xf32, #tpu.memory_space<vmem_shared>> -> memref<10240x64xf32, #tpu.memory_space<vmem_shared>>
      tpu.enqueue_indirect_dma source(%dma_start3A_180 : memref<128x64xf32, #tpu.memory_space<vmem>>) target(%dma_start3A_186 : memref<10240x64xf32, #tpu.memory_space<vmem_shared>>) offsets(%dma_start3A_183 : memref<128xi32, #tpu.memory_space<vmem>>) semaphore(%arg11 : memref<!tpu.dma_semaphore, #tpu.memory_space<semaphore_mem>>) {add = true}
      %ge3A_187 = arith.constant 2 : i32
      %ge3A_188 = arith.cmpi sge, %add3A_160, %ge3A_187 : i32
      %convert_element_type3A_189 = arith.extui %ge3A_188 : i1 to i32
      %cond3A_190 = arith.constant 0 : i32
      %cond3A_191 = arith.cmpi ne, %convert_element_type3A_189, %cond3A_190 : i32
      scf.if %cond3A_191 {
        %sub3A = arith.constant 2 : i32
        %sub3A_279 = arith.subi %add3A_160, %sub3A : i32
        %dma_wait3A_280 = arith.constant 0 : i32
        %dma_wait3A_281 = arith.constant 0 : i32
        %dma_wait3A_282 = arith.constant 0 : i32
        %dma_wait3A_283 = tpu.memref_slice %arg9[%dma_wait3A_280, %dma_wait3A_281, %dma_wait3A_282] : memref<5x128x64xf32, #tpu.memory_space<vmem>> -> memref<1x128x64xf32, #tpu.memory_space<vmem>>
        %dma_wait3A_284 = tpu.memref_squeeze %dma_wait3A_283 : memref<1x128x64xf32, #tpu.memory_space<vmem>> -> memref<128x64xf32, #tpu.memory_space<vmem>>
        %dma_wait3A_285 = arith.constant 0 : i32
        %dma_wait3A_286 = tpu.memref_slice %arg8[%sub3A_279, %dma_wait3A_285] : memref<160x128xi32, #tpu.memory_space<vmem>> -> memref<1x128xi32, #tpu.memory_space<vmem>>
        %dma_wait3A_287 = tpu.memref_squeeze %dma_wait3A_286 : memref<1x128xi32, #tpu.memory_space<vmem>> -> memref<128xi32, #tpu.memory_space<vmem>>
        %dma_wait3A_288 = arith.constant 0 : i32
        %dma_wait3A_289 = arith.constant 0 : i32
        %dma_wait3A_290 = tpu.memref_slice %arg12[%dma_wait3A_288, %dma_wait3A_289] : memref<10240x64xf32, #tpu.memory_space<vmem_shared>> -> memref<10240x64xf32, #tpu.memory_space<vmem_shared>>
        tpu.wait_indirect_dma semaphore(%arg11 : memref<!tpu.dma_semaphore, #tpu.memory_space<semaphore_mem>>) src(%dma_wait3A_284 : memref<128x64xf32, #tpu.memory_space<vmem>>) dst(%dma_wait3A_290 : memref<10240x64xf32, #tpu.memory_space<vmem_shared>>)
      } else {
      }
      %add3A_192 = arith.constant 3 : i32
      %add3A_193 = arith.addi %add3A_160, %add3A_192 : i32
      %lt3A_194 = arith.constant 160 : i32
      %lt3A_195 = arith.cmpi slt, %add3A_193, %lt3A_194 : i32
      %convert_element_type3A_196 = arith.extui %lt3A_195 : i1 to i32
      %cond3A_197 = arith.constant 0 : i32
      %cond3A_198 = arith.cmpi ne, %convert_element_type3A_196, %cond3A_197 : i32
      scf.if %cond3A_198 {
        %add3A_279 = arith.constant 3 : i32
        %add3A_280 = arith.addi %add3A_160, %add3A_279 : i32
        %dma_start3A_281 = arith.constant 0 : i32
        %dma_start3A_282 = arith.constant 0 : i32
        %dma_start3A_283 = arith.constant 0 : i32
        %dma_start3A_284 = tpu.memref_slice %arg9[%dma_start3A_281, %dma_start3A_282, %dma_start3A_283] : memref<5x128x64xf32, #tpu.memory_space<vmem>> -> memref<1x128x64xf32, #tpu.memory_space<vmem>>
        %dma_start3A_285 = tpu.memref_squeeze %dma_start3A_284 : memref<1x128x64xf32, #tpu.memory_space<vmem>> -> memref<128x64xf32, #tpu.memory_space<vmem>>
        %dma_start3A_286 = arith.constant 0 : i32
        %dma_start3A_287 = tpu.memref_slice %arg7[%add3A_280, %dma_start3A_286] : memref<160x128xi32, #tpu.memory_space<vmem>> -> memref<1x128xi32, #tpu.memory_space<vmem>>
        %dma_start3A_288 = tpu.memref_squeeze %dma_start3A_287 : memref<1x128xi32, #tpu.memory_space<vmem>> -> memref<128xi32, #tpu.memory_space<vmem>>
        %dma_start3A_289 = arith.constant 0 : i32
        %dma_start3A_290 = arith.constant 0 : i32
        %dma_start3A_291 = tpu.memref_slice %arg2[%arg0, %dma_start3A_289, %dma_start3A_290] : memref<2x10240x64xf32, #tpu.memory_space<hbm>> -> memref<1x10240x64xf32, #tpu.memory_space<hbm>>
        %dma_start3A_292 = tpu.memref_squeeze %dma_start3A_291 : memref<1x10240x64xf32, #tpu.memory_space<hbm>> -> memref<10240x64xf32, #tpu.memory_space<hbm>>
        %dma_start3A_293 = arith.constant 0 : i32
        %dma_start3A_294 = arith.constant 0 : i32
        %dma_start3A_295 = tpu.memref_slice %dma_start3A_292[%dma_start3A_293, %dma_start3A_294] : memref<10240x64xf32, #tpu.memory_space<hbm>> -> memref<10240x64xf32, #tpu.memory_space<hbm>>
        tpu.enqueue_indirect_dma source(%dma_start3A_295 : memref<10240x64xf32, #tpu.memory_space<hbm>>) target(%dma_start3A_285 : memref<128x64xf32, #tpu.memory_space<vmem>>) offsets(%dma_start3A_288 : memref<128xi32, #tpu.memory_space<vmem>>) semaphore(%arg10 : memref<!tpu.dma_semaphore, #tpu.memory_space<semaphore_mem>>)
      } else {
      }
      %add3A_199 = arith.constant 3 : i32
      %add3A_200 = arith.addi %mul3A_83, %add3A_199 : i32
      %dma_wait3A_201 = arith.constant 3 : i32
      %dma_wait3A_202 = arith.constant 0 : i32
      %dma_wait3A_203 = arith.constant 0 : i32
      %dma_wait3A_204 = tpu.memref_slice %arg9[%dma_wait3A_201, %dma_wait3A_202, %dma_wait3A_203] : memref<5x128x64xf32, #tpu.memory_space<vmem>> -> memref<1x128x64xf32, #tpu.memory_space<vmem>>
      %dma_wait3A_205 = tpu.memref_squeeze %dma_wait3A_204 : memref<1x128x64xf32, #tpu.memory_space<vmem>> -> memref<128x64xf32, #tpu.memory_space<vmem>>
      %dma_wait3A_206 = arith.constant 0 : i32
      %dma_wait3A_207 = tpu.memref_slice %arg7[%add3A_200, %dma_wait3A_206] : memref<160x128xi32, #tpu.memory_space<vmem>> -> memref<1x128xi32, #tpu.memory_space<vmem>>
      %dma_wait3A_208 = tpu.memref_squeeze %dma_wait3A_207 : memref<1x128xi32, #tpu.memory_space<vmem>> -> memref<128xi32, #tpu.memory_space<vmem>>
      %dma_wait3A_209 = arith.constant 0 : i32
      %dma_wait3A_210 = arith.constant 0 : i32
      %dma_wait3A_211 = tpu.memref_slice %arg2[%arg0, %dma_wait3A_209, %dma_wait3A_210] : memref<2x10240x64xf32, #tpu.memory_space<hbm>> -> memref<1x10240x64xf32, #tpu.memory_space<hbm>>
      %dma_wait3A_212 = tpu.memref_squeeze %dma_wait3A_211 : memref<1x10240x64xf32, #tpu.memory_space<hbm>> -> memref<10240x64xf32, #tpu.memory_space<hbm>>
      %dma_wait3A_213 = arith.constant 0 : i32
      %dma_wait3A_214 = arith.constant 0 : i32
      %dma_wait3A_215 = tpu.memref_slice %dma_wait3A_212[%dma_wait3A_213, %dma_wait3A_214] : memref<10240x64xf32, #tpu.memory_space<hbm>> -> memref<10240x64xf32, #tpu.memory_space<hbm>>
      tpu.wait_indirect_dma semaphore(%arg10 : memref<!tpu.dma_semaphore, #tpu.memory_space<semaphore_mem>>) src(%dma_wait3A_215 : memref<10240x64xf32, #tpu.memory_space<hbm>>) dst(%dma_wait3A_205 : memref<128x64xf32, #tpu.memory_space<vmem>>)
      %dma_start3A_216 = arith.constant 3 : i32
      %dma_start3A_217 = arith.constant 0 : i32
      %dma_start3A_218 = arith.constant 0 : i32
      %dma_start3A_219 = tpu.memref_slice %arg9[%dma_start3A_216, %dma_start3A_217, %dma_start3A_218] : memref<5x128x64xf32, #tpu.memory_space<vmem>> -> memref<1x128x64xf32, #tpu.memory_space<vmem>>
      %dma_start3A_220 = tpu.memref_squeeze %dma_start3A_219 : memref<1x128x64xf32, #tpu.memory_space<vmem>> -> memref<128x64xf32, #tpu.memory_space<vmem>>
      %dma_start3A_221 = arith.constant 0 : i32
      %dma_start3A_222 = tpu.memref_slice %arg8[%add3A_200, %dma_start3A_221] : memref<160x128xi32, #tpu.memory_space<vmem>> -> memref<1x128xi32, #tpu.memory_space<vmem>>
      %dma_start3A_223 = tpu.memref_squeeze %dma_start3A_222 : memref<1x128xi32, #tpu.memory_space<vmem>> -> memref<128xi32, #tpu.memory_space<vmem>>
      %dma_start3A_224 = arith.constant 0 : i32
      %dma_start3A_225 = arith.constant 0 : i32
      %dma_start3A_226 = tpu.memref_slice %arg12[%dma_start3A_224, %dma_start3A_225] : memref<10240x64xf32, #tpu.memory_space<vmem_shared>> -> memref<10240x64xf32, #tpu.memory_space<vmem_shared>>
      tpu.enqueue_indirect_dma source(%dma_start3A_220 : memref<128x64xf32, #tpu.memory_space<vmem>>) target(%dma_start3A_226 : memref<10240x64xf32, #tpu.memory_space<vmem_shared>>) offsets(%dma_start3A_223 : memref<128xi32, #tpu.memory_space<vmem>>) semaphore(%arg11 : memref<!tpu.dma_semaphore, #tpu.memory_space<semaphore_mem>>) {add = true}
      %ge3A_227 = arith.constant 2 : i32
      %ge3A_228 = arith.cmpi sge, %add3A_200, %ge3A_227 : i32
      %convert_element_type3A_229 = arith.extui %ge3A_228 : i1 to i32
      %cond3A_230 = arith.constant 0 : i32
      %cond3A_231 = arith.cmpi ne, %convert_element_type3A_229, %cond3A_230 : i32
      scf.if %cond3A_231 {
        %sub3A = arith.constant 2 : i32
        %sub3A_279 = arith.subi %add3A_200, %sub3A : i32
        %dma_wait3A_280 = arith.constant 1 : i32
        %dma_wait3A_281 = arith.constant 0 : i32
        %dma_wait3A_282 = arith.constant 0 : i32
        %dma_wait3A_283 = tpu.memref_slice %arg9[%dma_wait3A_280, %dma_wait3A_281, %dma_wait3A_282] : memref<5x128x64xf32, #tpu.memory_space<vmem>> -> memref<1x128x64xf32, #tpu.memory_space<vmem>>
        %dma_wait3A_284 = tpu.memref_squeeze %dma_wait3A_283 : memref<1x128x64xf32, #tpu.memory_space<vmem>> -> memref<128x64xf32, #tpu.memory_space<vmem>>
        %dma_wait3A_285 = arith.constant 0 : i32
        %dma_wait3A_286 = tpu.memref_slice %arg8[%sub3A_279, %dma_wait3A_285] : memref<160x128xi32, #tpu.memory_space<vmem>> -> memref<1x128xi32, #tpu.memory_space<vmem>>
        %dma_wait3A_287 = tpu.memref_squeeze %dma_wait3A_286 : memref<1x128xi32, #tpu.memory_space<vmem>> -> memref<128xi32, #tpu.memory_space<vmem>>
        %dma_wait3A_288 = arith.constant 0 : i32
        %dma_wait3A_289 = arith.constant 0 : i32
        %dma_wait3A_290 = tpu.memref_slice %arg12[%dma_wait3A_288, %dma_wait3A_289] : memref<10240x64xf32, #tpu.memory_space<vmem_shared>> -> memref<10240x64xf32, #tpu.memory_space<vmem_shared>>
        tpu.wait_indirect_dma semaphore(%arg11 : memref<!tpu.dma_semaphore, #tpu.memory_space<semaphore_mem>>) src(%dma_wait3A_284 : memref<128x64xf32, #tpu.memory_space<vmem>>) dst(%dma_wait3A_290 : memref<10240x64xf32, #tpu.memory_space<vmem_shared>>)
      } else {
      }
      %add3A_232 = arith.constant 3 : i32
      %add3A_233 = arith.addi %add3A_200, %add3A_232 : i32
      %lt3A_234 = arith.constant 160 : i32
      %lt3A_235 = arith.cmpi slt, %add3A_233, %lt3A_234 : i32
      %convert_element_type3A_236 = arith.extui %lt3A_235 : i1 to i32
      %cond3A_237 = arith.constant 0 : i32
      %cond3A_238 = arith.cmpi ne, %convert_element_type3A_236, %cond3A_237 : i32
      scf.if %cond3A_238 {
        %add3A_279 = arith.constant 3 : i32
        %add3A_280 = arith.addi %add3A_200, %add3A_279 : i32
        %dma_start3A_281 = arith.constant 1 : i32
        %dma_start3A_282 = arith.constant 0 : i32
        %dma_start3A_283 = arith.constant 0 : i32
        %dma_start3A_284 = tpu.memref_slice %arg9[%dma_start3A_281, %dma_start3A_282, %dma_start3A_283] : memref<5x128x64xf32, #tpu.memory_space<vmem>> -> memref<1x128x64xf32, #tpu.memory_space<vmem>>
        %dma_start3A_285 = tpu.memref_squeeze %dma_start3A_284 : memref<1x128x64xf32, #tpu.memory_space<vmem>> -> memref<128x64xf32, #tpu.memory_space<vmem>>
        %dma_start3A_286 = arith.constant 0 : i32
        %dma_start3A_287 = tpu.memref_slice %arg7[%add3A_280, %dma_start3A_286] : memref<160x128xi32, #tpu.memory_space<vmem>> -> memref<1x128xi32, #tpu.memory_space<vmem>>
        %dma_start3A_288 = tpu.memref_squeeze %dma_start3A_287 : memref<1x128xi32, #tpu.memory_space<vmem>> -> memref<128xi32, #tpu.memory_space<vmem>>
        %dma_start3A_289 = arith.constant 0 : i32
        %dma_start3A_290 = arith.constant 0 : i32
        %dma_start3A_291 = tpu.memref_slice %arg2[%arg0, %dma_start3A_289, %dma_start3A_290] : memref<2x10240x64xf32, #tpu.memory_space<hbm>> -> memref<1x10240x64xf32, #tpu.memory_space<hbm>>
        %dma_start3A_292 = tpu.memref_squeeze %dma_start3A_291 : memref<1x10240x64xf32, #tpu.memory_space<hbm>> -> memref<10240x64xf32, #tpu.memory_space<hbm>>
        %dma_start3A_293 = arith.constant 0 : i32
        %dma_start3A_294 = arith.constant 0 : i32
        %dma_start3A_295 = tpu.memref_slice %dma_start3A_292[%dma_start3A_293, %dma_start3A_294] : memref<10240x64xf32, #tpu.memory_space<hbm>> -> memref<10240x64xf32, #tpu.memory_space<hbm>>
        tpu.enqueue_indirect_dma source(%dma_start3A_295 : memref<10240x64xf32, #tpu.memory_space<hbm>>) target(%dma_start3A_285 : memref<128x64xf32, #tpu.memory_space<vmem>>) offsets(%dma_start3A_288 : memref<128xi32, #tpu.memory_space<vmem>>) semaphore(%arg10 : memref<!tpu.dma_semaphore, #tpu.memory_space<semaphore_mem>>)
      } else {
      }
      %add3A_239 = arith.constant 4 : i32
      %add3A_240 = arith.addi %mul3A_83, %add3A_239 : i32
      %dma_wait3A_241 = arith.constant 4 : i32
      %dma_wait3A_242 = arith.constant 0 : i32
      %dma_wait3A_243 = arith.constant 0 : i32
      %dma_wait3A_244 = tpu.memref_slice %arg9[%dma_wait3A_241, %dma_wait3A_242, %dma_wait3A_243] : memref<5x128x64xf32, #tpu.memory_space<vmem>> -> memref<1x128x64xf32, #tpu.memory_space<vmem>>
      %dma_wait3A_245 = tpu.memref_squeeze %dma_wait3A_244 : memref<1x128x64xf32, #tpu.memory_space<vmem>> -> memref<128x64xf32, #tpu.memory_space<vmem>>
      %dma_wait3A_246 = arith.constant 0 : i32
      %dma_wait3A_247 = tpu.memref_slice %arg7[%add3A_240, %dma_wait3A_246] : memref<160x128xi32, #tpu.memory_space<vmem>> -> memref<1x128xi32, #tpu.memory_space<vmem>>
      %dma_wait3A_248 = tpu.memref_squeeze %dma_wait3A_247 : memref<1x128xi32, #tpu.memory_space<vmem>> -> memref<128xi32, #tpu.memory_space<vmem>>
      %dma_wait3A_249 = arith.constant 0 : i32
      %dma_wait3A_250 = arith.constant 0 : i32
      %dma_wait3A_251 = tpu.memref_slice %arg2[%arg0, %dma_wait3A_249, %dma_wait3A_250] : memref<2x10240x64xf32, #tpu.memory_space<hbm>> -> memref<1x10240x64xf32, #tpu.memory_space<hbm>>
      %dma_wait3A_252 = tpu.memref_squeeze %dma_wait3A_251 : memref<1x10240x64xf32, #tpu.memory_space<hbm>> -> memref<10240x64xf32, #tpu.memory_space<hbm>>
      %dma_wait3A_253 = arith.constant 0 : i32
      %dma_wait3A_254 = arith.constant 0 : i32
      %dma_wait3A_255 = tpu.memref_slice %dma_wait3A_252[%dma_wait3A_253, %dma_wait3A_254] : memref<10240x64xf32, #tpu.memory_space<hbm>> -> memref<10240x64xf32, #tpu.memory_space<hbm>>
      tpu.wait_indirect_dma semaphore(%arg10 : memref<!tpu.dma_semaphore, #tpu.memory_space<semaphore_mem>>) src(%dma_wait3A_255 : memref<10240x64xf32, #tpu.memory_space<hbm>>) dst(%dma_wait3A_245 : memref<128x64xf32, #tpu.memory_space<vmem>>)
      %dma_start3A_256 = arith.constant 4 : i32
      %dma_start3A_257 = arith.constant 0 : i32
      %dma_start3A_258 = arith.constant 0 : i32
      %dma_start3A_259 = tpu.memref_slice %arg9[%dma_start3A_256, %dma_start3A_257, %dma_start3A_258] : memref<5x128x64xf32, #tpu.memory_space<vmem>> -> memref<1x128x64xf32, #tpu.memory_space<vmem>>
      %dma_start3A_260 = tpu.memref_squeeze %dma_start3A_259 : memref<1x128x64xf32, #tpu.memory_space<vmem>> -> memref<128x64xf32, #tpu.memory_space<vmem>>
      %dma_start3A_261 = arith.constant 0 : i32
      %dma_start3A_262 = tpu.memref_slice %arg8[%add3A_240, %dma_start3A_261] : memref<160x128xi32, #tpu.memory_space<vmem>> -> memref<1x128xi32, #tpu.memory_space<vmem>>
      %dma_start3A_263 = tpu.memref_squeeze %dma_start3A_262 : memref<1x128xi32, #tpu.memory_space<vmem>> -> memref<128xi32, #tpu.memory_space<vmem>>
      %dma_start3A_264 = arith.constant 0 : i32
      %dma_start3A_265 = arith.constant 0 : i32
      %dma_start3A_266 = tpu.memref_slice %arg12[%dma_start3A_264, %dma_start3A_265] : memref<10240x64xf32, #tpu.memory_space<vmem_shared>> -> memref<10240x64xf32, #tpu.memory_space<vmem_shared>>
      tpu.enqueue_indirect_dma source(%dma_start3A_260 : memref<128x64xf32, #tpu.memory_space<vmem>>) target(%dma_start3A_266 : memref<10240x64xf32, #tpu.memory_space<vmem_shared>>) offsets(%dma_start3A_263 : memref<128xi32, #tpu.memory_space<vmem>>) semaphore(%arg11 : memref<!tpu.dma_semaphore, #tpu.memory_space<semaphore_mem>>) {add = true}
      %ge3A_267 = arith.constant 2 : i32
      %ge3A_268 = arith.cmpi sge, %add3A_240, %ge3A_267 : i32
      %convert_element_type3A_269 = arith.extui %ge3A_268 : i1 to i32
      %cond3A_270 = arith.constant 0 : i32
      %cond3A_271 = arith.cmpi ne, %convert_element_type3A_269, %cond3A_270 : i32
      scf.if %cond3A_271 {
        %sub3A = arith.constant 2 : i32
        %sub3A_279 = arith.subi %add3A_240, %sub3A : i32
        %dma_wait3A_280 = arith.constant 2 : i32
        %dma_wait3A_281 = arith.constant 0 : i32
        %dma_wait3A_282 = arith.constant 0 : i32
        %dma_wait3A_283 = tpu.memref_slice %arg9[%dma_wait3A_280, %dma_wait3A_281, %dma_wait3A_282] : memref<5x128x64xf32, #tpu.memory_space<vmem>> -> memref<1x128x64xf32, #tpu.memory_space<vmem>>
        %dma_wait3A_284 = tpu.memref_squeeze %dma_wait3A_283 : memref<1x128x64xf32, #tpu.memory_space<vmem>> -> memref<128x64xf32, #tpu.memory_space<vmem>>
        %dma_wait3A_285 = arith.constant 0 : i32
        %dma_wait3A_286 = tpu.memref_slice %arg8[%sub3A_279, %dma_wait3A_285] : memref<160x128xi32, #tpu.memory_space<vmem>> -> memref<1x128xi32, #tpu.memory_space<vmem>>
        %dma_wait3A_287 = tpu.memref_squeeze %dma_wait3A_286 : memref<1x128xi32, #tpu.memory_space<vmem>> -> memref<128xi32, #tpu.memory_space<vmem>>
        %dma_wait3A_288 = arith.constant 0 : i32
        %dma_wait3A_289 = arith.constant 0 : i32
        %dma_wait3A_290 = tpu.memref_slice %arg12[%dma_wait3A_288, %dma_wait3A_289] : memref<10240x64xf32, #tpu.memory_space<vmem_shared>> -> memref<10240x64xf32, #tpu.memory_space<vmem_shared>>
        tpu.wait_indirect_dma semaphore(%arg11 : memref<!tpu.dma_semaphore, #tpu.memory_space<semaphore_mem>>) src(%dma_wait3A_284 : memref<128x64xf32, #tpu.memory_space<vmem>>) dst(%dma_wait3A_290 : memref<10240x64xf32, #tpu.memory_space<vmem_shared>>)
      } else {
      }
      %add3A_272 = arith.constant 3 : i32
      %add3A_273 = arith.addi %add3A_240, %add3A_272 : i32
      %lt3A_274 = arith.constant 160 : i32
      %lt3A_275 = arith.cmpi slt, %add3A_273, %lt3A_274 : i32
      %convert_element_type3A_276 = arith.extui %lt3A_275 : i1 to i32
      %cond3A_277 = arith.constant 0 : i32
      %cond3A_278 = arith.cmpi ne, %convert_element_type3A_276, %cond3A_277 : i32
      scf.if %cond3A_278 {
        %add3A_279 = arith.constant 3 : i32
        %add3A_280 = arith.addi %add3A_240, %add3A_279 : i32
        %dma_start3A_281 = arith.constant 2 : i32
        %dma_start3A_282 = arith.constant 0 : i32
        %dma_start3A_283 = arith.constant 0 : i32
        %dma_start3A_284 = tpu.memref_slice %arg9[%dma_start3A_281, %dma_start3A_282, %dma_start3A_283] : memref<5x128x64xf32, #tpu.memory_space<vmem>> -> memref<1x128x64xf32, #tpu.memory_space<vmem>>
        %dma_start3A_285 = tpu.memref_squeeze %dma_start3A_284 : memref<1x128x64xf32, #tpu.memory_space<vmem>> -> memref<128x64xf32, #tpu.memory_space<vmem>>
        %dma_start3A_286 = arith.constant 0 : i32
        %dma_start3A_287 = tpu.memref_slice %arg7[%add3A_280, %dma_start3A_286] : memref<160x128xi32, #tpu.memory_space<vmem>> -> memref<1x128xi32, #tpu.memory_space<vmem>>
        %dma_start3A_288 = tpu.memref_squeeze %dma_start3A_287 : memref<1x128xi32, #tpu.memory_space<vmem>> -> memref<128xi32, #tpu.memory_space<vmem>>
        %dma_start3A_289 = arith.constant 0 : i32
        %dma_start3A_290 = arith.constant 0 : i32
        %dma_start3A_291 = tpu.memref_slice %arg2[%arg0, %dma_start3A_289, %dma_start3A_290] : memref<2x10240x64xf32, #tpu.memory_space<hbm>> -> memref<1x10240x64xf32, #tpu.memory_space<hbm>>
        %dma_start3A_292 = tpu.memref_squeeze %dma_start3A_291 : memref<1x10240x64xf32, #tpu.memory_space<hbm>> -> memref<10240x64xf32, #tpu.memory_space<hbm>>
        %dma_start3A_293 = arith.constant 0 : i32
        %dma_start3A_294 = arith.constant 0 : i32
        %dma_start3A_295 = tpu.memref_slice %dma_start3A_292[%dma_start3A_293, %dma_start3A_294] : memref<10240x64xf32, #tpu.memory_space<hbm>> -> memref<10240x64xf32, #tpu.memory_space<hbm>>
        tpu.enqueue_indirect_dma source(%dma_start3A_295 : memref<10240x64xf32, #tpu.memory_space<hbm>>) target(%dma_start3A_285 : memref<128x64xf32, #tpu.memory_space<vmem>>) offsets(%dma_start3A_288 : memref<128xi32, #tpu.memory_space<vmem>>) semaphore(%arg10 : memref<!tpu.dma_semaphore, #tpu.memory_space<semaphore_mem>>)
      } else {
      }
    }
    %scan3A_56 = arith.constant 32 : i32
    %dma_wait3A = arith.constant 3 : i32
    %dma_wait3A_57 = arith.constant 158 : i32
    %dma_wait3A_58 = arith.constant 0 : i32
    %dma_wait3A_59 = arith.constant 0 : i32
    %dma_wait3A_60 = tpu.memref_slice %arg9[%dma_wait3A, %dma_wait3A_58, %dma_wait3A_59] : memref<5x128x64xf32, #tpu.memory_space<vmem>> -> memref<1x128x64xf32, #tpu.memory_space<vmem>>
    %dma_wait3A_61 = tpu.memref_squeeze %dma_wait3A_60 : memref<1x128x64xf32, #tpu.memory_space<vmem>> -> memref<128x64xf32, #tpu.memory_space<vmem>>
    %dma_wait3A_62 = arith.constant 0 : i32
    %dma_wait3A_63 = tpu.memref_slice %arg8[%dma_wait3A_57, %dma_wait3A_62] : memref<160x128xi32, #tpu.memory_space<vmem>> -> memref<1x128xi32, #tpu.memory_space<vmem>>
    %dma_wait3A_64 = tpu.memref_squeeze %dma_wait3A_63 : memref<1x128xi32, #tpu.memory_space<vmem>> -> memref<128xi32, #tpu.memory_space<vmem>>
    %dma_wait3A_65 = arith.constant 0 : i32
    %dma_wait3A_66 = arith.constant 0 : i32
    %dma_wait3A_67 = tpu.memref_slice %arg12[%dma_wait3A_65, %dma_wait3A_66] : memref<10240x64xf32, #tpu.memory_space<vmem_shared>> -> memref<10240x64xf32, #tpu.memory_space<vmem_shared>>
    tpu.wait_indirect_dma semaphore(%arg11 : memref<!tpu.dma_semaphore, #tpu.memory_space<semaphore_mem>>) src(%dma_wait3A_61 : memref<128x64xf32, #tpu.memory_space<vmem>>) dst(%dma_wait3A_67 : memref<10240x64xf32, #tpu.memory_space<vmem_shared>>)
    %dma_wait3A_68 = arith.constant 4 : i32
    %dma_wait3A_69 = arith.constant 159 : i32
    %dma_wait3A_70 = arith.constant 0 : i32
    %dma_wait3A_71 = arith.constant 0 : i32
    %dma_wait3A_72 = tpu.memref_slice %arg9[%dma_wait3A_68, %dma_wait3A_70, %dma_wait3A_71] : memref<5x128x64xf32, #tpu.memory_space<vmem>> -> memref<1x128x64xf32, #tpu.memory_space<vmem>>
    %dma_wait3A_73 = tpu.memref_squeeze %dma_wait3A_72 : memref<1x128x64xf32, #tpu.memory_space<vmem>> -> memref<128x64xf32, #tpu.memory_space<vmem>>
    %dma_wait3A_74 = arith.constant 0 : i32
    %dma_wait3A_75 = tpu.memref_slice %arg8[%dma_wait3A_69, %dma_wait3A_74] : memref<160x128xi32, #tpu.memory_space<vmem>> -> memref<1x128xi32, #tpu.memory_space<vmem>>
    %dma_wait3A_76 = tpu.memref_squeeze %dma_wait3A_75 : memref<1x128xi32, #tpu.memory_space<vmem>> -> memref<128xi32, #tpu.memory_space<vmem>>
    %dma_wait3A_77 = arith.constant 0 : i32
    %dma_wait3A_78 = arith.constant 0 : i32
    %dma_wait3A_79 = tpu.memref_slice %arg12[%dma_wait3A_77, %dma_wait3A_78] : memref<10240x64xf32, #tpu.memory_space<vmem_shared>> -> memref<10240x64xf32, #tpu.memory_space<vmem_shared>>
    tpu.wait_indirect_dma semaphore(%arg11 : memref<!tpu.dma_semaphore, #tpu.memory_space<semaphore_mem>>) src(%dma_wait3A_73 : memref<128x64xf32, #tpu.memory_space<vmem>>) dst(%dma_wait3A_79 : memref<10240x64xf32, #tpu.memory_space<vmem_shared>>)
    %barrier3A_80 = arith.constant 0 : index
    tpu.barrier barrier_id(%barrier3A_80)
    "tpu.region"() ({
      %run_scoped3A = tpu.sem_alloc : memref<!tpu.dma_semaphore, #tpu.memory_space<semaphore_mem>>
      %dma_start3A_81 = arith.constant 0 : i32
      %dma_start3A_82 = tpu.memref_slice %arg6[%arg0, %mul3A_4, %dma_start3A_81] : memref<2x10240x64xf32, #tpu.memory_space<hbm>> -> memref<1x640x64xf32, #tpu.memory_space<hbm>>
      %dma_start3A_83 = tpu.memref_squeeze %dma_start3A_82 : memref<1x640x64xf32, #tpu.memory_space<hbm>> -> memref<640x64xf32, #tpu.memory_space<hbm>>
      %dma_start3A_84 = arith.constant 0 : i32
      %dma_start3A_85 = tpu.memref_slice %arg12[%mul3A_4, %dma_start3A_84] : memref<10240x64xf32, #tpu.memory_space<vmem_shared>> -> memref<640x64xf32, #tpu.memory_space<vmem_shared>>
      tpu.enqueue_dma source(%dma_start3A_85 : memref<640x64xf32, #tpu.memory_space<vmem_shared>>) target(%dma_start3A_83 : memref<640x64xf32, #tpu.memory_space<hbm>>) target_semaphore(%run_scoped3A : memref<!tpu.dma_semaphore, #tpu.memory_space<semaphore_mem>>)
      %dma_wait3A_86 = arith.constant 0 : i32
      %dma_wait3A_87 = tpu.memref_slice %arg6[%arg0, %mul3A_4, %dma_wait3A_86] : memref<2x10240x64xf32, #tpu.memory_space<hbm>> -> memref<1x640x64xf32, #tpu.memory_space<hbm>>
      %dma_wait3A_88 = tpu.memref_squeeze %dma_wait3A_87 : memref<1x640x64xf32, #tpu.memory_space<hbm>> -> memref<640x64xf32, #tpu.memory_space<hbm>>
      %dma_wait3A_89 = arith.constant 0 : i32
      %dma_wait3A_90 = tpu.memref_slice %arg12[%mul3A_4, %dma_wait3A_89] : memref<10240x64xf32, #tpu.memory_space<vmem_shared>> -> memref<640x64xf32, #tpu.memory_space<vmem_shared>>
      tpu.wait_dma2 semaphore(%run_scoped3A : memref<!tpu.dma_semaphore, #tpu.memory_space<semaphore_mem>>) src(%dma_wait3A_90 : memref<640x64xf32, #tpu.memory_space<vmem_shared>>) dst(%dma_wait3A_88 : memref<640x64xf32, #tpu.memory_space<hbm>>)
      tpu.yield
    }) : () -> ()
    return
  }
}

module attributes {stable_mosaic.version = 14 : i64} {
  func.func @_b1_body(%arg0: i32, %arg1: memref<1024x128xf32, #tpu.memory_space<vmem>>, %arg2: memref<128x128xf32, #tpu.memory_space<vmem>>, %arg3: memref<1x128xf32, #tpu.memory_space<vmem>>, %arg4: memref<128x128xf32, #tpu.memory_space<vmem>>, %arg5: memref<2x2x1024x16xf32, #tpu.memory_space<vmem>>, %arg6: memref<2x1024x64xf32, #tpu.memory_space<vmem>>, %arg7: memref<1024x16xf32, #tpu.memory_space<vmem>>, %arg8: memref<1024x16xf32, #tpu.memory_space<vmem>>) attributes {dimension_semantics = [#tpu.dimension_semantics<arbitrary>], iteration_bounds = array<i64: 10>, scalar_prefetch = 0 : i64, scratch_operands = 0 : i64, tpu.core_type = #tpu.core_type<tc>, window_params = [{transform_indices = @transform_0, window_bounds = array<i64: 1024, 128>}, {pipeline_mode = #tpu.pipeline_mode<synchronous>, transform_indices = @transform_1, window_bounds = array<i64: 128, 128>}, {pipeline_mode = #tpu.pipeline_mode<synchronous>, transform_indices = @transform_2, window_bounds = array<i64: 1, 128>}, {pipeline_mode = #tpu.pipeline_mode<synchronous>, transform_indices = @transform_3, window_bounds = array<i64: 128, 128>}, {transform_indices = @transform_4, window_bounds = array<i64: 2, 2, 1024, 16>}, {transform_indices = @transform_5, window_bounds = array<i64: 2, 1024, 64>}, {transform_indices = @transform_6, window_bounds = array<i64: 1024, 16>}, {transform_indices = @transform_7, window_bounds = array<i64: 1024, 16>}]} {
    %get3A = arith.constant 0 : index
    %get3A_0 = arith.constant 0 : index
    %get3A_1 = arith.constant 0 : index
    %get3A_2 = arith.constant 0 : index
    %get3A_3 = vector.load %arg5[%get3A, %get3A_0, %get3A_1, %get3A_2] : memref<2x2x1024x16xf32, #tpu.memory_space<vmem>>, vector<1x1x1024x16xf32>
    %get3A_4 = vector.shape_cast %get3A_3 : vector<1x1x1024x16xf32> to vector<1024x16xf32>
    %get3A_5 = arith.constant 1 : index
    %get3A_6 = arith.constant 0 : index
    %get3A_7 = arith.constant 0 : index
    %get3A_8 = arith.constant 0 : index
    %get3A_9 = vector.load %arg5[%get3A_5, %get3A_6, %get3A_7, %get3A_8] : memref<2x2x1024x16xf32, #tpu.memory_space<vmem>>, vector<1x1x1024x16xf32>
    %get3A_10 = vector.shape_cast %get3A_9 : vector<1x1x1024x16xf32> to vector<1024x16xf32>
    %add3A = arith.addf %get3A_4, %get3A_10 : vector<1024x16xf32>
    %get3A_11 = arith.constant 0 : index
    %get3A_12 = arith.constant 1 : index
    %get3A_13 = arith.constant 0 : index
    %get3A_14 = arith.constant 0 : index
    %get3A_15 = vector.load %arg5[%get3A_11, %get3A_12, %get3A_13, %get3A_14] : memref<2x2x1024x16xf32, #tpu.memory_space<vmem>>, vector<1x1x1024x16xf32>
    %get3A_16 = vector.shape_cast %get3A_15 : vector<1x1x1024x16xf32> to vector<1024x16xf32>
    %get3A_17 = arith.constant 1 : index
    %get3A_18 = arith.constant 1 : index
    %get3A_19 = arith.constant 0 : index
    %get3A_20 = arith.constant 0 : index
    %get3A_21 = vector.load %arg5[%get3A_17, %get3A_18, %get3A_19, %get3A_20] : memref<2x2x1024x16xf32, #tpu.memory_space<vmem>>, vector<1x1x1024x16xf32>
    %get3A_22 = vector.shape_cast %get3A_21 : vector<1x1x1024x16xf32> to vector<1024x16xf32>
    %add3A_23 = arith.addf %get3A_16, %get3A_22 : vector<1024x16xf32>
    %max3A = arith.constant 1.000000e+00 : f32
    %max3A_24 = vector.broadcast %max3A : f32 to vector<1024x16xf32>
    %max3A_25 = arith.maximumf %add3A, %max3A_24 : vector<1024x16xf32>
    %rsqrt3A = math.rsqrt %max3A_25 : vector<1024x16xf32>
    %max3A_26 = arith.constant 1.000000e+00 : f32
    %max3A_27 = vector.broadcast %max3A_26 : f32 to vector<1024x16xf32>
    %max3A_28 = arith.maximumf %add3A_23, %max3A_27 : vector<1024x16xf32>
    %rsqrt3A_29 = math.rsqrt %max3A_28 : vector<1024x16xf32>
    %get3A_30 = arith.constant 0 : index
    %get3A_31 = arith.constant 0 : index
    %get3A_32 = vector.load %arg1[%get3A_30, %get3A_31] : memref<1024x128xf32, #tpu.memory_space<vmem>>, vector<1024x128xf32>
    %get3A_33 = arith.constant 0 : index
    %get3A_34 = arith.constant 0 : index
    %get3A_35 = vector.load %arg2[%get3A_33, %get3A_34] : memref<128x128xf32, #tpu.memory_space<vmem>>, vector<128x128xf32>
    %dot_general3A = arith.constant dense<0.000000e+00> : vector<1024x128xf32>
    %dot_general3A_36 = tpu.matmul %get3A_32, %get3A_35, %dot_general3A {dimension_numbers = #tpu.dot_dimension_numbers<[1], [0], [0], [1], [0, 0, 1, 1], [], []>, transpose_lhs_hint = false} : vector<1024x128xf32>, vector<128x128xf32>, vector<1024x128xf32> -> vector<1024x128xf32>
    %get3A_37 = arith.constant 0 : index
    %get3A_38 = arith.constant 0 : index
    %get3A_39 = vector.load %arg3[%get3A_37, %get3A_38] : memref<1x128xf32, #tpu.memory_space<vmem>>, vector<1x128xf32>
    %add3A_40 = vector.broadcast %get3A_39 : vector<1x128xf32> to vector<1024x128xf32>
    %add3A_41 = arith.addf %dot_general3A_36, %add3A_40 : vector<1024x128xf32>
    %slice3A = vector.extract_strided_slice %rsqrt3A {offsets = [0, 0], sizes = [1024, 1], strides = [1, 1]} : vector<1024x16xf32> to vector<1024x1xf32>
    %mul3A = vector.broadcast %slice3A : vector<1024x1xf32> to vector<1024x128xf32>
    %mul3A_42 = arith.mulf %add3A_41, %mul3A : vector<1024x128xf32>
    %get3A_43 = arith.constant 0 : index
    %get3A_44 = arith.constant 0 : index
    %get3A_45 = vector.load %arg4[%get3A_43, %get3A_44] : memref<128x128xf32, #tpu.memory_space<vmem>>, vector<128x128xf32>
    %dot_general3A_46 = arith.constant dense<0.000000e+00> : vector<1024x128xf32>
    %dot_general3A_47 = tpu.matmul %mul3A_42, %get3A_45, %dot_general3A_46 {dimension_numbers = #tpu.dot_dimension_numbers<[1], [0], [0], [1], [0, 0, 1, 1], [], []>, transpose_lhs_hint = false} : vector<1024x128xf32>, vector<128x128xf32>, vector<1024x128xf32> -> vector<1024x128xf32>
    %slice3A_48 = vector.extract_strided_slice %dot_general3A_47 {offsets = [0, 0], sizes = [1024, 64], strides = [1, 1]} : vector<1024x128xf32> to vector<1024x64xf32>
    %swap3A = arith.constant 0 : index
    %swap3A_49 = arith.constant 0 : index
    %swap3A_50 = arith.constant 0 : index
    %swap3A_51 = vector.load %arg6[%swap3A, %swap3A_49, %swap3A_50] : memref<2x1024x64xf32, #tpu.memory_space<vmem>>, vector<1x1024x64xf32>
    %swap3A_52 = vector.shape_cast %swap3A_51 : vector<1x1024x64xf32> to vector<1024x64xf32>
    %swap3A_53 = vector.shape_cast %slice3A_48 : vector<1024x64xf32> to vector<1x1024x64xf32>
    tpu.vector_store %arg6[%swap3A, %swap3A_49, %swap3A_50], %swap3A_53 {strides = array<i32>} : memref<2x1024x64xf32, #tpu.memory_space<vmem>>, vector<1x1024x64xf32>,
    %slice3A_54 = vector.extract_strided_slice %dot_general3A_47 {offsets = [0, 64], sizes = [1024, 64], strides = [1, 1]} : vector<1024x128xf32> to vector<1024x64xf32>
    %swap3A_55 = arith.constant 1 : index
    %swap3A_56 = arith.constant 0 : index
    %swap3A_57 = arith.constant 0 : index
    %swap3A_58 = vector.load %arg6[%swap3A_55, %swap3A_56, %swap3A_57] : memref<2x1024x64xf32, #tpu.memory_space<vmem>>, vector<1x1024x64xf32>
    %swap3A_59 = vector.shape_cast %swap3A_58 : vector<1x1024x64xf32> to vector<1024x64xf32>
    %swap3A_60 = vector.shape_cast %slice3A_54 : vector<1024x64xf32> to vector<1x1024x64xf32>
    tpu.vector_store %arg6[%swap3A_55, %swap3A_56, %swap3A_57], %swap3A_60 {strides = array<i32>} : memref<2x1024x64xf32, #tpu.memory_space<vmem>>, vector<1x1024x64xf32>,
    %swap3A_61 = arith.constant 0 : index
    %swap3A_62 = arith.constant 0 : index
    %swap3A_63 = vector.load %arg7[%swap3A_61, %swap3A_62] : memref<1024x16xf32, #tpu.memory_space<vmem>>, vector<1024x16xf32>
    tpu.vector_store %arg7[%swap3A_61, %swap3A_62], %rsqrt3A {strides = array<i32>} : memref<1024x16xf32, #tpu.memory_space<vmem>>, vector<1024x16xf32>,
    %swap3A_64 = arith.constant 0 : index
    %swap3A_65 = arith.constant 0 : index
    %swap3A_66 = vector.load %arg8[%swap3A_64, %swap3A_65] : memref<1024x16xf32, #tpu.memory_space<vmem>>, vector<1024x16xf32>
    tpu.vector_store %arg8[%swap3A_64, %swap3A_65], %rsqrt3A_29 {strides = array<i32>} : memref<1024x16xf32, #tpu.memory_space<vmem>>, vector<1024x16xf32>,
    return
  }
  func.func @transform_0(%arg0: i32) -> (i32, i32) {
    %c0_i32 = arith.constant 0 : i32
    %c0_i32_0 = arith.constant 0 : i32
    return %arg0, %c0_i32 : i32, i32
  }
  func.func @transform_1(%arg0: i32) -> (i32, i32) {
    %c0_i32 = arith.constant 0 : i32
    %c0_i32_0 = arith.constant 0 : i32
    %c0_i32_1 = arith.constant 0 : i32
    return %c0_i32, %c0_i32_0 : i32, i32
  }
  func.func @transform_2(%arg0: i32) -> (i32, i32) {
    %c0_i32 = arith.constant 0 : i32
    %c0_i32_0 = arith.constant 0 : i32
    %c0_i32_1 = arith.constant 0 : i32
    return %c0_i32, %c0_i32_0 : i32, i32
  }
  func.func @transform_3(%arg0: i32) -> (i32, i32) {
    %c0_i32 = arith.constant 0 : i32
    %c0_i32_0 = arith.constant 0 : i32
    %c0_i32_1 = arith.constant 0 : i32
    return %c0_i32, %c0_i32_0 : i32, i32
  }
  func.func @transform_4(%arg0: i32) -> (i32, i32, i32, i32) {
    %c0_i32 = arith.constant 0 : i32
    %c0_i32_0 = arith.constant 0 : i32
    %c0_i32_1 = arith.constant 0 : i32
    %c0_i32_2 = arith.constant 0 : i32
    return %c0_i32, %c0_i32_0, %arg0, %c0_i32_1 : i32, i32, i32, i32
  }
  func.func @transform_5(%arg0: i32) -> (i32, i32, i32) {
    %c0_i32 = arith.constant 0 : i32
    %c0_i32_0 = arith.constant 0 : i32
    %c0_i32_1 = arith.constant 0 : i32
    return %c0_i32, %arg0, %c0_i32_0 : i32, i32, i32
  }
  func.func @transform_6(%arg0: i32) -> (i32, i32) {
    %c0_i32 = arith.constant 0 : i32
    %c0_i32_0 = arith.constant 0 : i32
    return %arg0, %c0_i32 : i32, i32
  }
  func.func @transform_7(%arg0: i32) -> (i32, i32) {
    %c0_i32 = arith.constant 0 : i32
    %c0_i32_0 = arith.constant 0 : i32
    return %arg0, %c0_i32 : i32, i32
  }
}

module attributes {stable_mosaic.version = 14 : i64} {
  func.func @_mid_body(%arg0: i32, %arg1: memref<2x1024x64xf32, #tpu.memory_space<vmem>>, %arg2: memref<1024x16xf32, #tpu.memory_space<vmem>>, %arg3: memref<1024x16xf32, #tpu.memory_space<vmem>>, %arg4: memref<1x128xf32, #tpu.memory_space<vmem>>, %arg5: memref<128x128xf32, #tpu.memory_space<vmem>>, %arg6: memref<2x1024x64xf32, #tpu.memory_space<vmem>>) attributes {dimension_semantics = [#tpu.dimension_semantics<arbitrary>], iteration_bounds = array<i64: 10>, scalar_prefetch = 0 : i64, scratch_operands = 0 : i64, tpu.core_type = #tpu.core_type<tc>, window_params = [{transform_indices = @transform_0, window_bounds = array<i64: 2, 1024, 64>}, {transform_indices = @transform_1, window_bounds = array<i64: 1024, 16>}, {transform_indices = @transform_2, window_bounds = array<i64: 1024, 16>}, {pipeline_mode = #tpu.pipeline_mode<synchronous>, transform_indices = @transform_3, window_bounds = array<i64: 1, 128>}, {pipeline_mode = #tpu.pipeline_mode<synchronous>, transform_indices = @transform_4, window_bounds = array<i64: 128, 128>}, {transform_indices = @transform_5, window_bounds = array<i64: 2, 1024, 64>}]} {
    %get3A = arith.constant 0 : index
    %get3A_0 = arith.constant 0 : index
    %get3A_1 = arith.constant 0 : index
    %get3A_2 = vector.load %arg1[%get3A, %get3A_0, %get3A_1] : memref<2x1024x64xf32, #tpu.memory_space<vmem>>, vector<1x1024x64xf32>
    %get3A_3 = vector.shape_cast %get3A_2 : vector<1x1024x64xf32> to vector<1024x64xf32>
    %get3A_4 = arith.constant 1 : index
    %get3A_5 = arith.constant 0 : index
    %get3A_6 = arith.constant 0 : index
    %get3A_7 = vector.load %arg1[%get3A_4, %get3A_5, %get3A_6] : memref<2x1024x64xf32, #tpu.memory_space<vmem>>, vector<1x1024x64xf32>
    %get3A_8 = vector.shape_cast %get3A_7 : vector<1x1024x64xf32> to vector<1024x64xf32>
    %concatenate3A = tpu.concatenate %get3A_3, %get3A_8 in 1 : vector<1024x64xf32>, vector<1024x64xf32> -> vector<1024x128xf32>
    %get3A_9 = arith.constant 0 : index
    %get3A_10 = arith.constant 0 : index
    %get3A_11 = vector.load %arg2[%get3A_9, %get3A_10] : memref<1024x16xf32, #tpu.memory_space<vmem>>, vector<1024x1xf32>
    %mul3A = vector.broadcast %get3A_11 : vector<1024x1xf32> to vector<1024x128xf32>
    %mul3A_12 = arith.mulf %concatenate3A, %mul3A : vector<1024x128xf32>
    %get3A_13 = arith.constant 0 : index
    %get3A_14 = arith.constant 0 : index
    %get3A_15 = vector.load %arg4[%get3A_13, %get3A_14] : memref<1x128xf32, #tpu.memory_space<vmem>>, vector<1x128xf32>
    %add3A = vector.broadcast %get3A_15 : vector<1x128xf32> to vector<1024x128xf32>
    %add3A_16 = arith.addf %mul3A_12, %add3A : vector<1024x128xf32>
    %max3A = arith.constant 0.000000e+00 : f32
    %max3A_17 = vector.broadcast %max3A : f32 to vector<1024x128xf32>
    %max3A_18 = arith.maximumf %add3A_16, %max3A_17 : vector<1024x128xf32>
    %get3A_19 = arith.constant 0 : index
    %get3A_20 = arith.constant 0 : index
    %get3A_21 = vector.load %arg3[%get3A_19, %get3A_20] : memref<1024x16xf32, #tpu.memory_space<vmem>>, vector<1024x1xf32>
    %mul3A_22 = vector.broadcast %get3A_21 : vector<1024x1xf32> to vector<1024x128xf32>
    %mul3A_23 = arith.mulf %max3A_18, %mul3A_22 : vector<1024x128xf32>
    %get3A_24 = arith.constant 0 : index
    %get3A_25 = arith.constant 0 : index
    %get3A_26 = vector.load %arg5[%get3A_24, %get3A_25] : memref<128x128xf32, #tpu.memory_space<vmem>>, vector<128x128xf32>
    %dot_general3A = arith.constant dense<0.000000e+00> : vector<1024x128xf32>
    %dot_general3A_27 = tpu.matmul %mul3A_23, %get3A_26, %dot_general3A {dimension_numbers = #tpu.dot_dimension_numbers<[1], [0], [0], [1], [0, 0, 1, 1], [], []>, transpose_lhs_hint = false} : vector<1024x128xf32>, vector<128x128xf32>, vector<1024x128xf32> -> vector<1024x128xf32>
    %slice3A = vector.extract_strided_slice %dot_general3A_27 {offsets = [0, 0], sizes = [1024, 64], strides = [1, 1]} : vector<1024x128xf32> to vector<1024x64xf32>
    %swap3A = arith.constant 0 : index
    %swap3A_28 = arith.constant 0 : index
    %swap3A_29 = arith.constant 0 : index
    %swap3A_30 = vector.load %arg6[%swap3A, %swap3A_28, %swap3A_29] : memref<2x1024x64xf32, #tpu.memory_space<vmem>>, vector<1x1024x64xf32>
    %swap3A_31 = vector.shape_cast %swap3A_30 : vector<1x1024x64xf32> to vector<1024x64xf32>
    %swap3A_32 = vector.shape_cast %slice3A : vector<1024x64xf32> to vector<1x1024x64xf32>
    tpu.vector_store %arg6[%swap3A, %swap3A_28, %swap3A_29], %swap3A_32 {strides = array<i32>} : memref<2x1024x64xf32, #tpu.memory_space<vmem>>, vector<1x1024x64xf32>,
    %slice3A_33 = vector.extract_strided_slice %dot_general3A_27 {offsets = [0, 64], sizes = [1024, 64], strides = [1, 1]} : vector<1024x128xf32> to vector<1024x64xf32>
    %swap3A_34 = arith.constant 1 : index
    %swap3A_35 = arith.constant 0 : index
    %swap3A_36 = arith.constant 0 : index
    %swap3A_37 = vector.load %arg6[%swap3A_34, %swap3A_35, %swap3A_36] : memref<2x1024x64xf32, #tpu.memory_space<vmem>>, vector<1x1024x64xf32>
    %swap3A_38 = vector.shape_cast %swap3A_37 : vector<1x1024x64xf32> to vector<1024x64xf32>
    %swap3A_39 = vector.shape_cast %slice3A_33 : vector<1024x64xf32> to vector<1x1024x64xf32>
    tpu.vector_store %arg6[%swap3A_34, %swap3A_35, %swap3A_36], %swap3A_39 {strides = array<i32>} : memref<2x1024x64xf32, #tpu.memory_space<vmem>>, vector<1x1024x64xf32>,
    return
  }
  func.func @transform_0(%arg0: i32) -> (i32, i32, i32) {
    %c0_i32 = arith.constant 0 : i32
    %c0_i32_0 = arith.constant 0 : i32
    %c0_i32_1 = arith.constant 0 : i32
    return %c0_i32, %arg0, %c0_i32_0 : i32, i32, i32
  }
  func.func @transform_1(%arg0: i32) -> (i32, i32) {
    %c0_i32 = arith.constant 0 : i32
    %c0_i32_0 = arith.constant 0 : i32
    return %arg0, %c0_i32 : i32, i32
  }
  func.func @transform_2(%arg0: i32) -> (i32, i32) {
    %c0_i32 = arith.constant 0 : i32
    %c0_i32_0 = arith.constant 0 : i32
    return %arg0, %c0_i32 : i32, i32
  }
  func.func @transform_3(%arg0: i32) -> (i32, i32) {
    %c0_i32 = arith.constant 0 : i32
    %c0_i32_0 = arith.constant 0 : i32
    %c0_i32_1 = arith.constant 0 : i32
    return %c0_i32, %c0_i32_0 : i32, i32
  }
  func.func @transform_4(%arg0: i32) -> (i32, i32) {
    %c0_i32 = arith.constant 0 : i32
    %c0_i32_0 = arith.constant 0 : i32
    %c0_i32_1 = arith.constant 0 : i32
    return %c0_i32, %c0_i32_0 : i32, i32
  }
  func.func @transform_5(%arg0: i32) -> (i32, i32, i32) {
    %c0_i32 = arith.constant 0 : i32
    %c0_i32_0 = arith.constant 0 : i32
    %c0_i32_1 = arith.constant 0 : i32
    return %c0_i32, %arg0, %c0_i32_0 : i32, i32, i32
  }
}

module attributes {stable_mosaic.version = 14 : i64} {
  func.func @_fin_body(%arg0: i32, %arg1: memref<2x1024x64xf32, #tpu.memory_space<vmem>>, %arg2: memref<1024x16xf32, #tpu.memory_space<vmem>>, %arg3: memref<1x128xf32, #tpu.memory_space<vmem>>, %arg4: memref<1024x128xf32, #tpu.memory_space<vmem>>) attributes {dimension_semantics = [#tpu.dimension_semantics<arbitrary>], iteration_bounds = array<i64: 10>, scalar_prefetch = 0 : i64, scratch_operands = 0 : i64, tpu.core_type = #tpu.core_type<tc>, window_params = [{transform_indices = @transform_0, window_bounds = array<i64: 2, 1024, 64>}, {transform_indices = @transform_1, window_bounds = array<i64: 1024, 16>}, {pipeline_mode = #tpu.pipeline_mode<synchronous>, transform_indices = @transform_2, window_bounds = array<i64: 1, 128>}, {transform_indices = @transform_3, window_bounds = array<i64: 1024, 128>}]} {
    %get3A = arith.constant 0 : index
    %get3A_0 = arith.constant 0 : index
    %get3A_1 = arith.constant 0 : index
    %get3A_2 = vector.load %arg1[%get3A, %get3A_0, %get3A_1] : memref<2x1024x64xf32, #tpu.memory_space<vmem>>, vector<1x1024x64xf32>
    %get3A_3 = vector.shape_cast %get3A_2 : vector<1x1024x64xf32> to vector<1024x64xf32>
    %get3A_4 = arith.constant 1 : index
    %get3A_5 = arith.constant 0 : index
    %get3A_6 = arith.constant 0 : index
    %get3A_7 = vector.load %arg1[%get3A_4, %get3A_5, %get3A_6] : memref<2x1024x64xf32, #tpu.memory_space<vmem>>, vector<1x1024x64xf32>
    %get3A_8 = vector.shape_cast %get3A_7 : vector<1x1024x64xf32> to vector<1024x64xf32>
    %concatenate3A = tpu.concatenate %get3A_3, %get3A_8 in 1 : vector<1024x64xf32>, vector<1024x64xf32> -> vector<1024x128xf32>
    %get3A_9 = arith.constant 0 : index
    %get3A_10 = arith.constant 0 : index
    %get3A_11 = vector.load %arg2[%get3A_9, %get3A_10] : memref<1024x16xf32, #tpu.memory_space<vmem>>, vector<1024x1xf32>
    %mul3A = vector.broadcast %get3A_11 : vector<1024x1xf32> to vector<1024x128xf32>
    %mul3A_12 = arith.mulf %concatenate3A, %mul3A : vector<1024x128xf32>
    %get3A_13 = arith.constant 0 : index
    %get3A_14 = arith.constant 0 : index
    %get3A_15 = vector.load %arg3[%get3A_13, %get3A_14] : memref<1x128xf32, #tpu.memory_space<vmem>>, vector<1x128xf32>
    %add3A = vector.broadcast %get3A_15 : vector<1x128xf32> to vector<1024x128xf32>
    %add3A_16 = arith.addf %mul3A_12, %add3A : vector<1024x128xf32>
    %swap3A = arith.constant 0 : index
    %swap3A_17 = arith.constant 0 : index
    %swap3A_18 = vector.load %arg4[%swap3A, %swap3A_17] : memref<1024x128xf32, #tpu.memory_space<vmem>>, vector<1024x128xf32>
    tpu.vector_store %arg4[%swap3A, %swap3A_17], %add3A_16 {strides = array<i32>} : memref<1024x128xf32, #tpu.memory_space<vmem>>, vector<1024x128xf32>,
    return
  }
  func.func @transform_0(%arg0: i32) -> (i32, i32, i32) {
    %c0_i32 = arith.constant 0 : i32
    %c0_i32_0 = arith.constant 0 : i32
    %c0_i32_1 = arith.constant 0 : i32
    return %c0_i32, %arg0, %c0_i32_0 : i32, i32, i32
  }
  func.func @transform_1(%arg0: i32) -> (i32, i32) {
    %c0_i32 = arith.constant 0 : i32
    %c0_i32_0 = arith.constant 0 : i32
    return %arg0, %c0_i32 : i32, i32
  }
  func.func @transform_2(%arg0: i32) -> (i32, i32) {
    %c0_i32 = arith.constant 0 : i32
    %c0_i32_0 = arith.constant 0 : i32
    %c0_i32_1 = arith.constant 0 : i32
    return %c0_i32, %c0_i32_0 : i32, i32
  }
  func.func @transform_3(%arg0: i32) -> (i32, i32) {
    %c0_i32 = arith.constant 0 : i32
    %c0_i32_0 = arith.constant 0 : i32
    return %arg0, %c0_i32 : i32, i32
  }
}

</mosaic_0001>

<sc_bundles>
// kernel: kernel.10.cloned.1.call-start
scs
__scs_entry_jumppad:
0x0: {  	(pc) =	sbr.rel $0x88, $3  }
0x1: {  	(tag) =	ssettag $0x0;
	lr =	simm.s32 $0x1  }
0x2: {  	[smem:$0x3F97] =	sst lr;
	_ =	strace $0xD0000000  }
0x3: {  	_ = 	snop  }
0x4: {  	_ = 	snop  }
0x5: {  	_ = 	snop  }
0x6: {  	_ = 	snop  }
0x7: {  	_ = 	snop  }
__scs_overlays_trampoline_lowered:
0x8: {  	[smem:$0x3FA6] =	sst s0  }
0x9: {  	[smem:$0x3FA7] =	sst s1  }
0xa: {  	[smem:$0x3FA8] =	sst s2  }
0xb: {  	[smem:$0x3FA9] =	sst s3  }
0xc: {  	[smem:$0x3FAA] =	sst s4  }
0xd: {  	[smem:$0x3FAB] =	sst s5  }
0xe: {  	[smem:$0x3FAC] =	sst s6  }
0xf: {  	[smem:$0x3FAD] =	sst s7  }
0x10: {  	[smem:$0x3FAE] =	sst s8  }
0x11: {  	[smem:$0x3FAF] =	sst s9;
	s0 =	simm.s32 @!p0 $0x0  }
0x12: {  	s1 =	sld [smem:$0x3F95];
	s0 =	simm.s32 @p0 $0x1  }
0x13: {  	[smem:$0x3FB0] =	sst s0;
	s0 =	simm.s32 @!p1 $0x0  }
0x14: {  	s2 =	sld [smem:$0x3F94];
	s0 =	simm.s32 @p1 $0x1  }
0x15: {  	[smem:$0x3FB1] =	sst s0;
	s0 =	simm.s32 @!p2 $0x0  }
0x16: {  	s3 =	sld [smem:$0x3FDB];
	s0 =	simm.s32 @p2 $0x1  }
0x17: {  	s4 =	simm.s32 $0x1BF5;
	[smem:$0x3FB3] =	sst s0  }
0x18: {  	s0 =	sld [smem:$0x3F96];
	_ =	swait.ge [sflag:s4], $0x0  }
0x19: {  	s7 =	sld [smem:$0x3F97]  }
0x1a: {  	s8 =	sadd.s32 $0xFFFFE003, lr  }
0x1b: {  	s9 =	sadd.s32 $0xFFFFFEF7, lr;
	s5 =	simm.s32 $0xFFFFFFFF;
	p2 =	slt.u32 s8, $0xFFFFF086  }
0x1c: {  	p1 =	slt.u32 s9, $0xF7A;
	s5 =	simm.s32 @!p2 $0x0  }
0x1d: {  	s5 =	simm.s32 @p1 $0x1;
	p0 =	seq.s32 s7, s2  }
0x1e: {  	s7 =	smul.u32 @!p0 $0xF7A, s2;
	p2 =	seq.s32 @!p0 s5, $0x0  }
0x1f: {  	s9 =	smul.u32 $0xF7A, s1;
	s8 =	simm.s32 @!p0 $0x1BF5;
	p2 =	por !p2, p0  }
0x20: {  	[sflag:s8] =	ssyncset.s32 @!p0 $0xFFFFF086;
	s6 =	sadd.s32 @!p0 s3, s7;
	s7 =	simm.s32 @!p0 $0x108  }
0x21: {  	s3 =	sadd.s32 s3, s9;
	s6 =	sadd.s32 @!p0 $0x88, s6;
	s7 =	simm.s32 @p2 $0x1082  }
0x22: {  	[simem:s7], [sflag:s8] =	dma.local @!p0 [hbm:s6], $0xF7A  }
0x23: {  	s9 =	sor.u32 $0xD0000000, s2;
	s6 =	simm.s32 $0x108;
	_ =	swait.ge @!p0 [sflag:s8], $0x0  }
0x24: {  	s3 =	sadd.s32 $0x88, s3;
	s6 =	simm.s32 @!p1 $0x1082;
	[sflag:s4] =	ssyncset.s32 $0xFFFFF086  }
0x25: {  	[simem:s6], [sflag:s4] =	dma.local [hbm:s3], $0xF7A  }
0x26: {  	[smem:$0x3F97] =	sst s1;
	(tag) =	ssettag s2;
	_ =	strace s9  }
0x27: {  	s1 =	sld [smem:$0x3FA7]  }
0x28: {  	s2 =	sld [smem:$0x3FA8]  }
0x29: {  	s4 =	sld [smem:$0x3FAA]  }
0x2a: {  	p0 =	seq.s32 s5, $0x0;
	s5 =	sld [smem:$0x3FAB]  }
0x2b: {  	s6 =	sld [smem:$0x3FAC]  }
0x2c: {  	s7 =	sld [smem:$0x3FAD]  }
0x2d: {  	s3 =	simm.s32 $0x108;
	s8 =	sld [smem:$0x3FAE]  }
0x2e: {  	s3 =	simm.s32 @!p0 $0x1082;
	s9 =	sld [smem:$0x3FAF]  }
0x2f: {  	lr =	sadd.s32 s0, s3;
	s0 =	sld [smem:$0x3FA6]  }
0x30: {  	s3 =	sld [smem:$0x3FA9]  }
0x31: {  	[smem:$0x3FB2] =	sst s10  }
0x32: {  	s10 =	sld [smem:$0x3FB0];
	_ =	sdelay $0x3  }
0x33: {  	p0 =	seq.s32 s10, $0x1;
	s10 =	sld [smem:$0x3FB2];
	_ =	sdelay $0x3  }
0x34: {  	[smem:$0x3FB2] =	sst s10  }
0x35: {  	s10 =	sld [smem:$0x3FB1];
	_ =	sdelay $0x3  }
0x36: {  	p1 =	seq.s32 s10, $0x1;
	s10 =	sld [smem:$0x3FB2];
	_ =	sdelay $0x3  }
0x37: {  	[smem:$0x3FB2] =	sst s10  }
0x38: {  	s10 =	sld [smem:$0x3FB3]  }
0x39: {  	_ = 	snop;
	(pc) =	sbr.ind lr, $3  }
0x3a: {  	_ = 	snop  }
0x3b: {  	_ = 	snop  }
0x3c: {  	p2 =	seq.s32 s10, $0x1;
	s10 =	sld [smem:$0x3FB2]  }
0x3d: {  	_ =	shalt  }
0x3e: {  	_ =	shalt  }
0x3f: {  	_ =	shalt  }
0x40: {  	_ =	shalt  }
0x41: {  	_ =	shalt  }
0x42: {  	_ =	shalt  }
0x43: {  	_ =	shalt  }
0x44: {  	_ =	shalt  }
0x45: {  	_ =	shalt  }
0x46: {  	_ =	shalt  }
0x47: {  	_ =	shalt  }
0x48: {  	_ =	shalt  }
0x49: {  	_ =	shalt  }
0x4a: {  	_ =	shalt  }
0x4b: {  	_ =	shalt  }
0x4c: {  	_ =	shalt  }
0x4d: {  	_ =	shalt  }
0x4e: {  	_ =	shalt  }
0x4f: {  	_ =	shalt  }
0x50: {  	_ =	shalt  }
0x51: {  	_ =	shalt  }
0x52: {  	_ =	shalt  }
0x53: {  	_ =	shalt  }
0x54: {  	_ =	shalt  }
0x55: {  	_ =	shalt  }
0x56: {  	_ =	shalt  }
0x57: {  	_ =	shalt  }
0x58: {  	_ =	shalt  }
0x59: {  	_ =	shalt  }
0x5a: {  	_ =	shalt  }
0x5b: {  	_ =	shalt  }
0x5c: {  	_ =	shalt  }
0x5d: {  	_ =	shalt  }
0x5e: {  	_ =	shalt  }
0x5f: {  	_ =	shalt  }
0x60: {  	_ =	shalt  }
0x61: {  	_ =	shalt  }
0x62: {  	_ =	shalt  }
0x63: {  	_ =	shalt  }
0x64: {  	_ =	shalt  }
0x65: {  	_ =	shalt  }
0x66: {  	_ =	shalt  }
0x67: {  	_ =	shalt  }
0x68: {  	_ =	shalt  }
0x69: {  	_ =	shalt  }
0x6a: {  	_ =	shalt  }
0x6b: {  	_ =	shalt  }
0x6c: {  	_ =	shalt  }
0x6d: {  	_ =	shalt  }
0x6e: {  	_ =	shalt  }
0x6f: {  	_ =	shalt  }
0x70: {  	_ =	shalt  }
0x71: {  	_ =	shalt  }
0x72: {  	_ =	shalt  }
0x73: {  	_ =	shalt  }
0x74: {  	_ =	shalt  }
0x75: {  	_ =	shalt  }
0x76: {  	_ =	shalt  }
0x77: {  	_ =	shalt  }
0x78: {  	_ =	shalt  }
0x79: {  	_ =	shalt  }
0x7a: {  	_ =	shalt  }
0x7b: {  	_ =	shalt  }
0x7c: {  	_ =	shalt  }
0x7d: {  	_ =	shalt  }
0x7e: {  	_ =	shalt  }
0x7f: {  	_ =	shalt  }
0x80: {  	_ =	shalt  }
0x81: {  	_ =	shalt  }
0x82: {  	_ =	shalt  }
0x83: {  	_ =	shalt  }
0x84: {  	_ =	shalt  }
0x85: {  	_ =	shalt  }
0x86: {  	_ =	shalt  }
0x87: {  	_ =	shalt  }
.Lfunc_end0:
.L_simem_size_0:
called_computation_lowered:
.L_overlay_start_0:
0x88: {  	s2 =	sld [smem:$0x3FD9]  }
0x89: {  	s3 =	sld [smem:$0x3FFE];
	_ =	sdelay $0x1  }
0x8a: {  	s1 =	srdreg.scid  }
0x8b: {  	s0 =	sand.u32 $0x1, s1  }
0x8c: {  	s17 =	sshll.u32 s0, $0xA;
	s2 =	sadd.s32 s3, s2  }
0x8d: {  	s2 =	sadd.s32 s2, s17  }
0x8e: {  	[smem:$0x3FBE] =	sst s2  }
0x8f: {  	_ = 	snop  }
0x90: {  	s2 =	sld [smem:$0x3FD0];
	(tm) =	ssettm $0x1  }
0x91: {  	s18 =	sld [smem:$0x3FFB];
	_ =	sdelay $0x3  }
0x92: {  	_ =	strace s18  }
0x93: {  	s3 =	sld [smem:$0x3FFC];
	_ =	sdelay $0x3  }
0x94: {  	_ =	strace s3  }
0x95: {  	s3 =	sld [smem:$0x3FFD];
	_ =	sdelay $0x3  }
0x96: {  	_ =	strace s3  }
0x97: {  	_ =	strace $0x8FFFFFFF  }
0x98: {  	s19 =	sld [smem:$0x3FDB];
	_ =	sdelay $0x1  }
0x99: {  	s4 =	simm.s32 $_scs_section_size  }
0x9a: {  	s5 =	simm.s32 $_size__tile_overlayer_lowered;
	s6 =	simm.s32 $_tile_overlayer_lowered  }
0x9b: {  	s22 =	simm.s32 $0x1BFF;
	s21 =	sshll.u32 s6, $0x1;
	s3 =	sadd.s32 s4, s19  }
0x9c: {  	s7 =	simm.s32 $0x0;
	s20 =	sshll.u32 s5, $0x1;
	s5 =	sadd.s32 s21, s3  }
0x9d: {  	[timem:s7], [sflag:s22] =	dma.local [hbm:s5], s20  }
0x9e: {  	_ =	swait.ge [sflag:s22], s20  }
0x9f: {  	s4 =	ssub.s32 $0x0, s20;
	[sflag:s22] =	ssyncset.done $0x0  }
0xa0: {  	[sflag:s22] =	ssyncadd.s32 s4;
	_ =	sdelay $0x1  }
0xa1: {  	s23 =	simm.s32 $0x1B8B  }
0xa2: {  	_ =	swait.ge [sflag:s23], $0x1  }
0xa3: {  	[sflag:s23] =	ssyncset.done $0x0  }
0xa4: {  	s25 =	simm.s32 $0x1B8E;
	s24 =	sld [smem:$0x3FFE];
	[sflag:s23] =	ssyncadd.s32 $0xFFFFFFFF  }
0xa5: {  	s26 =	simm.s32 $execute0_lowered;
	[smem:$0x3FD2] =	sst s25  }
0xa6: {  	s5 =	sshll.u32 s26, $0x1;
	_ =	strace $0x80000046;
	[dreg:$0x1] =	wrdreg $0xFFFFFFFF  }
0xa7: {  	s28 =	simm.s32 $_size_execute0_lowered;
	s3 =	sadd.s32 s3, s5;
	[dreg:$0x0] =	wrdreg $0x0  }
0xa8: {  	s5 =	sshll.u32 s28, $0x1;
	[dreg:$0x2] =	wrdreg s3  }
0xa9: {  	[dreg:$0x3] =	wrdreg s5  }
0xaa: {  	[dreg:$0x4] =	wrdreg $0xC0  }
0xab: {  	_ =	task [dreg:s7], $0x5FFFF  }
0xac: {  	[dreg:$0x1] =	wrdreg $0xFFFFFFFF  }
0xad: {  	[dreg:$0x0] =	wrdreg $0x60  }
0xae: {  	[dreg:$0x2] =	wrdreg s24  }
0xaf: {  	[dreg:$0x3] =	wrdreg s2  }
0xb0: {  	[dreg:$0x4] =	wrdreg $0x58000  }
0xb1: {  	[dreg:$0x5] =	wrdreg $0x80000  }
0xb2: {  	[dreg:$0x6] =	wrdreg $0x9  }
0xb3: {  	_ =	task.clear_ibuf [dreg:s7], $0x7FFFF;
	_ =	strace $0x90000046  }
0xb4: {  	s29 =	simm.s32 $0x9;
	_ =	strace $0x80000048  }
0xb5: {  	_ =	swait.ge [sflag:s29], $0x1  }
0xb6: {  	[sflag:s29] =	ssyncadd.s32 $0xFFFFFFFF  }
0xb7: {  	_ =	strace $0x90000048  }
0xb8: {  	_ =	sfence  }
0xb9: {  	s30 =	sld [smem:$0x0];
	_ =	sdelay $0x2  }
0xba: {  	s31 =	sshll.u32 s1, $0xD;
	s1 =	sshrl.u32 s1, $0x2  }
0xbb: {  	s3 =	sand.u32 $0x4000, s31;
	s1 =	sadd.s32 s1, s30  }
0xbc: {  	s0 =	sor.u32 s3, s0;
	s1 =	sshll.u32 s1, $0x11  }
0xbd: {  	s0 =	sor.u32 s1, s0  }
0xbe: {  	s0 =	sadd.s32 $0x8F2B, s0  }
0xbf: {  	[sflag:s0] =	ssyncadd.remote.s32 $0x1  }
0xc0: {  	_ =	sfence.sel $0xFFFF  }
0xc1: {  	[dreg:$0x0] =	wrdreg $0xFFFFFFFF;
	(pc) =	sbr.abs _section_cstart, $3  }
0xc2: {  	[dreg:$0x1] =	wrdreg $0xFFFFFFFF  }
0xc3: {  	_ =	task.clear_ibuf [dreg:s7], $0x2FFFF;
	_ =	strace $0x9FFFFFFF  }
0xc4: {  	(tm) =	ssettm $0x7FFFFFFF  }
0xc5: {  	_ =	shalt  }
tec
execute0_lowered:
.L_overlay_start_1:
0x0: {  	(tag) =	ssettag $0x1  }
0x1: {  	s6 =	rddreg [dreg:$0x0]  }
0x2: {  	s9 =	rddreg [dreg:$0x1]  }
0x3: {  	s0 =	srdreg.scid;
	s2 =	rddreg [dreg:$0x2]  }
0x4: {  	s3 =	rddreg [dreg:$0x3];
	s1 =	stileid.u32  }
0x5: {  	s4 =	simm.s32 $0x0;
	s14 =	simm.s32 $0x5000;
	s18 =	simm.s32 $0x80  }
0x6: {  	s19 =	simm.s32 $0x0;
	s5 =	sand.u32 $0x1, s0;
	s0 =	rddreg [dreg:$0x4]  }
0x7: {  	[smem:$0x7FF] =	sst s4;
	s10 =	smul.u32 $0x2800, s1;
	s15 =	sshll.u32 s1, $0x6  }
0x8: {  	s7 =	sshll.u32 s5, $0x4;
	_ =	strace $0x80000047;
	s8 =	ssub.s32 $0x2, s5  }
0x9: {  	s11 =	smul.u32 $0x50000, s5;
	s5 =	sadd.s32 $0x1B400, s6;
	s15 =	sor.u32 $0x1C01, s15  }
0xa: {  	s7 =	sor.u32 s1, s7;
	s12 =	sshrl.u32 s10, $0x3;
	s13 =	sshrl.u32 s8, $0x1  }
0xb: {  	s16 =	sadd.s32 s10, s2;
	s17 =	sadd.s32 s10, s3;
	s7 =	smul.u32 $0x500, s7  }
0xc: {  	s12 =	sadd.s32 s12, s6;
	s13 =	ssub.s32 s8, s13;
	s31 =	sadd.s32 s10, s11  }
0xd: {  	s16 =	sshrl.u32 s16, $0x3;
	s17 =	sshrl.u32 s17, $0x3;
	s11 =	sshrl.u32 s31, $0x3  }
0xe: {  	s8 =	sadd.s32 $0x16400, s12;
	s12 =	simm.s32 $0x1;
	s7 =	sadd.s32 s7, s6  }
0xf: {  	s9 =	sadd.s32 s9, s11;
	s11 =	smax.u32 s13, $0x1;
	s13 =	simm.s32 $0x2800  }
0x10: {  	s6 =	sadd.s32 $0xC400, s7;
	s7 =	sadd.s32 $0x2400, s7;
	s10 =	sadd.s32 $0x5000, s9  }
.LBB2_1:
0x11: {  	[tilespmem:s4], [sflag:$0x1] =	stream.linear.gather [hbm4b:s6+s4], $0x2800, $0x38;
	[tilespmem:$0xA800] =	vst v63  }
0x12: {  	_ =	swait.ge [sflag:s12], $0x2800  }
0x13: {  	[sflag:s12] =	ssyncset.done $0x0  }
0x14: {  	[sflag:s12] =	ssyncadd.s32 $0xFFFFD800  }
0x15: {  	[tilespmem:s13], [sflag:$0x1] =	stream.linear.gather [hbm4b:s7+s4], $0x2800, $0x38;
	[tilespmem:$0xA800] =	vst v63  }
0x16: {  	_ =	swait.ge [sflag:s12], $0x2800  }
0x17: {  	[sflag:s12] =	ssyncset.done $0x0  }
0x18: {  	[sflag:s12] =	ssyncadd.s32 $0xFFFFD800  }
0x19: {  	[tilespmem:s14], [sflag:$0x1] =	stream.linear.gather [hbm4b:s5+s4], $0x800, $0x38;
	[tilespmem:$0xA800] =	vst v63  }
0x1a: {  	_ =	swait.ge [sflag:s12], $0x800  }
0x1b: {  	[sflag:s12] =	ssyncset.done $0x0  }
0x1c: {  	[sflag:s12] =	ssyncadd.s32 $0xFFFFF800  }
0x1d: {  	[spmem:s16], [sflag:s15] =	dma.local [hbm:s8], $0x500  }
0x1e: {  	_ =	swait.ge [sflag:s12], $0x500  }
0x1f: {  	[sflag:s12] =	ssyncset.done $0x0  }
0x20: {  	[sflag:s12] =	ssyncadd.s32 $0xFFFFFB00  }
0x21: {  	[spmem:s17], [sflag:s15] =	dma.local [hbm:s8], $0x500  }
0x22: {  	_ =	swait.ge [sflag:s12], $0x500  }
0x23: {  	[sflag:s12] =	ssyncset.done $0x0  }
0x24: {  	[sflag:s12] =	ssyncadd.s32 $0xFFFFFB00  }
0x25: {  	s20 =	simm.s32 $0x0;
	[bflag:$0x0] =	sbarrier.arrive $0xFFFF  }
0x26: {  	[spmem:s2] =	stream.indirect.scatter.add.f32 [tilespmem:s14], [sflag:$0x1], $0x10, s20, s18, $0xb8;
	[tilespmem:$0xA800] =	vst v63  }
0x27: {  	_ =	swait.ge [sflag:s12], $0x800  }
0x28: {  	[sflag:s12] =	ssyncset.done $0x0  }
0x29: {  	s31 =	simm.s32 $0x2800;
	[sflag:s12] =	ssyncadd.s32 $0xFFFFF800  }
0x2a: {  	[spmem:s3] =	stream.indirect.scatter.add.f32 [tilespmem:s14], [sflag:$0x1], $0x10, s31, s18, $0xb8;
	[tilespmem:$0xA800] =	vst v63  }
0x2b: {  	_ =	swait.ge [sflag:s12], $0x800  }
0x2c: {  	s21 =	simm.s32 $0x400;
	s20 =	simm.s32 $0x200;
	[sflag:s12] =	ssyncset.done $0x0  }
.LBB2_2:
0x2d: {  	s22 =	sshra.s32 s20, $0x2  }
0x2e: {  	[sflag:s12] =	ssyncadd.s32 $0xFFFFF800;
	s20 =	smov.u32 s21;
	s23 =	sadd.s32 $0x200, s21  }
0x2f: {  	[spmem:s2] =	stream.indirect.scatter.add.f32 [tilespmem:s14], [sflag:$0x1], $0x10, s22, s18, $0xb8;
	[tilespmem:$0xA800] =	vst v63  }
0x30: {  	p0 =	sne.s32 s21, $0x9E00;
	_ =	swait.ge [sflag:s12], $0x800  }
.Ltmp0:
0x31: {  	[sflag:s12] =	ssyncset.done $0x0;
	(pc) =	sbr.rel @p0 .LBB2_2-.Ltmp0, $4  }
0x32: {  	s21 =	sadd.s32 $0x2800, s22;
	[sflag:s12] =	ssyncadd.s32 $0xFFFFF800  }
0x33: {  	[spmem:s3] =	stream.indirect.scatter.add.f32 [tilespmem:s14], [sflag:$0x1], $0x10, s21, s18, $0xb8;
	[tilespmem:$0xA800] =	vst v63  }
0x34: {  	_ =	swait.ge [sflag:s12], $0x800  }
0x35: {  	s21 =	smov.u32 s23;
	[sflag:s12] =	ssyncset.done $0x0  }
0x36: {  	s20 =	sshra.s32 s20, $0x2;
	[sflag:s12] =	ssyncadd.s32 $0xFFFFF800  }
0x37: {  	[spmem:s2] =	stream.indirect.scatter.add.f32 [tilespmem:s14], [sflag:$0x1], $0x10, s20, s18, $0xb8;
	[tilespmem:$0xA800] =	vst v63  }
0x38: {  	_ =	swait.ge [sflag:s12], $0x800  }
0x39: {  	[sflag:s12] =	ssyncset.done $0x0  }
0x3a: {  	s20 =	sadd.s32 $0x2800, s20;
	[sflag:s12] =	ssyncadd.s32 $0xFFFFF800  }
0x3b: {  	[spmem:s3] =	stream.indirect.scatter.add.f32 [tilespmem:s14], [sflag:$0x1], $0x10, s20, s18, $0xb8;
	[tilespmem:$0xA800] =	vst v63  }
0x3c: {  	_ =	swait.ge [sflag:s12], $0x800  }
0x3d: {  	[sflag:s12] =	ssyncset.done $0x0  }
0x3e: {  	[sflag:s12] =	ssyncadd.s32 $0xFFFFF800  }
0x3f: {  	[bflag:$0x0] =	sbarrier.arrive $0xFFFF  }
0x40: {  	[hbm:s9], [sflag:s15] =	dma.local [spmem:s16], $0x500  }
0x41: {  	s19 =	sadd.s32 $0x1, s19;
	_ =	swait.ge [sflag:s12], $0x500  }
0x42: {  	p0 =	sne.s32 s19, s11;
	[sflag:s12] =	ssyncset.done $0x0  }
.Ltmp1:
0x43: {  	[sflag:s12] =	ssyncadd.s32 $0xFFFFFB00;
	(pc) =	sbr.rel @p0 .LBB2_1-.Ltmp1, $4  }
0x44: {  	[hbm:s10], [sflag:s15] =	dma.local [spmem:s17], $0x500  }
0x45: {  	_ =	swait.ge [sflag:s12], $0x500  }
0x46: {  	[sflag:s12] =	ssyncset.done $0x0  }
0x47: {  	[sflag:s12] =	ssyncadd.s32 $0xFFFFFB00  }
0x48: {  	_ =	sfence.sel $0x180000  }
0x49: {  	[bflag:$0x0] =	sbarrier.arrive $0xFFFF  }
0x4a: {  	p0 =	sne.s32 s1, $0x0;
	_ =	strace $0x90000047  }
0x4b: {  	s0 =	sadd.s32 @!p0 $0x100000, s0;
	[bflag:$0x2] =	sbarrier.arrive $0xFFFF  }
0x4c: {  	[sflag:s0] =	ssyncadd.tile.s32 @!p0 $0x1;
	_ =	shalt  }
.Lfunc_end2:
_tile_overlayer_lowered:
.L_overlay_start_2:
0x4d: {  	(tag) =	ssettag $0x2  }
0x4e: {  	s0 =	rddreg [dreg:$0x0];
	s2 =	stileid.u32  }
0x4f: {  	s1 =	rddreg [dreg:$0x1];
	p0 =	sne.s32 s2, $0x0  }
0x50: {  	s3 =	rddreg [dreg:$0x2];
	[bflag:$0x3] =	sbarrier.arrive $0xFFFF;
	s2 =	simm.s32 @!p0 $0x1C01  }
0x51: {  	[timem:s3], [sflag:s2] =	dma.local @!p0 [hbm:s0], s1  }
0x52: {  	s0 =	simm.s32 @!p0 $0x1  }
0x53: {  	_ =	swait.ge @!p0 [sflag:s0], s1  }
0x54: {  	s1 =	ssub.s32 @!p0 $0x0, s1;
	[sflag:s0] =	ssyncset.done @!p0 $0x0  }
0x55: {  	[sflag:s0] =	ssyncadd.s32 @!p0 s1  }
0x56: {  	[bflag:$0x3] =	sbarrier.arrive $0xFFFF  }
0x57: {  	_ =	shalt  }

// kernel: kernel.13.cloned.1.call-start
scs
__scs_entry_jumppad:
0x0: {  	(pc) =	sbr.rel $0x88, $3  }
0x1: {  	(tag) =	ssettag $0x0;
	lr =	simm.s32 $0x1  }
0x2: {  	[smem:$0x3F97] =	sst lr;
	_ =	strace $0xD0000000  }
0x3: {  	_ = 	snop  }
0x4: {  	_ = 	snop  }
0x5: {  	_ = 	snop  }
0x6: {  	_ = 	snop  }
0x7: {  	_ = 	snop  }
__scs_overlays_trampoline_lowered:
0x8: {  	[smem:$0x3FA6] =	sst s0  }
0x9: {  	[smem:$0x3FA7] =	sst s1  }
0xa: {  	[smem:$0x3FA8] =	sst s2  }
0xb: {  	[smem:$0x3FA9] =	sst s3  }
0xc: {  	[smem:$0x3FAA] =	sst s4  }
0xd: {  	[smem:$0x3FAB] =	sst s5  }
0xe: {  	[smem:$0x3FAC] =	sst s6  }
0xf: {  	[smem:$0x3FAD] =	sst s7  }
0x10: {  	[smem:$0x3FAE] =	sst s8  }
0x11: {  	[smem:$0x3FAF] =	sst s9;
	s0 =	simm.s32 @!p0 $0x0  }
0x12: {  	s1 =	sld [smem:$0x3F95];
	s0 =	simm.s32 @p0 $0x1  }
0x13: {  	[smem:$0x3FB0] =	sst s0;
	s0 =	simm.s32 @!p1 $0x0  }
0x14: {  	s2 =	sld [smem:$0x3F94];
	s0 =	simm.s32 @p1 $0x1  }
0x15: {  	[smem:$0x3FB1] =	sst s0;
	s0 =	simm.s32 @!p2 $0x0  }
0x16: {  	s3 =	sld [smem:$0x3FDB];
	s0 =	simm.s32 @p2 $0x1  }
0x17: {  	s4 =	simm.s32 $0x1BF5;
	[smem:$0x3FB3] =	sst s0  }
0x18: {  	s0 =	sld [smem:$0x3F96];
	_ =	swait.ge [sflag:s4], $0x0  }
0x19: {  	s7 =	sld [smem:$0x3F97]  }
0x1a: {  	s8 =	sadd.s32 $0xFFFFE003, lr  }
0x1b: {  	s9 =	sadd.s32 $0xFFFFFEF7, lr;
	s5 =	simm.s32 $0xFFFFFFFF;
	p2 =	slt.u32 s8, $0xFFFFF086  }
0x1c: {  	p1 =	slt.u32 s9, $0xF7A;
	s5 =	simm.s32 @!p2 $0x0  }
0x1d: {  	s5 =	simm.s32 @p1 $0x1;
	p0 =	seq.s32 s7, s2  }
0x1e: {  	s7 =	smul.u32 @!p0 $0xF7A, s2;
	p2 =	seq.s32 @!p0 s5, $0x0  }
0x1f: {  	s9 =	smul.u32 $0xF7A, s1;
	s8 =	simm.s32 @!p0 $0x1BF5;
	p2 =	por !p2, p0  }
0x20: {  	[sflag:s8] =	ssyncset.s32 @!p0 $0xFFFFF086;
	s6 =	sadd.s32 @!p0 s3, s7;
	s7 =	simm.s32 @!p0 $0x108  }
0x21: {  	s3 =	sadd.s32 s3, s9;
	s6 =	sadd.s32 @!p0 $0x88, s6;
	s7 =	simm.s32 @p2 $0x1082  }
0x22: {  	[simem:s7], [sflag:s8] =	dma.local @!p0 [hbm:s6], $0xF7A  }
0x23: {  	s9 =	sor.u32 $0xD0000000, s2;
	s6 =	simm.s32 $0x108;
	_ =	swait.ge @!p0 [sflag:s8], $0x0  }
0x24: {  	s3 =	sadd.s32 $0x88, s3;
	s6 =	simm.s32 @!p1 $0x1082;
	[sflag:s4] =	ssyncset.s32 $0xFFFFF086  }
0x25: {  	[simem:s6], [sflag:s4] =	dma.local [hbm:s3], $0xF7A  }
0x26: {  	[smem:$0x3F97] =	sst s1;
	(tag) =	ssettag s2;
	_ =	strace s9  }
0x27: {  	s1 =	sld [smem:$0x3FA7]  }
0x28: {  	s2 =	sld [smem:$0x3FA8]  }
0x29: {  	s4 =	sld [smem:$0x3FAA]  }
0x2a: {  	p0 =	seq.s32 s5, $0x0;
	s5 =	sld [smem:$0x3FAB]  }
0x2b: {  	s6 =	sld [smem:$0x3FAC]  }
0x2c: {  	s7 =	sld [smem:$0x3FAD]  }
0x2d: {  	s3 =	simm.s32 $0x108;
	s8 =	sld [smem:$0x3FAE]  }
0x2e: {  	s3 =	simm.s32 @!p0 $0x1082;
	s9 =	sld [smem:$0x3FAF]  }
0x2f: {  	lr =	sadd.s32 s0, s3;
	s0 =	sld [smem:$0x3FA6]  }
0x30: {  	s3 =	sld [smem:$0x3FA9]  }
0x31: {  	[smem:$0x3FB2] =	sst s10  }
0x32: {  	s10 =	sld [smem:$0x3FB0];
	_ =	sdelay $0x3  }
0x33: {  	p0 =	seq.s32 s10, $0x1;
	s10 =	sld [smem:$0x3FB2];
	_ =	sdelay $0x3  }
0x34: {  	[smem:$0x3FB2] =	sst s10  }
0x35: {  	s10 =	sld [smem:$0x3FB1];
	_ =	sdelay $0x3  }
0x36: {  	p1 =	seq.s32 s10, $0x1;
	s10 =	sld [smem:$0x3FB2];
	_ =	sdelay $0x3  }
0x37: {  	[smem:$0x3FB2] =	sst s10  }
0x38: {  	s10 =	sld [smem:$0x3FB3]  }
0x39: {  	_ = 	snop;
	(pc) =	sbr.ind lr, $3  }
0x3a: {  	_ = 	snop  }
0x3b: {  	_ = 	snop  }
0x3c: {  	p2 =	seq.s32 s10, $0x1;
	s10 =	sld [smem:$0x3FB2]  }
0x3d: {  	_ =	shalt  }
0x3e: {  	_ =	shalt  }
0x3f: {  	_ =	shalt  }
0x40: {  	_ =	shalt  }
0x41: {  	_ =	shalt  }
0x42: {  	_ =	shalt  }
0x43: {  	_ =	shalt  }
0x44: {  	_ =	shalt  }
0x45: {  	_ =	shalt  }
0x46: {  	_ =	shalt  }
0x47: {  	_ =	shalt  }
0x48: {  	_ =	shalt  }
0x49: {  	_ =	shalt  }
0x4a: {  	_ =	shalt  }
0x4b: {  	_ =	shalt  }
0x4c: {  	_ =	shalt  }
0x4d: {  	_ =	shalt  }
0x4e: {  	_ =	shalt  }
0x4f: {  	_ =	shalt  }
0x50: {  	_ =	shalt  }
0x51: {  	_ =	shalt  }
0x52: {  	_ =	shalt  }
0x53: {  	_ =	shalt  }
0x54: {  	_ =	shalt  }
0x55: {  	_ =	shalt  }
0x56: {  	_ =	shalt  }
0x57: {  	_ =	shalt  }
0x58: {  	_ =	shalt  }
0x59: {  	_ =	shalt  }
0x5a: {  	_ =	shalt  }
0x5b: {  	_ =	shalt  }
0x5c: {  	_ =	shalt  }
0x5d: {  	_ =	shalt  }
0x5e: {  	_ =	shalt  }
0x5f: {  	_ =	shalt  }
0x60: {  	_ =	shalt  }
0x61: {  	_ =	shalt  }
0x62: {  	_ =	shalt  }
0x63: {  	_ =	shalt  }
0x64: {  	_ =	shalt  }
0x65: {  	_ =	shalt  }
0x66: {  	_ =	shalt  }
0x67: {  	_ =	shalt  }
0x68: {  	_ =	shalt  }
0x69: {  	_ =	shalt  }
0x6a: {  	_ =	shalt  }
0x6b: {  	_ =	shalt  }
0x6c: {  	_ =	shalt  }
0x6d: {  	_ =	shalt  }
0x6e: {  	_ =	shalt  }
0x6f: {  	_ =	shalt  }
0x70: {  	_ =	shalt  }
0x71: {  	_ =	shalt  }
0x72: {  	_ =	shalt  }
0x73: {  	_ =	shalt  }
0x74: {  	_ =	shalt  }
0x75: {  	_ =	shalt  }
0x76: {  	_ =	shalt  }
0x77: {  	_ =	shalt  }
0x78: {  	_ =	shalt  }
0x79: {  	_ =	shalt  }
0x7a: {  	_ =	shalt  }
0x7b: {  	_ =	shalt  }
0x7c: {  	_ =	shalt  }
0x7d: {  	_ =	shalt  }
0x7e: {  	_ =	shalt  }
0x7f: {  	_ =	shalt  }
0x80: {  	_ =	shalt  }
0x81: {  	_ =	shalt  }
0x82: {  	_ =	shalt  }
0x83: {  	_ =	shalt  }
0x84: {  	_ =	shalt  }
0x85: {  	_ =	shalt  }
0x86: {  	_ =	shalt  }
0x87: {  	_ =	shalt  }
.Lfunc_end0:
.L_simem_size_0:
called_computation.1_lowered:
.L_overlay_start_0:
0x88: {  	s2 =	sld [smem:$0x3FD9]  }
0x89: {  	s3 =	sld [smem:$0x3FFE];
	_ =	sdelay $0x1  }
0x8a: {  	s1 =	srdreg.scid  }
0x8b: {  	s0 =	sand.u32 $0x1, s1  }
0x8c: {  	s17 =	sshll.u32 s0, $0xA;
	s2 =	sadd.s32 s3, s2  }
0x8d: {  	s2 =	sadd.s32 s2, s17  }
0x8e: {  	[smem:$0x3FBE] =	sst s2  }
0x8f: {  	_ = 	snop  }
0x90: {  	s2 =	sld [smem:$0x3FD0];
	(tm) =	ssettm $0x1  }
0x91: {  	s18 =	sld [smem:$0x3FFB];
	_ =	sdelay $0x3  }
0x92: {  	_ =	strace s18  }
0x93: {  	s3 =	sld [smem:$0x3FFC];
	_ =	sdelay $0x3  }
0x94: {  	_ =	strace s3  }
0x95: {  	s3 =	sld [smem:$0x3FFD];
	_ =	sdelay $0x3  }
0x96: {  	_ =	strace s3  }
0x97: {  	_ =	strace $0x8FFFFFFF  }
0x98: {  	s19 =	sld [smem:$0x3FDB];
	_ =	sdelay $0x1  }
0x99: {  	s4 =	simm.s32 $_scs_section_size  }
0x9a: {  	s5 =	simm.s32 $_size__tile_overlayer_lowered;
	s6 =	simm.s32 $_tile_overlayer_lowered  }
0x9b: {  	s22 =	simm.s32 $0x1BFF;
	s21 =	sshll.u32 s6, $0x1;
	s3 =	sadd.s32 s4, s19  }
0x9c: {  	s7 =	simm.s32 $0x0;
	s20 =	sshll.u32 s5, $0x1;
	s5 =	sadd.s32 s21, s3  }
0x9d: {  	[timem:s7], [sflag:s22] =	dma.local [hbm:s5], s20  }
0x9e: {  	_ =	swait.ge [sflag:s22], s20  }
0x9f: {  	s4 =	ssub.s32 $0x0, s20;
	[sflag:s22] =	ssyncset.done $0x0  }
0xa0: {  	[sflag:s22] =	ssyncadd.s32 s4;
	_ =	sdelay $0x1  }
0xa1: {  	s23 =	simm.s32 $0x1B8B  }
0xa2: {  	_ =	swait.ge [sflag:s23], $0x1  }
0xa3: {  	[sflag:s23] =	ssyncset.done $0x0  }
0xa4: {  	s25 =	simm.s32 $0x1B8E;
	s24 =	sld [smem:$0x3FFE];
	[sflag:s23] =	ssyncadd.s32 $0xFFFFFFFF  }
0xa5: {  	s26 =	simm.s32 $execute0_lowered;
	[smem:$0x3FD2] =	sst s25  }
0xa6: {  	s5 =	sshll.u32 s26, $0x1;
	_ =	strace $0x80000049;
	[dreg:$0x1] =	wrdreg $0xFFFFFFFF  }
0xa7: {  	s28 =	simm.s32 $_size_execute0_lowered;
	s3 =	sadd.s32 s3, s5;
	[dreg:$0x0] =	wrdreg $0x0  }
0xa8: {  	s5 =	sshll.u32 s28, $0x1;
	[dreg:$0x2] =	wrdreg s3  }
0xa9: {  	[dreg:$0x3] =	wrdreg s5  }
0xaa: {  	[dreg:$0x4] =	wrdreg $0xC0  }
0xab: {  	_ =	task [dreg:s7], $0x5FFFF  }
0xac: {  	[dreg:$0x1] =	wrdreg $0xFFFFFFFF  }
0xad: {  	[dreg:$0x0] =	wrdreg $0x60  }
0xae: {  	[dreg:$0x2] =	wrdreg s24  }
0xaf: {  	[dreg:$0x3] =	wrdreg s2  }
0xb0: {  	[dreg:$0x4] =	wrdreg $0x140000  }
0xb1: {  	[dreg:$0x5] =	wrdreg $0x9  }
0xb2: {  	_ =	task.clear_ibuf [dreg:s7], $0x6FFFF;
	_ =	strace $0x90000049  }
0xb3: {  	s29 =	simm.s32 $0x9;
	_ =	strace $0x8000004B  }
0xb4: {  	_ =	swait.ge [sflag:s29], $0x1  }
0xb5: {  	[sflag:s29] =	ssyncadd.s32 $0xFFFFFFFF  }
0xb6: {  	_ =	strace $0x9000004B  }
0xb7: {  	_ =	sfence  }
0xb8: {  	s30 =	sld [smem:$0x0];
	_ =	sdelay $0x2  }
0xb9: {  	s31 =	sshll.u32 s1, $0xD;
	s1 =	sshrl.u32 s1, $0x2  }
0xba: {  	s3 =	sand.u32 $0x4000, s31;
	s1 =	sadd.s32 s1, s30  }
0xbb: {  	s0 =	sor.u32 s3, s0;
	s1 =	sshll.u32 s1, $0x11  }
0xbc: {  	s0 =	sor.u32 s1, s0  }
0xbd: {  	s0 =	sadd.s32 $0x8F2B, s0  }
0xbe: {  	[sflag:s0] =	ssyncadd.remote.s32 $0x1  }
0xbf: {  	_ =	sfence.sel $0xFFFF  }
0xc0: {  	[dreg:$0x0] =	wrdreg $0xFFFFFFFF;
	(pc) =	sbr.abs _section_cstart, $3  }
0xc1: {  	[dreg:$0x1] =	wrdreg $0xFFFFFFFF  }
0xc2: {  	_ =	task.clear_ibuf [dreg:s7], $0x2FFFF;
	_ =	strace $0x9FFFFFFF  }
0xc3: {  	(tm) =	ssettm $0x7FFFFFFF  }
tec
execute0_lowered:
.L_overlay_start_1:
0x0: {  	(tag) =	ssettag $0x1  }
0x1: {  	s0 =	rddreg [dreg:$0x0]  }
0x2: {  	s2 =	rddreg [dreg:$0x1]  }
0x3: {  	s1 =	rddreg [dreg:$0x2]  }
0x4: {  	s3 =	srdreg.scid;
	s12 =	stileid.u32;
	s11 =	simm.s32 $0x5000  }
0x5: {  	s14 =	simm.s32 $0x80;
	s15 =	simm.s32 $0xA000;
	s16 =	simm.s32 $0xC000  }
0x6: {  	s18 =	simm.s32 $0xE000;
	s19 =	simm.s32 $0x1;
	s21 =	simm.s32 $0x10000  }
0x7: {  	s24 =	simm.s32 $0x12000;
	s29 =	simm.s32 $0x5180;
	s30 =	simm.s32 $0x300  }
0x8: {  	s31 =	simm.s32 $0x5200;
	s4 =	sand.u32 $0x1, s3;
	s6 =	smul.u32 $0xA000, s12  }
0x9: {  	s3 =	simm.s32 $0x0;
	s8 =	smul.u32 $0xA00, s12;
	s28 =	sshll.u32 s12, $0x6  }
0xa: {  	s5 =	smul.u32 $0xA0000, s4;
	[smem:$0x7FF] =	sst s3;
	s4 =	ssub.s32 $0x2, s4  }
0xb: {  	s12 =	sor.u32 $0x1C03, s28;
	_ =	strace $0x8000004A;
	s8 =	sadd.s32 s8, s0  }
0xc: {  	s26 =	sshrl.u32 s4, $0x1;
	s10 =	sshrl.u32 s6, $0x3;
	s13 =	sadd.s32 s6, s1  }
0xd: {  	s7 =	sshrl.u32 s5, $0x3;
	s5 =	sadd.s32 s6, s5;
	s9 =	ssub.s32 s4, s26  }
.Ltmp0:
0xe: {  	s4 =	sadd.s32 $0xC400, s8;
	s6 =	sadd.s32 s2, s10;
	(pc) =	sbr.rel .LBB2_1-.Ltmp0, $4  }
0xf: {  	s10 =	simm.s32 $0x3;
	s13 =	sshrl.u32 s13, $0x3;
	s26 =	simm.s32 $0x2  }
0x10: {  	s2 =	simm.s32 $0x0;
	s7 =	sadd.s32 s7, s0;
	s5 =	sshrl.u32 s5, $0x3  }
0x11: {  	s9 =	smax.u32 s9, $0x1;
	s0 =	sadd.s32 s5, s0;
	s5 =	sadd.s32 $0x2400, s8  }
0x12: {  	s7 =	sadd.s32 $0x16400, s7;
	s8 =	sadd.s32 $0x3E400, s0;
	s0 =	simm.s32 $0x380  }
.LBB2_4:
0x13: {  	_ =	swait.ge [sflag:s26], $0x2000  }
0x14: {  	[sflag:s26] =	ssyncset.done $0x0  }
0x15: {  	[sflag:s26] =	ssyncadd.s32 $0xFFFFE000  }
0x16: {  	_ =	swait.ge [sflag:s26], $0x2000  }
0x17: {  	s2 =	sadd.s32 $0x1, s2;
	[sflag:s26] =	ssyncset.done $0x0  }
0x18: {  	p0 =	sne.s32 s2, s9;
	[sflag:s26] =	ssyncadd.s32 $0xFFFFE000  }
.Ltmp1:
0x19: {  	[bflag:$0x0] =	sbarrier.arrive $0xFFFF;
	(pc) =	sbr.rel @!p0 .LBB2_5-.Ltmp1, $4  }
0x1a: {  	[hbm:s8], [sflag:s12] =	dma.local [spmem:s13], $0x1400  }
0x1b: {  	_ =	swait.ge [sflag:s10], $0x1400  }
0x1c: {  	[sflag:s10] =	ssyncset.done $0x0  }
0x1d: {  	[sflag:s10] =	ssyncadd.s32 $0xFFFFEC00  }
.LBB2_1:
0x1e: {  	[tilespmem:s3], [sflag:$0x3] =	stream.linear.gather [hbm4b:s4+s3], $0x5000, $0x38;
	[tilespmem:$0x1E000] =	vst v63  }
0x1f: {  	_ =	swait.ge [sflag:s10], $0x5000  }
0x20: {  	[sflag:s10] =	ssyncset.done $0x0  }
0x21: {  	[sflag:s10] =	ssyncadd.s32 $0xFFFFB000  }
0x22: {  	[tilespmem:s11], [sflag:$0x3] =	stream.linear.gather [hbm4b:s5+s3], $0x5000, $0x38;
	[tilespmem:$0x1E000] =	vst v63  }
0x23: {  	_ =	swait.ge [sflag:s10], $0x5000  }
0x24: {  	[sflag:s10] =	ssyncset.done $0x0  }
0x25: {  	[sflag:s10] =	ssyncadd.s32 $0xFFFFB000  }
0x26: {  	[spmem:s13], [sflag:s12] =	dma.local [hbm:s6], $0x1400  }
0x27: {  	_ =	swait.ge [sflag:s10], $0x1400  }
0x28: {  	[sflag:s10] =	ssyncset.done $0x0  }
0x29: {  	[sflag:s10] =	ssyncadd.s32 $0xFFFFEC00  }
0x2a: {  	[bflag:$0x0] =	sbarrier.arrive $0xFFFF  }
0x2b: {  	[tilespmem:s15], [sflag:$0x1] =	stream.indirect.gather [hbm4b:s7+s14], $0x40, s3, s14, $0xb8;
	[tilespmem:$0x1E000] =	vst v63  }
0x2c: {  	_ = 	snop  }
0x2d: {  	[tilespmem:s16], [sflag:$0x1] =	stream.indirect.gather [hbm4b:s7+s14], $0x40, s14, s14, $0xb8;
	[tilespmem:$0x1E000] =	vst v63  }
0x2e: {  	s17 =	simm.s32 $0x100  }
0x2f: {  	[tilespmem:s18], [sflag:$0x1] =	stream.indirect.gather [hbm4b:s7+s14], $0x40, s17, s14, $0xb8;
	[tilespmem:$0x1E000] =	vst v63  }
0x30: {  	_ =	swait.ge [sflag:s19], $0x2000  }
0x31: {  	[sflag:s19] =	ssyncset.done $0x0  }
0x32: {  	[sflag:s19] =	ssyncadd.s32 $0xFFFFE000  }
0x33: {  	[spmem:s1] =	stream.indirect.scatter.add.f32 [tilespmem:s15], [sflag:$0x2], $0x40, s11, s14, $0xb8;
	[tilespmem:$0x1E000] =	vst v63  }
0x34: {  	s20 =	simm.s32 $0x180  }
0x35: {  	[tilespmem:s21], [sflag:$0x1] =	stream.indirect.gather [hbm4b:s7+s14], $0x40, s20, s14, $0xb8;
	[tilespmem:$0x1E000] =	vst v63  }
0x36: {  	_ =	swait.ge [sflag:s19], $0x2000  }
0x37: {  	[sflag:s19] =	ssyncset.done $0x0  }
0x38: {  	s22 =	simm.s32 $0x5080;
	[sflag:s19] =	ssyncadd.s32 $0xFFFFE000  }
0x39: {  	[spmem:s1] =	stream.indirect.scatter.add.f32 [tilespmem:s16], [sflag:$0x2], $0x40, s22, s14, $0xb8;
	[tilespmem:$0x1E000] =	vst v63  }
0x3a: {  	s23 =	simm.s32 $0x200  }
0x3b: {  	[tilespmem:s24], [sflag:$0x1] =	stream.indirect.gather [hbm4b:s7+s14], $0x40, s23, s14, $0xb8;
	[tilespmem:$0x1E000] =	vst v63  }
0x3c: {  	_ =	swait.ge [sflag:s19], $0x2000  }
0x3d: {  	[sflag:s19] =	ssyncset.done $0x0  }
0x3e: {  	s25 =	simm.s32 $0x5100;
	[sflag:s19] =	ssyncadd.s32 $0xFFFFE000  }
0x3f: {  	[spmem:s1] =	stream.indirect.scatter.add.f32 [tilespmem:s18], [sflag:$0x2], $0x40, s25, s14, $0xb8;
	[tilespmem:$0x1E000] =	vst v63  }
0x40: {  	_ =	swait.ge [sflag:s26], $0x2000  }
0x41: {  	[sflag:s26] =	ssyncset.done $0x0  }
0x42: {  	s28 =	simm.s32 $0x280;
	[sflag:s26] =	ssyncadd.s32 $0xFFFFE000  }
0x43: {  	[tilespmem:s15], [sflag:$0x1] =	stream.indirect.gather [hbm4b:s7+s14], $0x40, s28, s14, $0xb8;
	[tilespmem:$0x1E000] =	vst v63  }
0x44: {  	_ =	swait.ge [sflag:s19], $0x2000  }
0x45: {  	[sflag:s19] =	ssyncset.done $0x0  }
0x46: {  	[sflag:s19] =	ssyncadd.s32 $0xFFFFE000  }
0x47: {  	[spmem:s1] =	stream.indirect.scatter.add.f32 [tilespmem:s21], [sflag:$0x2], $0x40, s29, s14, $0xb8;
	[tilespmem:$0x1E000] =	vst v63  }
0x48: {  	_ =	swait.ge [sflag:s26], $0x2000  }
0x49: {  	[sflag:s26] =	ssyncset.done $0x0  }
0x4a: {  	[sflag:s26] =	ssyncadd.s32 $0xFFFFE000  }
0x4b: {  	[tilespmem:s16], [sflag:$0x1] =	stream.indirect.gather [hbm4b:s7+s14], $0x40, s30, s14, $0xb8;
	[tilespmem:$0x1E000] =	vst v63  }
0x4c: {  	_ =	swait.ge [sflag:s19], $0x2000  }
0x4d: {  	[sflag:s19] =	ssyncset.done $0x0  }
0x4e: {  	[sflag:s19] =	ssyncadd.s32 $0xFFFFE000  }
0x4f: {  	[spmem:s1] =	stream.indirect.scatter.add.f32 [tilespmem:s24], [sflag:$0x2], $0x40, s31, s14, $0xb8;
	[tilespmem:$0x1E000] =	vst v63  }
0x50: {  	_ =	swait.ge [sflag:s26], $0x2000  }
0x51: {  	[sflag:s26] =	ssyncset.done $0x0  }
0x52: {  	s17 =	simm.s32 $0x0;
	[sflag:s26] =	ssyncadd.s32 $0xFFFFE000  }
0x53: {  	[tilespmem:s18], [sflag:$0x1] =	stream.indirect.gather [hbm4b:s7+s14], $0x40, s0, s14, $0xb8;
	[tilespmem:$0x1E000] =	vst v63  }
.LBB2_2:
0x54: {  	_ =	swait.ge [sflag:s19], $0x2000  }
0x55: {  	s20 =	sshra.s32 s17, $0x2;
	[sflag:s19] =	ssyncset.done $0x0  }
0x56: {  	s22 =	sadd.s32 $0x5280, s20;
	[sflag:s19] =	ssyncadd.s32 $0xFFFFE000  }
0x57: {  	[spmem:s1] =	stream.indirect.scatter.add.f32 [tilespmem:s15], [sflag:$0x2], $0x40, s22, s14, $0xb8;
	[tilespmem:$0x1E000] =	vst v63  }
0x58: {  	_ =	swait.ge [sflag:s26], $0x2000  }
0x59: {  	[sflag:s26] =	ssyncset.done $0x0  }
0x5a: {  	s25 =	sadd.s32 $0x400, s20;
	[sflag:s26] =	ssyncadd.s32 $0xFFFFE000  }
0x5b: {  	[tilespmem:s21], [sflag:$0x1] =	stream.indirect.gather [hbm4b:s7+s14], $0x40, s25, s14, $0xb8;
	[tilespmem:$0x1E000] =	vst v63  }
0x5c: {  	_ =	swait.ge [sflag:s19], $0x2000  }
0x5d: {  	[sflag:s19] =	ssyncset.done $0x0  }
0x5e: {  	s28 =	sadd.s32 $0x5300, s20;
	[sflag:s19] =	ssyncadd.s32 $0xFFFFE000  }
0x5f: {  	[spmem:s1] =	stream.indirect.scatter.add.f32 [tilespmem:s16], [sflag:$0x2], $0x40, s28, s14, $0xb8;
	[tilespmem:$0x1E000] =	vst v63  }
0x60: {  	_ =	swait.ge [sflag:s26], $0x2000  }
0x61: {  	[sflag:s26] =	ssyncset.done $0x0  }
0x62: {  	s23 =	sadd.s32 $0x480, s20;
	[sflag:s26] =	ssyncadd.s32 $0xFFFFE000  }
0x63: {  	[tilespmem:s24], [sflag:$0x1] =	stream.indirect.gather [hbm4b:s7+s14], $0x40, s23, s14, $0xb8;
	[tilespmem:$0x1E000] =	vst v63  }
0x64: {  	_ =	swait.ge [sflag:s19], $0x2000  }
0x65: {  	[sflag:s19] =	ssyncset.done $0x0  }
0x66: {  	s25 =	sadd.s32 $0x5380, s20;
	[sflag:s19] =	ssyncadd.s32 $0xFFFFE000  }
0x67: {  	[spmem:s1] =	stream.indirect.scatter.add.f32 [tilespmem:s18], [sflag:$0x2], $0x40, s25, s14, $0xb8;
	[tilespmem:$0x1E000] =	vst v63  }
0x68: {  	_ =	swait.ge [sflag:s26], $0x2000  }
0x69: {  	p0 =	seq.s32 s17, $0x12C00;
	[sflag:s26] =	ssyncset.done $0x0  }
0x6a: {  	s22 =	simm.s32 @p0 $0x1;
	[sflag:s26] =	ssyncadd.s32 $0xFFFFE000  }
0x6b: {  	_ =	swait.ge @p0 [sflag:s22], $0x2000  }
0x6c: {  	[sflag:s22] =	ssyncset.done @p0 $0x0  }
0x6d: {  	[sflag:s22] =	ssyncadd.s32 @p0 $0xFFFFE000;
	s22 =	sshra.s32 @p0 s17, $0x2  }
0x6e: {  	s23 =	simm.s32 @p0 $0x80;
	s25 =	simm.s32 @p0 $0x10000;
	s22 =	sadd.s32 @p0 $0x5400, s22  }
0x6f: {  	[spmem:s1] =	stream.indirect.scatter.add.f32 @p0 [tilespmem:s25], [sflag:$0x2], $0x40, s22, s23, $0xb8;
	[tilespmem:$0x1E000] =	vst v63  }
0x70: {  	s22 =	simm.s32 @p0 $0x2  }
0x71: {  	_ =	swait.ge @p0 [sflag:s22], $0x2000  }
0x72: {  	[sflag:s22] =	ssyncset.done @p0 $0x0  }
0x73: {  	[sflag:s22] =	ssyncadd.s32 @p0 $0xFFFFE000;
	s22 =	sshra.s32 @!p0 s17, $0x2  }
0x74: {  	s28 =	simm.s32 @!p0 $0xA000;
	s25 =	simm.s32 @!p0 $0x80;
	s23 =	sadd.s32 @!p0 $0x500, s22  }
0x75: {  	[tilespmem:s28], [sflag:$0x1] =	stream.indirect.gather @!p0 [hbm4b:s7+s25], $0x40, s23, s25, $0xb8;
	[tilespmem:$0x1E000] =	vst v63  }
0x76: {  	s23 =	simm.s32 @!p0 $0x1  }
0x77: {  	_ =	swait.ge @!p0 [sflag:s23], $0x2000  }
0x78: {  	[sflag:s23] =	ssyncset.done @!p0 $0x0  }
0x79: {  	s28 =	simm.s32 @!p0 $0x10000;
	[sflag:s23] =	ssyncadd.s32 @!p0 $0xFFFFE000;
	s23 =	sadd.s32 @!p0 $0x5400, s22  }
0x7a: {  	[spmem:s1] =	stream.indirect.scatter.add.f32 @!p0 [tilespmem:s28], [sflag:$0x2], $0x40, s23, s25, $0xb8;
	[tilespmem:$0x1E000] =	vst v63  }
0x7b: {  	s23 =	simm.s32 @!p0 $0x2  }
0x7c: {  	_ =	swait.ge @!p0 [sflag:s23], $0x2000  }
0x7d: {  	[sflag:s23] =	ssyncset.done @!p0 $0x0  }
0x7e: {  	s22 =	sadd.s32 @!p0 $0x580, s22;
	[sflag:s23] =	ssyncadd.s32 @!p0 $0xFFFFE000;
	s23 =	simm.s32 @!p0 $0xC000  }
0x7f: {  	[tilespmem:s23], [sflag:$0x1] =	stream.indirect.gather @!p0 [hbm4b:s7+s25], $0x40, s22, s25, $0xb8;
	[tilespmem:$0x1E000] =	vst v63  }
0x80: {  	_ =	swait.ge [sflag:s19], $0x2000  }
0x81: {  	[sflag:s19] =	ssyncset.done $0x0  }
.Ltmp2:
0x82: {  	s28 =	sadd.s32 $0x5480, s20;
	[sflag:s19] =	ssyncadd.s32 $0xFFFFE000;
	(pc) =	sbr.rel @p0 .LBB2_4-.Ltmp2, $4  }
0x83: {  	[spmem:s1] =	stream.indirect.scatter.add.f32 [tilespmem:s24], [sflag:$0x2], $0x40, s28, s14, $0xb8;
	[tilespmem:$0x1E000] =	vst v63  }
0x84: {  	_ =	swait.ge [sflag:s26], $0x2000  }
0x85: {  	[sflag:s26] =	ssyncset.done $0x0  }
0x86: {  	[sflag:s26] =	ssyncadd.s32 $0xFFFFE000  }
.Ltmp3:
0x87: {  	(pc) =	sbr.rel .LBB2_2-.Ltmp3, $3  }
0x88: {  	_ =	sdelay $0x1  }
0x89: {  	s20 =	sadd.s32 $0x600, s20;
	s17 =	sadd.s32 $0xA00, s17  }
0x8a: {  	[tilespmem:s18], [sflag:$0x1] =	stream.indirect.gather [hbm4b:s7+s14], $0x40, s20, s14, $0xb8;
	[tilespmem:$0x1E000] =	vst v63  }
.LBB2_5:
0x8b: {  	_ =	sfence.sel $0x180000  }
0x8c: {  	[bflag:$0x0] =	sbarrier.arrive $0xFFFF  }
0x8d: {  	_ =	strace $0x9000004A  }
0x8e: {  	s0 =	stileid.u32;
	[bflag:$0x2] =	sbarrier.arrive $0xFFFF  }
0x8f: {  	p0 =	sne.s32 s0, $0x0;
	s0 =	rddreg [dreg:$0x3]  }
0x90: {  	s0 =	sadd.s32 @!p0 $0x100000, s0  }
0x91: {  	[sflag:s0] =	ssyncadd.tile.s32 @!p0 $0x1;
	_ =	shalt  }
.Lfunc_end2:
_tile_overlayer_lowered:
.L_overlay_start_2:
0x92: {  	(tag) =	ssettag $0x2  }
0x93: {  	s0 =	rddreg [dreg:$0x0];
	s2 =	stileid.u32  }
0x94: {  	s1 =	rddreg [dreg:$0x1];
	p0 =	sne.s32 s2, $0x0  }
0x95: {  	s3 =	rddreg [dreg:$0x2];
	[bflag:$0x3] =	sbarrier.arrive $0xFFFF;
	s2 =	simm.s32 @!p0 $0x1C03  }
0x96: {  	[timem:s3], [sflag:s2] =	dma.local @!p0 [hbm:s0], s1  }
0x97: {  	s0 =	simm.s32 @!p0 $0x3  }
0x98: {  	_ =	swait.ge @!p0 [sflag:s0], s1  }
0x99: {  	s1 =	ssub.s32 @!p0 $0x0, s1;
	[sflag:s0] =	ssyncset.done @!p0 $0x0  }
0x9a: {  	[sflag:s0] =	ssyncadd.s32 @!p0 s1  }
0x9b: {  	[bflag:$0x3] =	sbarrier.arrive $0xFFFF  }
0x9c: {  	_ =	shalt  }

// kernel: kernel.16.cloned.1.call-start
scs
__scs_entry_jumppad:
0x0: {  	(pc) =	sbr.rel $0x88, $3  }
0x1: {  	(tag) =	ssettag $0x0;
	lr =	simm.s32 $0x1  }
0x2: {  	[smem:$0x3F97] =	sst lr;
	_ =	strace $0xD0000000  }
0x3: {  	_ = 	snop  }
0x4: {  	_ = 	snop  }
0x5: {  	_ = 	snop  }
0x6: {  	_ = 	snop  }
0x7: {  	_ = 	snop  }
__scs_overlays_trampoline_lowered:
0x8: {  	[smem:$0x3FA6] =	sst s0  }
0x9: {  	[smem:$0x3FA7] =	sst s1  }
0xa: {  	[smem:$0x3FA8] =	sst s2  }
0xb: {  	[smem:$0x3FA9] =	sst s3  }
0xc: {  	[smem:$0x3FAA] =	sst s4  }
0xd: {  	[smem:$0x3FAB] =	sst s5  }
0xe: {  	[smem:$0x3FAC] =	sst s6  }
0xf: {  	[smem:$0x3FAD] =	sst s7  }
0x10: {  	[smem:$0x3FAE] =	sst s8  }
0x11: {  	[smem:$0x3FAF] =	sst s9;
	s0 =	simm.s32 @!p0 $0x0  }
0x12: {  	s1 =	sld [smem:$0x3F95];
	s0 =	simm.s32 @p0 $0x1  }
0x13: {  	[smem:$0x3FB0] =	sst s0;
	s0 =	simm.s32 @!p1 $0x0  }
0x14: {  	s2 =	sld [smem:$0x3F94];
	s0 =	simm.s32 @p1 $0x1  }
0x15: {  	[smem:$0x3FB1] =	sst s0;
	s0 =	simm.s32 @!p2 $0x0  }
0x16: {  	s3 =	sld [smem:$0x3FDB];
	s0 =	simm.s32 @p2 $0x1  }
0x17: {  	s4 =	simm.s32 $0x1BF5;
	[smem:$0x3FB3] =	sst s0  }
0x18: {  	s0 =	sld [smem:$0x3F96];
	_ =	swait.ge [sflag:s4], $0x0  }
0x19: {  	s7 =	sld [smem:$0x3F97]  }
0x1a: {  	s8 =	sadd.s32 $0xFFFFE003, lr  }
0x1b: {  	s9 =	sadd.s32 $0xFFFFFEF7, lr;
	s5 =	simm.s32 $0xFFFFFFFF;
	p2 =	slt.u32 s8, $0xFFFFF086  }
0x1c: {  	p1 =	slt.u32 s9, $0xF7A;
	s5 =	simm.s32 @!p2 $0x0  }
0x1d: {  	s5 =	simm.s32 @p1 $0x1;
	p0 =	seq.s32 s7, s2  }
0x1e: {  	s7 =	smul.u32 @!p0 $0xF7A, s2;
	p2 =	seq.s32 @!p0 s5, $0x0  }
0x1f: {  	s9 =	smul.u32 $0xF7A, s1;
	s8 =	simm.s32 @!p0 $0x1BF5;
	p2 =	por !p2, p0  }
0x20: {  	[sflag:s8] =	ssyncset.s32 @!p0 $0xFFFFF086;
	s6 =	sadd.s32 @!p0 s3, s7;
	s7 =	simm.s32 @!p0 $0x108  }
0x21: {  	s3 =	sadd.s32 s3, s9;
	s6 =	sadd.s32 @!p0 $0x88, s6;
	s7 =	simm.s32 @p2 $0x1082  }
0x22: {  	[simem:s7], [sflag:s8] =	dma.local @!p0 [hbm:s6], $0xF7A  }
0x23: {  	s9 =	sor.u32 $0xD0000000, s2;
	s6 =	simm.s32 $0x108;
	_ =	swait.ge @!p0 [sflag:s8], $0x0  }
0x24: {  	s3 =	sadd.s32 $0x88, s3;
	s6 =	simm.s32 @!p1 $0x1082;
	[sflag:s4] =	ssyncset.s32 $0xFFFFF086  }
0x25: {  	[simem:s6], [sflag:s4] =	dma.local [hbm:s3], $0xF7A  }
0x26: {  	[smem:$0x3F97] =	sst s1;
	(tag) =	ssettag s2;
	_ =	strace s9  }
0x27: {  	s1 =	sld [smem:$0x3FA7]  }
0x28: {  	s2 =	sld [smem:$0x3FA8]  }
0x29: {  	s4 =	sld [smem:$0x3FAA]  }
0x2a: {  	p0 =	seq.s32 s5, $0x0;
	s5 =	sld [smem:$0x3FAB]  }
0x2b: {  	s6 =	sld [smem:$0x3FAC]  }
0x2c: {  	s7 =	sld [smem:$0x3FAD]  }
0x2d: {  	s3 =	simm.s32 $0x108;
	s8 =	sld [smem:$0x3FAE]  }
0x2e: {  	s3 =	simm.s32 @!p0 $0x1082;
	s9 =	sld [smem:$0x3FAF]  }
0x2f: {  	lr =	sadd.s32 s0, s3;
	s0 =	sld [smem:$0x3FA6]  }
0x30: {  	s3 =	sld [smem:$0x3FA9]  }
0x31: {  	[smem:$0x3FB2] =	sst s10  }
0x32: {  	s10 =	sld [smem:$0x3FB0];
	_ =	sdelay $0x3  }
0x33: {  	p0 =	seq.s32 s10, $0x1;
	s10 =	sld [smem:$0x3FB2];
	_ =	sdelay $0x3  }
0x34: {  	[smem:$0x3FB2] =	sst s10  }
0x35: {  	s10 =	sld [smem:$0x3FB1];
	_ =	sdelay $0x3  }
0x36: {  	p1 =	seq.s32 s10, $0x1;
	s10 =	sld [smem:$0x3FB2];
	_ =	sdelay $0x3  }
0x37: {  	[smem:$0x3FB2] =	sst s10  }
0x38: {  	s10 =	sld [smem:$0x3FB3]  }
0x39: {  	_ = 	snop;
	(pc) =	sbr.ind lr, $3  }
0x3a: {  	_ = 	snop  }
0x3b: {  	_ = 	snop  }
0x3c: {  	p2 =	seq.s32 s10, $0x1;
	s10 =	sld [smem:$0x3FB2]  }
0x3d: {  	_ =	shalt  }
0x3e: {  	_ =	shalt  }
0x3f: {  	_ =	shalt  }
0x40: {  	_ =	shalt  }
0x41: {  	_ =	shalt  }
0x42: {  	_ =	shalt  }
0x43: {  	_ =	shalt  }
0x44: {  	_ =	shalt  }
0x45: {  	_ =	shalt  }
0x46: {  	_ =	shalt  }
0x47: {  	_ =	shalt  }
0x48: {  	_ =	shalt  }
0x49: {  	_ =	shalt  }
0x4a: {  	_ =	shalt  }
0x4b: {  	_ =	shalt  }
0x4c: {  	_ =	shalt  }
0x4d: {  	_ =	shalt  }
0x4e: {  	_ =	shalt  }
0x4f: {  	_ =	shalt  }
0x50: {  	_ =	shalt  }
0x51: {  	_ =	shalt  }
0x52: {  	_ =	shalt  }
0x53: {  	_ =	shalt  }
0x54: {  	_ =	shalt  }
0x55: {  	_ =	shalt  }
0x56: {  	_ =	shalt  }
0x57: {  	_ =	shalt  }
0x58: {  	_ =	shalt  }
0x59: {  	_ =	shalt  }
0x5a: {  	_ =	shalt  }
0x5b: {  	_ =	shalt  }
0x5c: {  	_ =	shalt  }
0x5d: {  	_ =	shalt  }
0x5e: {  	_ =	shalt  }
0x5f: {  	_ =	shalt  }
0x60: {  	_ =	shalt  }
0x61: {  	_ =	shalt  }
0x62: {  	_ =	shalt  }
0x63: {  	_ =	shalt  }
0x64: {  	_ =	shalt  }
0x65: {  	_ =	shalt  }
0x66: {  	_ =	shalt  }
0x67: {  	_ =	shalt  }
0x68: {  	_ =	shalt  }
0x69: {  	_ =	shalt  }
0x6a: {  	_ =	shalt  }
0x6b: {  	_ =	shalt  }
0x6c: {  	_ =	shalt  }
0x6d: {  	_ =	shalt  }
0x6e: {  	_ =	shalt  }
0x6f: {  	_ =	shalt  }
0x70: {  	_ =	shalt  }
0x71: {  	_ =	shalt  }
0x72: {  	_ =	shalt  }
0x73: {  	_ =	shalt  }
0x74: {  	_ =	shalt  }
0x75: {  	_ =	shalt  }
0x76: {  	_ =	shalt  }
0x77: {  	_ =	shalt  }
0x78: {  	_ =	shalt  }
0x79: {  	_ =	shalt  }
0x7a: {  	_ =	shalt  }
0x7b: {  	_ =	shalt  }
0x7c: {  	_ =	shalt  }
0x7d: {  	_ =	shalt  }
0x7e: {  	_ =	shalt  }
0x7f: {  	_ =	shalt  }
0x80: {  	_ =	shalt  }
0x81: {  	_ =	shalt  }
0x82: {  	_ =	shalt  }
0x83: {  	_ =	shalt  }
0x84: {  	_ =	shalt  }
0x85: {  	_ =	shalt  }
0x86: {  	_ =	shalt  }
0x87: {  	_ =	shalt  }
.Lfunc_end0:
.L_simem_size_0:
called_computation.2_lowered:
.L_overlay_start_0:
0x88: {  	s2 =	sld [smem:$0x3FD9]  }
0x89: {  	s3 =	sld [smem:$0x3FFE];
	_ =	sdelay $0x1  }
0x8a: {  	s1 =	srdreg.scid  }
0x8b: {  	s0 =	sand.u32 $0x1, s1  }
0x8c: {  	s17 =	sshll.u32 s0, $0xA;
	s2 =	sadd.s32 s3, s2  }
0x8d: {  	s2 =	sadd.s32 s2, s17  }
0x8e: {  	[smem:$0x3FBE] =	sst s2  }
0x8f: {  	_ = 	snop  }
0x90: {  	s2 =	sld [smem:$0x3FD0];
	(tm) =	ssettm $0x1  }
0x91: {  	s18 =	sld [smem:$0x3FFB];
	_ =	sdelay $0x3  }
0x92: {  	_ =	strace s18  }
0x93: {  	s3 =	sld [smem:$0x3FFC];
	_ =	sdelay $0x3  }
0x94: {  	_ =	strace s3  }
0x95: {  	s3 =	sld [smem:$0x3FFD];
	_ =	sdelay $0x3  }
0x96: {  	_ =	strace s3  }
0x97: {  	_ =	strace $0x8FFFFFFF  }
0x98: {  	s19 =	sld [smem:$0x3FDB];
	_ =	sdelay $0x1  }
0x99: {  	s4 =	simm.s32 $_scs_section_size  }
0x9a: {  	s5 =	simm.s32 $_size__tile_overlayer_lowered;
	s6 =	simm.s32 $_tile_overlayer_lowered  }
0x9b: {  	s22 =	simm.s32 $0x1BFF;
	s21 =	sshll.u32 s6, $0x1;
	s3 =	sadd.s32 s4, s19  }
0x9c: {  	s7 =	simm.s32 $0x0;
	s20 =	sshll.u32 s5, $0x1;
	s5 =	sadd.s32 s21, s3  }
0x9d: {  	[timem:s7], [sflag:s22] =	dma.local [hbm:s5], s20  }
0x9e: {  	_ =	swait.ge [sflag:s22], s20  }
0x9f: {  	s4 =	ssub.s32 $0x0, s20;
	[sflag:s22] =	ssyncset.done $0x0  }
0xa0: {  	[sflag:s22] =	ssyncadd.s32 s4;
	_ =	sdelay $0x1  }
0xa1: {  	s23 =	simm.s32 $0x1B8B  }
0xa2: {  	_ =	swait.ge [sflag:s23], $0x1  }
0xa3: {  	[sflag:s23] =	ssyncset.done $0x0  }
0xa4: {  	s25 =	simm.s32 $0x1B8E;
	s24 =	sld [smem:$0x3FFE];
	[sflag:s23] =	ssyncadd.s32 $0xFFFFFFFF  }
0xa5: {  	s26 =	simm.s32 $execute0_lowered;
	[smem:$0x3FD2] =	sst s25  }
0xa6: {  	s5 =	sshll.u32 s26, $0x1;
	_ =	strace $0x8000004C;
	[dreg:$0x1] =	wrdreg $0xFFFFFFFF  }
0xa7: {  	s28 =	simm.s32 $_size_execute0_lowered;
	s3 =	sadd.s32 s3, s5;
	[dreg:$0x0] =	wrdreg $0x0  }
0xa8: {  	s5 =	sshll.u32 s28, $0x1;
	[dreg:$0x2] =	wrdreg s3  }
0xa9: {  	[dreg:$0x3] =	wrdreg s5  }
0xaa: {  	[dreg:$0x4] =	wrdreg $0xC0  }
0xab: {  	_ =	task [dreg:s7], $0x5FFFF  }
0xac: {  	[dreg:$0x1] =	wrdreg $0xFFFFFFFF  }
0xad: {  	[dreg:$0x0] =	wrdreg $0x60  }
0xae: {  	[dreg:$0x2] =	wrdreg s24  }
0xaf: {  	[dreg:$0x3] =	wrdreg s2  }
0xb0: {  	[dreg:$0x4] =	wrdreg $0x140000  }
0xb1: {  	[dreg:$0x5] =	wrdreg $0x9  }
0xb2: {  	_ =	task.clear_ibuf [dreg:s7], $0x6FFFF;
	_ =	strace $0x9000004C  }
0xb3: {  	s29 =	simm.s32 $0x9;
	_ =	strace $0x8000004E  }
0xb4: {  	_ =	swait.ge [sflag:s29], $0x1  }
0xb5: {  	[sflag:s29] =	ssyncadd.s32 $0xFFFFFFFF  }
0xb6: {  	_ =	strace $0x9000004E  }
0xb7: {  	_ =	sfence  }
0xb8: {  	s30 =	sld [smem:$0x0];
	_ =	sdelay $0x2  }
0xb9: {  	s31 =	sshll.u32 s1, $0xD;
	s1 =	sshrl.u32 s1, $0x2  }
0xba: {  	s3 =	sand.u32 $0x4000, s31;
	s1 =	sadd.s32 s1, s30  }
0xbb: {  	s0 =	sor.u32 s3, s0;
	s1 =	sshll.u32 s1, $0x11  }
0xbc: {  	s0 =	sor.u32 s1, s0  }
0xbd: {  	s0 =	sadd.s32 $0x8F2B, s0  }
0xbe: {  	[sflag:s0] =	ssyncadd.remote.s32 $0x1  }
0xbf: {  	_ =	sfence.sel $0xFFFF  }
0xc0: {  	[dreg:$0x0] =	wrdreg $0xFFFFFFFF;
	(pc) =	sbr.abs _section_cstart, $3  }
0xc1: {  	[dreg:$0x1] =	wrdreg $0xFFFFFFFF  }
0xc2: {  	_ =	task.clear_ibuf [dreg:s7], $0x2FFFF;
	_ =	strace $0x9FFFFFFF  }
0xc3: {  	(tm) =	ssettm $0x7FFFFFFF  }
tec
execute0_lowered:
.L_overlay_start_1:
0x0: {  	(tag) =	ssettag $0x1  }
0x1: {  	s0 =	rddreg [dreg:$0x0]  }
0x2: {  	s2 =	rddreg [dreg:$0x1]  }
0x3: {  	s1 =	rddreg [dreg:$0x2]  }
0x4: {  	s3 =	srdreg.scid;
	s12 =	stileid.u32;
	s11 =	simm.s32 $0x5000  }
0x5: {  	s14 =	simm.s32 $0x80;
	s15 =	simm.s32 $0xA000;
	s16 =	simm.s32 $0xC000  }
0x6: {  	s18 =	simm.s32 $0xE000;
	s19 =	simm.s32 $0x1;
	s21 =	simm.s32 $0x10000  }
0x7: {  	s24 =	simm.s32 $0x12000;
	s29 =	simm.s32 $0x5180;
	s30 =	simm.s32 $0x300  }
0x8: {  	s31 =	simm.s32 $0x5200;
	s4 =	sand.u32 $0x1, s3;
	s6 =	smul.u32 $0xA000, s12  }
0x9: {  	s3 =	simm.s32 $0x0;
	s8 =	smul.u32 $0xA00, s12;
	s28 =	sshll.u32 s12, $0x6  }
0xa: {  	s5 =	smul.u32 $0xA0000, s4;
	[smem:$0x7FF] =	sst s3;
	s4 =	ssub.s32 $0x2, s4  }
0xb: {  	s12 =	sor.u32 $0x1C03, s28;
	_ =	strace $0x8000004D;
	s8 =	sadd.s32 s8, s0  }
0xc: {  	s26 =	sshrl.u32 s4, $0x1;
	s10 =	sshrl.u32 s6, $0x3;
	s13 =	sadd.s32 s6, s1  }
0xd: {  	s7 =	sshrl.u32 s5, $0x3;
	s5 =	sadd.s32 s6, s5;
	s9 =	ssub.s32 s4, s26  }
.Ltmp0:
0xe: {  	s4 =	sadd.s32 $0xC400, s8;
	s6 =	sadd.s32 s2, s10;
	(pc) =	sbr.rel .LBB2_1-.Ltmp0, $4  }
0xf: {  	s10 =	simm.s32 $0x3;
	s13 =	sshrl.u32 s13, $0x3;
	s26 =	simm.s32 $0x2  }
0x10: {  	s2 =	simm.s32 $0x0;
	s7 =	sadd.s32 s7, s0;
	s5 =	sshrl.u32 s5, $0x3  }
0x11: {  	s9 =	smax.u32 s9, $0x1;
	s0 =	sadd.s32 s5, s0;
	s5 =	sadd.s32 $0x2400, s8  }
0x12: {  	s7 =	sadd.s32 $0x16400, s7;
	s8 =	sadd.s32 $0x3E400, s0;
	s0 =	simm.s32 $0x380  }
.LBB2_4:
0x13: {  	_ =	swait.ge [sflag:s26], $0x2000  }
0x14: {  	[sflag:s26] =	ssyncset.done $0x0  }
0x15: {  	[sflag:s26] =	ssyncadd.s32 $0xFFFFE000  }
0x16: {  	_ =	swait.ge [sflag:s26], $0x2000  }
0x17: {  	s2 =	sadd.s32 $0x1, s2;
	[sflag:s26] =	ssyncset.done $0x0  }
0x18: {  	p0 =	sne.s32 s2, s9;
	[sflag:s26] =	ssyncadd.s32 $0xFFFFE000  }
.Ltmp1:
0x19: {  	[bflag:$0x0] =	sbarrier.arrive $0xFFFF;
	(pc) =	sbr.rel @!p0 .LBB2_5-.Ltmp1, $4  }
0x1a: {  	[hbm:s8], [sflag:s12] =	dma.local [spmem:s13], $0x1400  }
0x1b: {  	_ =	swait.ge [sflag:s10], $0x1400  }
0x1c: {  	[sflag:s10] =	ssyncset.done $0x0  }
0x1d: {  	[sflag:s10] =	ssyncadd.s32 $0xFFFFEC00  }
.LBB2_1:
0x1e: {  	[tilespmem:s3], [sflag:$0x3] =	stream.linear.gather [hbm4b:s4+s3], $0x5000, $0x38;
	[tilespmem:$0x1E000] =	vst v63  }
0x1f: {  	_ =	swait.ge [sflag:s10], $0x5000  }
0x20: {  	[sflag:s10] =	ssyncset.done $0x0  }
0x21: {  	[sflag:s10] =	ssyncadd.s32 $0xFFFFB000  }
0x22: {  	[tilespmem:s11], [sflag:$0x3] =	stream.linear.gather [hbm4b:s5+s3], $0x5000, $0x38;
	[tilespmem:$0x1E000] =	vst v63  }
0x23: {  	_ =	swait.ge [sflag:s10], $0x5000  }
0x24: {  	[sflag:s10] =	ssyncset.done $0x0  }
0x25: {  	[sflag:s10] =	ssyncadd.s32 $0xFFFFB000  }
0x26: {  	[spmem:s13], [sflag:s12] =	dma.local [hbm:s6], $0x1400  }
0x27: {  	_ =	swait.ge [sflag:s10], $0x1400  }
0x28: {  	[sflag:s10] =	ssyncset.done $0x0  }
0x29: {  	[sflag:s10] =	ssyncadd.s32 $0xFFFFEC00  }
0x2a: {  	[bflag:$0x0] =	sbarrier.arrive $0xFFFF  }
0x2b: {  	[tilespmem:s15], [sflag:$0x1] =	stream.indirect.gather [hbm4b:s7+s14], $0x40, s3, s14, $0xb8;
	[tilespmem:$0x1E000] =	vst v63  }
0x2c: {  	_ = 	snop  }
0x2d: {  	[tilespmem:s16], [sflag:$0x1] =	stream.indirect.gather [hbm4b:s7+s14], $0x40, s14, s14, $0xb8;
	[tilespmem:$0x1E000] =	vst v63  }
0x2e: {  	s17 =	simm.s32 $0x100  }
0x2f: {  	[tilespmem:s18], [sflag:$0x1] =	stream.indirect.gather [hbm4b:s7+s14], $0x40, s17, s14, $0xb8;
	[tilespmem:$0x1E000] =	vst v63  }
0x30: {  	_ =	swait.ge [sflag:s19], $0x2000  }
0x31: {  	[sflag:s19] =	ssyncset.done $0x0  }
0x32: {  	[sflag:s19] =	ssyncadd.s32 $0xFFFFE000  }
0x33: {  	[spmem:s1] =	stream.indirect.scatter.add.f32 [tilespmem:s15], [sflag:$0x2], $0x40, s11, s14, $0xb8;
	[tilespmem:$0x1E000] =	vst v63  }
0x34: {  	s20 =	simm.s32 $0x180  }
0x35: {  	[tilespmem:s21], [sflag:$0x1] =	stream.indirect.gather [hbm4b:s7+s14], $0x40, s20, s14, $0xb8;
	[tilespmem:$0x1E000] =	vst v63  }
0x36: {  	_ =	swait.ge [sflag:s19], $0x2000  }
0x37: {  	[sflag:s19] =	ssyncset.done $0x0  }
0x38: {  	s22 =	simm.s32 $0x5080;
	[sflag:s19] =	ssyncadd.s32 $0xFFFFE000  }
0x39: {  	[spmem:s1] =	stream.indirect.scatter.add.f32 [tilespmem:s16], [sflag:$0x2], $0x40, s22, s14, $0xb8;
	[tilespmem:$0x1E000] =	vst v63  }
0x3a: {  	s23 =	simm.s32 $0x200  }
0x3b: {  	[tilespmem:s24], [sflag:$0x1] =	stream.indirect.gather [hbm4b:s7+s14], $0x40, s23, s14, $0xb8;
	[tilespmem:$0x1E000] =	vst v63  }
0x3c: {  	_ =	swait.ge [sflag:s19], $0x2000  }
0x3d: {  	[sflag:s19] =	ssyncset.done $0x0  }
0x3e: {  	s25 =	simm.s32 $0x5100;
	[sflag:s19] =	ssyncadd.s32 $0xFFFFE000  }
0x3f: {  	[spmem:s1] =	stream.indirect.scatter.add.f32 [tilespmem:s18], [sflag:$0x2], $0x40, s25, s14, $0xb8;
	[tilespmem:$0x1E000] =	vst v63  }
0x40: {  	_ =	swait.ge [sflag:s26], $0x2000  }
0x41: {  	[sflag:s26] =	ssyncset.done $0x0  }
0x42: {  	s28 =	simm.s32 $0x280;
	[sflag:s26] =	ssyncadd.s32 $0xFFFFE000  }
0x43: {  	[tilespmem:s15], [sflag:$0x1] =	stream.indirect.gather [hbm4b:s7+s14], $0x40, s28, s14, $0xb8;
	[tilespmem:$0x1E000] =	vst v63  }
0x44: {  	_ =	swait.ge [sflag:s19], $0x2000  }
0x45: {  	[sflag:s19] =	ssyncset.done $0x0  }
0x46: {  	[sflag:s19] =	ssyncadd.s32 $0xFFFFE000  }
0x47: {  	[spmem:s1] =	stream.indirect.scatter.add.f32 [tilespmem:s21], [sflag:$0x2], $0x40, s29, s14, $0xb8;
	[tilespmem:$0x1E000] =	vst v63  }
0x48: {  	_ =	swait.ge [sflag:s26], $0x2000  }
0x49: {  	[sflag:s26] =	ssyncset.done $0x0  }
0x4a: {  	[sflag:s26] =	ssyncadd.s32 $0xFFFFE000  }
0x4b: {  	[tilespmem:s16], [sflag:$0x1] =	stream.indirect.gather [hbm4b:s7+s14], $0x40, s30, s14, $0xb8;
	[tilespmem:$0x1E000] =	vst v63  }
0x4c: {  	_ =	swait.ge [sflag:s19], $0x2000  }
0x4d: {  	[sflag:s19] =	ssyncset.done $0x0  }
0x4e: {  	[sflag:s19] =	ssyncadd.s32 $0xFFFFE000  }
0x4f: {  	[spmem:s1] =	stream.indirect.scatter.add.f32 [tilespmem:s24], [sflag:$0x2], $0x40, s31, s14, $0xb8;
	[tilespmem:$0x1E000] =	vst v63  }
0x50: {  	_ =	swait.ge [sflag:s26], $0x2000  }
0x51: {  	[sflag:s26] =	ssyncset.done $0x0  }
0x52: {  	s17 =	simm.s32 $0x0;
	[sflag:s26] =	ssyncadd.s32 $0xFFFFE000  }
0x53: {  	[tilespmem:s18], [sflag:$0x1] =	stream.indirect.gather [hbm4b:s7+s14], $0x40, s0, s14, $0xb8;
	[tilespmem:$0x1E000] =	vst v63  }
.LBB2_2:
0x54: {  	_ =	swait.ge [sflag:s19], $0x2000  }
0x55: {  	s20 =	sshra.s32 s17, $0x2;
	[sflag:s19] =	ssyncset.done $0x0  }
0x56: {  	s22 =	sadd.s32 $0x5280, s20;
	[sflag:s19] =	ssyncadd.s32 $0xFFFFE000  }
0x57: {  	[spmem:s1] =	stream.indirect.scatter.add.f32 [tilespmem:s15], [sflag:$0x2], $0x40, s22, s14, $0xb8;
	[tilespmem:$0x1E000] =	vst v63  }
0x58: {  	_ =	swait.ge [sflag:s26], $0x2000  }
0x59: {  	[sflag:s26] =	ssyncset.done $0x0  }
0x5a: {  	s25 =	sadd.s32 $0x400, s20;
	[sflag:s26] =	ssyncadd.s32 $0xFFFFE000  }
0x5b: {  	[tilespmem:s21], [sflag:$0x1] =	stream.indirect.gather [hbm4b:s7+s14], $0x40, s25, s14, $0xb8;
	[tilespmem:$0x1E000] =	vst v63  }
0x5c: {  	_ =	swait.ge [sflag:s19], $0x2000  }
0x5d: {  	[sflag:s19] =	ssyncset.done $0x0  }
0x5e: {  	s28 =	sadd.s32 $0x5300, s20;
	[sflag:s19] =	ssyncadd.s32 $0xFFFFE000  }
0x5f: {  	[spmem:s1] =	stream.indirect.scatter.add.f32 [tilespmem:s16], [sflag:$0x2], $0x40, s28, s14, $0xb8;
	[tilespmem:$0x1E000] =	vst v63  }
0x60: {  	_ =	swait.ge [sflag:s26], $0x2000  }
0x61: {  	[sflag:s26] =	ssyncset.done $0x0  }
0x62: {  	s23 =	sadd.s32 $0x480, s20;
	[sflag:s26] =	ssyncadd.s32 $0xFFFFE000  }
0x63: {  	[tilespmem:s24], [sflag:$0x1] =	stream.indirect.gather [hbm4b:s7+s14], $0x40, s23, s14, $0xb8;
	[tilespmem:$0x1E000] =	vst v63  }
0x64: {  	_ =	swait.ge [sflag:s19], $0x2000  }
0x65: {  	[sflag:s19] =	ssyncset.done $0x0  }
0x66: {  	s25 =	sadd.s32 $0x5380, s20;
	[sflag:s19] =	ssyncadd.s32 $0xFFFFE000  }
0x67: {  	[spmem:s1] =	stream.indirect.scatter.add.f32 [tilespmem:s18], [sflag:$0x2], $0x40, s25, s14, $0xb8;
	[tilespmem:$0x1E000] =	vst v63  }
0x68: {  	_ =	swait.ge [sflag:s26], $0x2000  }
0x69: {  	p0 =	seq.s32 s17, $0x12C00;
	[sflag:s26] =	ssyncset.done $0x0  }
0x6a: {  	s22 =	simm.s32 @p0 $0x1;
	[sflag:s26] =	ssyncadd.s32 $0xFFFFE000  }
0x6b: {  	_ =	swait.ge @p0 [sflag:s22], $0x2000  }
0x6c: {  	[sflag:s22] =	ssyncset.done @p0 $0x0  }
0x6d: {  	[sflag:s22] =	ssyncadd.s32 @p0 $0xFFFFE000;
	s22 =	sshra.s32 @p0 s17, $0x2  }
0x6e: {  	s23 =	simm.s32 @p0 $0x80;
	s25 =	simm.s32 @p0 $0x10000;
	s22 =	sadd.s32 @p0 $0x5400, s22  }
0x6f: {  	[spmem:s1] =	stream.indirect.scatter.add.f32 @p0 [tilespmem:s25], [sflag:$0x2], $0x40, s22, s23, $0xb8;
	[tilespmem:$0x1E000] =	vst v63  }
0x70: {  	s22 =	simm.s32 @p0 $0x2  }
0x71: {  	_ =	swait.ge @p0 [sflag:s22], $0x2000  }
0x72: {  	[sflag:s22] =	ssyncset.done @p0 $0x0  }
0x73: {  	[sflag:s22] =	ssyncadd.s32 @p0 $0xFFFFE000;
	s22 =	sshra.s32 @!p0 s17, $0x2  }
0x74: {  	s28 =	simm.s32 @!p0 $0xA000;
	s25 =	simm.s32 @!p0 $0x80;
	s23 =	sadd.s32 @!p0 $0x500, s22  }
0x75: {  	[tilespmem:s28], [sflag:$0x1] =	stream.indirect.gather @!p0 [hbm4b:s7+s25], $0x40, s23, s25, $0xb8;
	[tilespmem:$0x1E000] =	vst v63  }
0x76: {  	s23 =	simm.s32 @!p0 $0x1  }
0x77: {  	_ =	swait.ge @!p0 [sflag:s23], $0x2000  }
0x78: {  	[sflag:s23] =	ssyncset.done @!p0 $0x0  }
0x79: {  	s28 =	simm.s32 @!p0 $0x10000;
	[sflag:s23] =	ssyncadd.s32 @!p0 $0xFFFFE000;
	s23 =	sadd.s32 @!p0 $0x5400, s22  }
0x7a: {  	[spmem:s1] =	stream.indirect.scatter.add.f32 @!p0 [tilespmem:s28], [sflag:$0x2], $0x40, s23, s25, $0xb8;
	[tilespmem:$0x1E000] =	vst v63  }
0x7b: {  	s23 =	simm.s32 @!p0 $0x2  }
0x7c: {  	_ =	swait.ge @!p0 [sflag:s23], $0x2000  }
0x7d: {  	[sflag:s23] =	ssyncset.done @!p0 $0x0  }
0x7e: {  	s22 =	sadd.s32 @!p0 $0x580, s22;
	[sflag:s23] =	ssyncadd.s32 @!p0 $0xFFFFE000;
	s23 =	simm.s32 @!p0 $0xC000  }
0x7f: {  	[tilespmem:s23], [sflag:$0x1] =	stream.indirect.gather @!p0 [hbm4b:s7+s25], $0x40, s22, s25, $0xb8;
	[tilespmem:$0x1E000] =	vst v63  }
0x80: {  	_ =	swait.ge [sflag:s19], $0x2000  }
0x81: {  	[sflag:s19] =	ssyncset.done $0x0  }
.Ltmp2:
0x82: {  	s28 =	sadd.s32 $0x5480, s20;
	[sflag:s19] =	ssyncadd.s32 $0xFFFFE000;
	(pc) =	sbr.rel @p0 .LBB2_4-.Ltmp2, $4  }
0x83: {  	[spmem:s1] =	stream.indirect.scatter.add.f32 [tilespmem:s24], [sflag:$0x2], $0x40, s28, s14, $0xb8;
	[tilespmem:$0x1E000] =	vst v63  }
0x84: {  	_ =	swait.ge [sflag:s26], $0x2000  }
0x85: {  	[sflag:s26] =	ssyncset.done $0x0  }
0x86: {  	[sflag:s26] =	ssyncadd.s32 $0xFFFFE000  }
.Ltmp3:
0x87: {  	(pc) =	sbr.rel .LBB2_2-.Ltmp3, $3  }
0x88: {  	_ =	sdelay $0x1  }
0x89: {  	s20 =	sadd.s32 $0x600, s20;
	s17 =	sadd.s32 $0xA00, s17  }
0x8a: {  	[tilespmem:s18], [sflag:$0x1] =	stream.indirect.gather [hbm4b:s7+s14], $0x40, s20, s14, $0xb8;
	[tilespmem:$0x1E000] =	vst v63  }
.LBB2_5:
0x8b: {  	_ =	sfence.sel $0x180000  }
0x8c: {  	[bflag:$0x0] =	sbarrier.arrive $0xFFFF  }
0x8d: {  	_ =	strace $0x9000004D  }
0x8e: {  	s0 =	stileid.u32;
	[bflag:$0x2] =	sbarrier.arrive $0xFFFF  }
0x8f: {  	p0 =	sne.s32 s0, $0x0;
	s0 =	rddreg [dreg:$0x3]  }
0x90: {  	s0 =	sadd.s32 @!p0 $0x100000, s0  }
0x91: {  	[sflag:s0] =	ssyncadd.tile.s32 @!p0 $0x1;
	_ =	shalt  }
.Lfunc_end2:
_tile_overlayer_lowered:
.L_overlay_start_2:
0x92: {  	(tag) =	ssettag $0x2  }
0x93: {  	s0 =	rddreg [dreg:$0x0];
	s2 =	stileid.u32  }
0x94: {  	s1 =	rddreg [dreg:$0x1];
	p0 =	sne.s32 s2, $0x0  }
0x95: {  	s3 =	rddreg [dreg:$0x2];
	[bflag:$0x3] =	sbarrier.arrive $0xFFFF;
	s2 =	simm.s32 @!p0 $0x1C03  }
0x96: {  	[timem:s3], [sflag:s2] =	dma.local @!p0 [hbm:s0], s1  }
0x97: {  	s0 =	simm.s32 @!p0 $0x3  }
0x98: {  	_ =	swait.ge @!p0 [sflag:s0], s1  }
0x99: {  	s1 =	ssub.s32 @!p0 $0x0, s1;
	[sflag:s0] =	ssyncset.done @!p0 $0x0  }
0x9a: {  	[sflag:s0] =	ssyncadd.s32 @!p0 s1  }
0x9b: {  	[bflag:$0x3] =	sbarrier.arrive $0xFFFF  }
0x9c: {  	_ =	shalt  }

// kernel: kernel.19.cloned.1.call-start
scs
__scs_entry_jumppad:
0x0: {  	(pc) =	sbr.rel $0x88, $3  }
0x1: {  	(tag) =	ssettag $0x0;
	lr =	simm.s32 $0x1  }
0x2: {  	[smem:$0x3F97] =	sst lr;
	_ =	strace $0xD0000000  }
0x3: {  	_ = 	snop  }
0x4: {  	_ = 	snop  }
0x5: {  	_ = 	snop  }
0x6: {  	_ = 	snop  }
0x7: {  	_ = 	snop  }
__scs_overlays_trampoline_lowered:
0x8: {  	[smem:$0x3FA6] =	sst s0  }
0x9: {  	[smem:$0x3FA7] =	sst s1  }
0xa: {  	[smem:$0x3FA8] =	sst s2  }
0xb: {  	[smem:$0x3FA9] =	sst s3  }
0xc: {  	[smem:$0x3FAA] =	sst s4  }
0xd: {  	[smem:$0x3FAB] =	sst s5  }
0xe: {  	[smem:$0x3FAC] =	sst s6  }
0xf: {  	[smem:$0x3FAD] =	sst s7  }
0x10: {  	[smem:$0x3FAE] =	sst s8  }
0x11: {  	[smem:$0x3FAF] =	sst s9;
	s0 =	simm.s32 @!p0 $0x0  }
0x12: {  	s1 =	sld [smem:$0x3F95];
	s0 =	simm.s32 @p0 $0x1  }
0x13: {  	[smem:$0x3FB0] =	sst s0;
	s0 =	simm.s32 @!p1 $0x0  }
0x14: {  	s2 =	sld [smem:$0x3F94];
	s0 =	simm.s32 @p1 $0x1  }
0x15: {  	[smem:$0x3FB1] =	sst s0;
	s0 =	simm.s32 @!p2 $0x0  }
0x16: {  	s3 =	sld [smem:$0x3FDB];
	s0 =	simm.s32 @p2 $0x1  }
0x17: {  	s4 =	simm.s32 $0x1BF5;
	[smem:$0x3FB3] =	sst s0  }
0x18: {  	s0 =	sld [smem:$0x3F96];
	_ =	swait.ge [sflag:s4], $0x0  }
0x19: {  	s7 =	sld [smem:$0x3F97]  }
0x1a: {  	s8 =	sadd.s32 $0xFFFFE003, lr  }
0x1b: {  	s9 =	sadd.s32 $0xFFFFFEF7, lr;
	s5 =	simm.s32 $0xFFFFFFFF;
	p2 =	slt.u32 s8, $0xFFFFF086  }
0x1c: {  	p1 =	slt.u32 s9, $0xF7A;
	s5 =	simm.s32 @!p2 $0x0  }
0x1d: {  	s5 =	simm.s32 @p1 $0x1;
	p0 =	seq.s32 s7, s2  }
0x1e: {  	s7 =	smul.u32 @!p0 $0xF7A, s2;
	p2 =	seq.s32 @!p0 s5, $0x0  }
0x1f: {  	s9 =	smul.u32 $0xF7A, s1;
	s8 =	simm.s32 @!p0 $0x1BF5;
	p2 =	por !p2, p0  }
0x20: {  	[sflag:s8] =	ssyncset.s32 @!p0 $0xFFFFF086;
	s6 =	sadd.s32 @!p0 s3, s7;
	s7 =	simm.s32 @!p0 $0x108  }
0x21: {  	s3 =	sadd.s32 s3, s9;
	s6 =	sadd.s32 @!p0 $0x88, s6;
	s7 =	simm.s32 @p2 $0x1082  }
0x22: {  	[simem:s7], [sflag:s8] =	dma.local @!p0 [hbm:s6], $0xF7A  }
0x23: {  	s9 =	sor.u32 $0xD0000000, s2;
	s6 =	simm.s32 $0x108;
	_ =	swait.ge @!p0 [sflag:s8], $0x0  }
0x24: {  	s3 =	sadd.s32 $0x88, s3;
	s6 =	simm.s32 @!p1 $0x1082;
	[sflag:s4] =	ssyncset.s32 $0xFFFFF086  }
0x25: {  	[simem:s6], [sflag:s4] =	dma.local [hbm:s3], $0xF7A  }
0x26: {  	[smem:$0x3F97] =	sst s1;
	(tag) =	ssettag s2;
	_ =	strace s9  }
0x27: {  	s1 =	sld [smem:$0x3FA7]  }
0x28: {  	s2 =	sld [smem:$0x3FA8]  }
0x29: {  	s4 =	sld [smem:$0x3FAA]  }
0x2a: {  	p0 =	seq.s32 s5, $0x0;
	s5 =	sld [smem:$0x3FAB]  }
0x2b: {  	s6 =	sld [smem:$0x3FAC]  }
0x2c: {  	s7 =	sld [smem:$0x3FAD]  }
0x2d: {  	s3 =	simm.s32 $0x108;
	s8 =	sld [smem:$0x3FAE]  }
0x2e: {  	s3 =	simm.s32 @!p0 $0x1082;
	s9 =	sld [smem:$0x3FAF]  }
0x2f: {  	lr =	sadd.s32 s0, s3;
	s0 =	sld [smem:$0x3FA6]  }
0x30: {  	s3 =	sld [smem:$0x3FA9]  }
0x31: {  	[smem:$0x3FB2] =	sst s10  }
0x32: {  	s10 =	sld [smem:$0x3FB0];
	_ =	sdelay $0x3  }
0x33: {  	p0 =	seq.s32 s10, $0x1;
	s10 =	sld [smem:$0x3FB2];
	_ =	sdelay $0x3  }
0x34: {  	[smem:$0x3FB2] =	sst s10  }
0x35: {  	s10 =	sld [smem:$0x3FB1];
	_ =	sdelay $0x3  }
0x36: {  	p1 =	seq.s32 s10, $0x1;
	s10 =	sld [smem:$0x3FB2];
	_ =	sdelay $0x3  }
0x37: {  	[smem:$0x3FB2] =	sst s10  }
0x38: {  	s10 =	sld [smem:$0x3FB3]  }
0x39: {  	_ = 	snop;
	(pc) =	sbr.ind lr, $3  }
0x3a: {  	_ = 	snop  }
0x3b: {  	_ = 	snop  }
0x3c: {  	p2 =	seq.s32 s10, $0x1;
	s10 =	sld [smem:$0x3FB2]  }
0x3d: {  	_ =	shalt  }
0x3e: {  	_ =	shalt  }
0x3f: {  	_ =	shalt  }
0x40: {  	_ =	shalt  }
0x41: {  	_ =	shalt  }
0x42: {  	_ =	shalt  }
0x43: {  	_ =	shalt  }
0x44: {  	_ =	shalt  }
0x45: {  	_ =	shalt  }
0x46: {  	_ =	shalt  }
0x47: {  	_ =	shalt  }
0x48: {  	_ =	shalt  }
0x49: {  	_ =	shalt  }
0x4a: {  	_ =	shalt  }
0x4b: {  	_ =	shalt  }
0x4c: {  	_ =	shalt  }
0x4d: {  	_ =	shalt  }
0x4e: {  	_ =	shalt  }
0x4f: {  	_ =	shalt  }
0x50: {  	_ =	shalt  }
0x51: {  	_ =	shalt  }
0x52: {  	_ =	shalt  }
0x53: {  	_ =	shalt  }
0x54: {  	_ =	shalt  }
0x55: {  	_ =	shalt  }
0x56: {  	_ =	shalt  }
0x57: {  	_ =	shalt  }
0x58: {  	_ =	shalt  }
0x59: {  	_ =	shalt  }
0x5a: {  	_ =	shalt  }
0x5b: {  	_ =	shalt  }
0x5c: {  	_ =	shalt  }
0x5d: {  	_ =	shalt  }
0x5e: {  	_ =	shalt  }
0x5f: {  	_ =	shalt  }
0x60: {  	_ =	shalt  }
0x61: {  	_ =	shalt  }
0x62: {  	_ =	shalt  }
0x63: {  	_ =	shalt  }
0x64: {  	_ =	shalt  }
0x65: {  	_ =	shalt  }
0x66: {  	_ =	shalt  }
0x67: {  	_ =	shalt  }
0x68: {  	_ =	shalt  }
0x69: {  	_ =	shalt  }
0x6a: {  	_ =	shalt  }
0x6b: {  	_ =	shalt  }
0x6c: {  	_ =	shalt  }
0x6d: {  	_ =	shalt  }
0x6e: {  	_ =	shalt  }
0x6f: {  	_ =	shalt  }
0x70: {  	_ =	shalt  }
0x71: {  	_ =	shalt  }
0x72: {  	_ =	shalt  }
0x73: {  	_ =	shalt  }
0x74: {  	_ =	shalt  }
0x75: {  	_ =	shalt  }
0x76: {  	_ =	shalt  }
0x77: {  	_ =	shalt  }
0x78: {  	_ =	shalt  }
0x79: {  	_ =	shalt  }
0x7a: {  	_ =	shalt  }
0x7b: {  	_ =	shalt  }
0x7c: {  	_ =	shalt  }
0x7d: {  	_ =	shalt  }
0x7e: {  	_ =	shalt  }
0x7f: {  	_ =	shalt  }
0x80: {  	_ =	shalt  }
0x81: {  	_ =	shalt  }
0x82: {  	_ =	shalt  }
0x83: {  	_ =	shalt  }
0x84: {  	_ =	shalt  }
0x85: {  	_ =	shalt  }
0x86: {  	_ =	shalt  }
0x87: {  	_ =	shalt  }
.Lfunc_end0:
.L_simem_size_0:
called_computation.3_lowered:
.L_overlay_start_0:
0x88: {  	s2 =	sld [smem:$0x3FD9]  }
0x89: {  	s3 =	sld [smem:$0x3FFE];
	_ =	sdelay $0x1  }
0x8a: {  	s1 =	srdreg.scid  }
0x8b: {  	s0 =	sand.u32 $0x1, s1  }
0x8c: {  	s17 =	sshll.u32 s0, $0xA;
	s2 =	sadd.s32 s3, s2  }
0x8d: {  	s2 =	sadd.s32 s2, s17  }
0x8e: {  	[smem:$0x3FBE] =	sst s2  }
0x8f: {  	_ = 	snop  }
0x90: {  	s2 =	sld [smem:$0x3FD0];
	(tm) =	ssettm $0x1  }
0x91: {  	s18 =	sld [smem:$0x3FFB];
	_ =	sdelay $0x3  }
0x92: {  	_ =	strace s18  }
0x93: {  	s3 =	sld [smem:$0x3FFC];
	_ =	sdelay $0x3  }
0x94: {  	_ =	strace s3  }
0x95: {  	s3 =	sld [smem:$0x3FFD];
	_ =	sdelay $0x3  }
0x96: {  	_ =	strace s3  }
0x97: {  	_ =	strace $0x8FFFFFFF  }
0x98: {  	s19 =	sld [smem:$0x3FDB];
	_ =	sdelay $0x1  }
0x99: {  	s4 =	simm.s32 $_scs_section_size  }
0x9a: {  	s5 =	simm.s32 $_size__tile_overlayer_lowered;
	s6 =	simm.s32 $_tile_overlayer_lowered  }
0x9b: {  	s22 =	simm.s32 $0x1BFF;
	s21 =	sshll.u32 s6, $0x1;
	s3 =	sadd.s32 s4, s19  }
0x9c: {  	s7 =	simm.s32 $0x0;
	s20 =	sshll.u32 s5, $0x1;
	s5 =	sadd.s32 s21, s3  }
0x9d: {  	[timem:s7], [sflag:s22] =	dma.local [hbm:s5], s20  }
0x9e: {  	_ =	swait.ge [sflag:s22], s20  }
0x9f: {  	s4 =	ssub.s32 $0x0, s20;
	[sflag:s22] =	ssyncset.done $0x0  }
0xa0: {  	[sflag:s22] =	ssyncadd.s32 s4;
	_ =	sdelay $0x1  }
0xa1: {  	s23 =	simm.s32 $0x1B8B  }
0xa2: {  	_ =	swait.ge [sflag:s23], $0x1  }
0xa3: {  	[sflag:s23] =	ssyncset.done $0x0  }
0xa4: {  	s25 =	simm.s32 $0x1B8E;
	s24 =	sld [smem:$0x3FFE];
	[sflag:s23] =	ssyncadd.s32 $0xFFFFFFFF  }
0xa5: {  	s26 =	simm.s32 $execute0_lowered;
	[smem:$0x3FD2] =	sst s25  }
0xa6: {  	s5 =	sshll.u32 s26, $0x1;
	_ =	strace $0x8000004F;
	[dreg:$0x1] =	wrdreg $0xFFFFFFFF  }
0xa7: {  	s28 =	simm.s32 $_size_execute0_lowered;
	s3 =	sadd.s32 s3, s5;
	[dreg:$0x0] =	wrdreg $0x0  }
0xa8: {  	s5 =	sshll.u32 s28, $0x1;
	[dreg:$0x2] =	wrdreg s3  }
0xa9: {  	[dreg:$0x3] =	wrdreg s5  }
0xaa: {  	[dreg:$0x4] =	wrdreg $0xC0  }
0xab: {  	_ =	task [dreg:s7], $0x5FFFF  }
0xac: {  	[dreg:$0x1] =	wrdreg $0xFFFFFFFF  }
0xad: {  	[dreg:$0x0] =	wrdreg $0x60  }
0xae: {  	[dreg:$0x2] =	wrdreg s24  }
0xaf: {  	[dreg:$0x3] =	wrdreg s2  }
0xb0: {  	[dreg:$0x4] =	wrdreg $0x140000  }
0xb1: {  	[dreg:$0x5] =	wrdreg $0x9  }
0xb2: {  	_ =	task.clear_ibuf [dreg:s7], $0x6FFFF;
	_ =	strace $0x9000004F  }
0xb3: {  	s29 =	simm.s32 $0x9;
	_ =	strace $0x80000051  }
0xb4: {  	_ =	swait.ge [sflag:s29], $0x1  }
0xb5: {  	[sflag:s29] =	ssyncadd.s32 $0xFFFFFFFF  }
0xb6: {  	_ =	strace $0x90000051  }
0xb7: {  	_ =	sfence  }
0xb8: {  	s30 =	sld [smem:$0x0];
	_ =	sdelay $0x2  }
0xb9: {  	s31 =	sshll.u32 s1, $0xD;
	s1 =	sshrl.u32 s1, $0x2  }
0xba: {  	s3 =	sand.u32 $0x4000, s31;
	s1 =	sadd.s32 s1, s30  }
0xbb: {  	s0 =	sor.u32 s3, s0;
	s1 =	sshll.u32 s1, $0x11  }
0xbc: {  	s0 =	sor.u32 s1, s0  }
0xbd: {  	s0 =	sadd.s32 $0x8F2B, s0  }
0xbe: {  	[sflag:s0] =	ssyncadd.remote.s32 $0x1  }
0xbf: {  	_ =	sfence.sel $0xFFFF  }
0xc0: {  	[dreg:$0x0] =	wrdreg $0xFFFFFFFF;
	(pc) =	sbr.abs _section_cstart, $3  }
0xc1: {  	[dreg:$0x1] =	wrdreg $0xFFFFFFFF  }
0xc2: {  	_ =	task.clear_ibuf [dreg:s7], $0x2FFFF;
	_ =	strace $0x9FFFFFFF  }
0xc3: {  	(tm) =	ssettm $0x7FFFFFFF  }
tec
execute0_lowered:
.L_overlay_start_1:
0x0: {  	(tag) =	ssettag $0x1  }
0x1: {  	s0 =	rddreg [dreg:$0x0]  }
0x2: {  	s2 =	rddreg [dreg:$0x1]  }
0x3: {  	s1 =	rddreg [dreg:$0x2]  }
0x4: {  	s3 =	srdreg.scid;
	s12 =	stileid.u32;
	s11 =	simm.s32 $0x5000  }
0x5: {  	s14 =	simm.s32 $0x80;
	s15 =	simm.s32 $0xA000;
	s16 =	simm.s32 $0xC000  }
0x6: {  	s18 =	simm.s32 $0xE000;
	s19 =	simm.s32 $0x1;
	s21 =	simm.s32 $0x10000  }
0x7: {  	s24 =	simm.s32 $0x12000;
	s29 =	simm.s32 $0x5180;
	s30 =	simm.s32 $0x300  }
0x8: {  	s31 =	simm.s32 $0x5200;
	s4 =	sand.u32 $0x1, s3;
	s6 =	smul.u32 $0xA000, s12  }
0x9: {  	s3 =	simm.s32 $0x0;
	s8 =	smul.u32 $0xA00, s12;
	s28 =	sshll.u32 s12, $0x6  }
0xa: {  	s5 =	smul.u32 $0xA0000, s4;
	[smem:$0x7FF] =	sst s3;
	s4 =	ssub.s32 $0x2, s4  }
0xb: {  	s12 =	sor.u32 $0x1C03, s28;
	_ =	strace $0x80000050;
	s8 =	sadd.s32 s8, s0  }
0xc: {  	s26 =	sshrl.u32 s4, $0x1;
	s10 =	sshrl.u32 s6, $0x3;
	s13 =	sadd.s32 s6, s1  }
0xd: {  	s7 =	sshrl.u32 s5, $0x3;
	s5 =	sadd.s32 s6, s5;
	s9 =	ssub.s32 s4, s26  }
.Ltmp0:
0xe: {  	s4 =	sadd.s32 $0xC400, s8;
	s6 =	sadd.s32 s2, s10;
	(pc) =	sbr.rel .LBB2_1-.Ltmp0, $4  }
0xf: {  	s10 =	simm.s32 $0x3;
	s13 =	sshrl.u32 s13, $0x3;
	s26 =	simm.s32 $0x2  }
0x10: {  	s2 =	simm.s32 $0x0;
	s7 =	sadd.s32 s7, s0;
	s5 =	sshrl.u32 s5, $0x3  }
0x11: {  	s9 =	smax.u32 s9, $0x1;
	s0 =	sadd.s32 s5, s0;
	s5 =	sadd.s32 $0x2400, s8  }
0x12: {  	s7 =	sadd.s32 $0x16400, s7;
	s8 =	sadd.s32 $0x3E400, s0;
	s0 =	simm.s32 $0x380  }
.LBB2_4:
0x13: {  	_ =	swait.ge [sflag:s26], $0x2000  }
0x14: {  	[sflag:s26] =	ssyncset.done $0x0  }
0x15: {  	[sflag:s26] =	ssyncadd.s32 $0xFFFFE000  }
0x16: {  	_ =	swait.ge [sflag:s26], $0x2000  }
0x17: {  	s2 =	sadd.s32 $0x1, s2;
	[sflag:s26] =	ssyncset.done $0x0  }
0x18: {  	p0 =	sne.s32 s2, s9;
	[sflag:s26] =	ssyncadd.s32 $0xFFFFE000  }
.Ltmp1:
0x19: {  	[bflag:$0x0] =	sbarrier.arrive $0xFFFF;
	(pc) =	sbr.rel @!p0 .LBB2_5-.Ltmp1, $4  }
0x1a: {  	[hbm:s8], [sflag:s12] =	dma.local [spmem:s13], $0x1400  }
0x1b: {  	_ =	swait.ge [sflag:s10], $0x1400  }
0x1c: {  	[sflag:s10] =	ssyncset.done $0x0  }
0x1d: {  	[sflag:s10] =	ssyncadd.s32 $0xFFFFEC00  }
.LBB2_1:
0x1e: {  	[tilespmem:s3], [sflag:$0x3] =	stream.linear.gather [hbm4b:s4+s3], $0x5000, $0x38;
	[tilespmem:$0x1E000] =	vst v63  }
0x1f: {  	_ =	swait.ge [sflag:s10], $0x5000  }
0x20: {  	[sflag:s10] =	ssyncset.done $0x0  }
0x21: {  	[sflag:s10] =	ssyncadd.s32 $0xFFFFB000  }
0x22: {  	[tilespmem:s11], [sflag:$0x3] =	stream.linear.gather [hbm4b:s5+s3], $0x5000, $0x38;
	[tilespmem:$0x1E000] =	vst v63  }
0x23: {  	_ =	swait.ge [sflag:s10], $0x5000  }
0x24: {  	[sflag:s10] =	ssyncset.done $0x0  }
0x25: {  	[sflag:s10] =	ssyncadd.s32 $0xFFFFB000  }
0x26: {  	[spmem:s13], [sflag:s12] =	dma.local [hbm:s6], $0x1400  }
0x27: {  	_ =	swait.ge [sflag:s10], $0x1400  }
0x28: {  	[sflag:s10] =	ssyncset.done $0x0  }
0x29: {  	[sflag:s10] =	ssyncadd.s32 $0xFFFFEC00  }
0x2a: {  	[bflag:$0x0] =	sbarrier.arrive $0xFFFF  }
0x2b: {  	[tilespmem:s15], [sflag:$0x1] =	stream.indirect.gather [hbm4b:s7+s14], $0x40, s3, s14, $0xb8;
	[tilespmem:$0x1E000] =	vst v63  }
0x2c: {  	_ = 	snop  }
0x2d: {  	[tilespmem:s16], [sflag:$0x1] =	stream.indirect.gather [hbm4b:s7+s14], $0x40, s14, s14, $0xb8;
	[tilespmem:$0x1E000] =	vst v63  }
0x2e: {  	s17 =	simm.s32 $0x100  }
0x2f: {  	[tilespmem:s18], [sflag:$0x1] =	stream.indirect.gather [hbm4b:s7+s14], $0x40, s17, s14, $0xb8;
	[tilespmem:$0x1E000] =	vst v63  }
0x30: {  	_ =	swait.ge [sflag:s19], $0x2000  }
0x31: {  	[sflag:s19] =	ssyncset.done $0x0  }
0x32: {  	[sflag:s19] =	ssyncadd.s32 $0xFFFFE000  }
0x33: {  	[spmem:s1] =	stream.indirect.scatter.add.f32 [tilespmem:s15], [sflag:$0x2], $0x40, s11, s14, $0xb8;
	[tilespmem:$0x1E000] =	vst v63  }
0x34: {  	s20 =	simm.s32 $0x180  }
0x35: {  	[tilespmem:s21], [sflag:$0x1] =	stream.indirect.gather [hbm4b:s7+s14], $0x40, s20, s14, $0xb8;
	[tilespmem:$0x1E000] =	vst v63  }
0x36: {  	_ =	swait.ge [sflag:s19], $0x2000  }
0x37: {  	[sflag:s19] =	ssyncset.done $0x0  }
0x38: {  	s22 =	simm.s32 $0x5080;
	[sflag:s19] =	ssyncadd.s32 $0xFFFFE000  }
0x39: {  	[spmem:s1] =	stream.indirect.scatter.add.f32 [tilespmem:s16], [sflag:$0x2], $0x40, s22, s14, $0xb8;
	[tilespmem:$0x1E000] =	vst v63  }
0x3a: {  	s23 =	simm.s32 $0x200  }
0x3b: {  	[tilespmem:s24], [sflag:$0x1] =	stream.indirect.gather [hbm4b:s7+s14], $0x40, s23, s14, $0xb8;
	[tilespmem:$0x1E000] =	vst v63  }
0x3c: {  	_ =	swait.ge [sflag:s19], $0x2000  }
0x3d: {  	[sflag:s19] =	ssyncset.done $0x0  }
0x3e: {  	s25 =	simm.s32 $0x5100;
	[sflag:s19] =	ssyncadd.s32 $0xFFFFE000  }
0x3f: {  	[spmem:s1] =	stream.indirect.scatter.add.f32 [tilespmem:s18], [sflag:$0x2], $0x40, s25, s14, $0xb8;
	[tilespmem:$0x1E000] =	vst v63  }
0x40: {  	_ =	swait.ge [sflag:s26], $0x2000  }
0x41: {  	[sflag:s26] =	ssyncset.done $0x0  }
0x42: {  	s28 =	simm.s32 $0x280;
	[sflag:s26] =	ssyncadd.s32 $0xFFFFE000  }
0x43: {  	[tilespmem:s15], [sflag:$0x1] =	stream.indirect.gather [hbm4b:s7+s14], $0x40, s28, s14, $0xb8;
	[tilespmem:$0x1E000] =	vst v63  }
0x44: {  	_ =	swait.ge [sflag:s19], $0x2000  }
0x45: {  	[sflag:s19] =	ssyncset.done $0x0  }
0x46: {  	[sflag:s19] =	ssyncadd.s32 $0xFFFFE000  }
0x47: {  	[spmem:s1] =	stream.indirect.scatter.add.f32 [tilespmem:s21], [sflag:$0x2], $0x40, s29, s14, $0xb8;
	[tilespmem:$0x1E000] =	vst v63  }
0x48: {  	_ =	swait.ge [sflag:s26], $0x2000  }
0x49: {  	[sflag:s26] =	ssyncset.done $0x0  }
0x4a: {  	[sflag:s26] =	ssyncadd.s32 $0xFFFFE000  }
0x4b: {  	[tilespmem:s16], [sflag:$0x1] =	stream.indirect.gather [hbm4b:s7+s14], $0x40, s30, s14, $0xb8;
	[tilespmem:$0x1E000] =	vst v63  }
0x4c: {  	_ =	swait.ge [sflag:s19], $0x2000  }
0x4d: {  	[sflag:s19] =	ssyncset.done $0x0  }
0x4e: {  	[sflag:s19] =	ssyncadd.s32 $0xFFFFE000  }
0x4f: {  	[spmem:s1] =	stream.indirect.scatter.add.f32 [tilespmem:s24], [sflag:$0x2], $0x40, s31, s14, $0xb8;
	[tilespmem:$0x1E000] =	vst v63  }
0x50: {  	_ =	swait.ge [sflag:s26], $0x2000  }
0x51: {  	[sflag:s26] =	ssyncset.done $0x0  }
0x52: {  	s17 =	simm.s32 $0x0;
	[sflag:s26] =	ssyncadd.s32 $0xFFFFE000  }
0x53: {  	[tilespmem:s18], [sflag:$0x1] =	stream.indirect.gather [hbm4b:s7+s14], $0x40, s0, s14, $0xb8;
	[tilespmem:$0x1E000] =	vst v63  }
.LBB2_2:
0x54: {  	_ =	swait.ge [sflag:s19], $0x2000  }
0x55: {  	s20 =	sshra.s32 s17, $0x2;
	[sflag:s19] =	ssyncset.done $0x0  }
0x56: {  	s22 =	sadd.s32 $0x5280, s20;
	[sflag:s19] =	ssyncadd.s32 $0xFFFFE000  }
0x57: {  	[spmem:s1] =	stream.indirect.scatter.add.f32 [tilespmem:s15], [sflag:$0x2], $0x40, s22, s14, $0xb8;
	[tilespmem:$0x1E000] =	vst v63  }
0x58: {  	_ =	swait.ge [sflag:s26], $0x2000  }
0x59: {  	[sflag:s26] =	ssyncset.done $0x0  }
0x5a: {  	s25 =	sadd.s32 $0x400, s20;
	[sflag:s26] =	ssyncadd.s32 $0xFFFFE000  }
0x5b: {  	[tilespmem:s21], [sflag:$0x1] =	stream.indirect.gather [hbm4b:s7+s14], $0x40, s25, s14, $0xb8;
	[tilespmem:$0x1E000] =	vst v63  }
0x5c: {  	_ =	swait.ge [sflag:s19], $0x2000  }
0x5d: {  	[sflag:s19] =	ssyncset.done $0x0  }
0x5e: {  	s28 =	sadd.s32 $0x5300, s20;
	[sflag:s19] =	ssyncadd.s32 $0xFFFFE000  }
0x5f: {  	[spmem:s1] =	stream.indirect.scatter.add.f32 [tilespmem:s16], [sflag:$0x2], $0x40, s28, s14, $0xb8;
	[tilespmem:$0x1E000] =	vst v63  }
0x60: {  	_ =	swait.ge [sflag:s26], $0x2000  }
0x61: {  	[sflag:s26] =	ssyncset.done $0x0  }
0x62: {  	s23 =	sadd.s32 $0x480, s20;
	[sflag:s26] =	ssyncadd.s32 $0xFFFFE000  }
0x63: {  	[tilespmem:s24], [sflag:$0x1] =	stream.indirect.gather [hbm4b:s7+s14], $0x40, s23, s14, $0xb8;
	[tilespmem:$0x1E000] =	vst v63  }
0x64: {  	_ =	swait.ge [sflag:s19], $0x2000  }
0x65: {  	[sflag:s19] =	ssyncset.done $0x0  }
0x66: {  	s25 =	sadd.s32 $0x5380, s20;
	[sflag:s19] =	ssyncadd.s32 $0xFFFFE000  }
0x67: {  	[spmem:s1] =	stream.indirect.scatter.add.f32 [tilespmem:s18], [sflag:$0x2], $0x40, s25, s14, $0xb8;
	[tilespmem:$0x1E000] =	vst v63  }
0x68: {  	_ =	swait.ge [sflag:s26], $0x2000  }
0x69: {  	p0 =	seq.s32 s17, $0x12C00;
	[sflag:s26] =	ssyncset.done $0x0  }
0x6a: {  	s22 =	simm.s32 @p0 $0x1;
	[sflag:s26] =	ssyncadd.s32 $0xFFFFE000  }
0x6b: {  	_ =	swait.ge @p0 [sflag:s22], $0x2000  }
0x6c: {  	[sflag:s22] =	ssyncset.done @p0 $0x0  }
0x6d: {  	[sflag:s22] =	ssyncadd.s32 @p0 $0xFFFFE000;
	s22 =	sshra.s32 @p0 s17, $0x2  }
0x6e: {  	s23 =	simm.s32 @p0 $0x80;
	s25 =	simm.s32 @p0 $0x10000;
	s22 =	sadd.s32 @p0 $0x5400, s22  }
0x6f: {  	[spmem:s1] =	stream.indirect.scatter.add.f32 @p0 [tilespmem:s25], [sflag:$0x2], $0x40, s22, s23, $0xb8;
	[tilespmem:$0x1E000] =	vst v63  }
0x70: {  	s22 =	simm.s32 @p0 $0x2  }
0x71: {  	_ =	swait.ge @p0 [sflag:s22], $0x2000  }
0x72: {  	[sflag:s22] =	ssyncset.done @p0 $0x0  }
0x73: {  	[sflag:s22] =	ssyncadd.s32 @p0 $0xFFFFE000;
	s22 =	sshra.s32 @!p0 s17, $0x2  }
0x74: {  	s28 =	simm.s32 @!p0 $0xA000;
	s25 =	simm.s32 @!p0 $0x80;
	s23 =	sadd.s32 @!p0 $0x500, s22  }
0x75: {  	[tilespmem:s28], [sflag:$0x1] =	stream.indirect.gather @!p0 [hbm4b:s7+s25], $0x40, s23, s25, $0xb8;
	[tilespmem:$0x1E000] =	vst v63  }
0x76: {  	s23 =	simm.s32 @!p0 $0x1  }
0x77: {  	_ =	swait.ge @!p0 [sflag:s23], $0x2000  }
0x78: {  	[sflag:s23] =	ssyncset.done @!p0 $0x0  }
0x79: {  	s28 =	simm.s32 @!p0 $0x10000;
	[sflag:s23] =	ssyncadd.s32 @!p0 $0xFFFFE000;
	s23 =	sadd.s32 @!p0 $0x5400, s22  }
0x7a: {  	[spmem:s1] =	stream.indirect.scatter.add.f32 @!p0 [tilespmem:s28], [sflag:$0x2], $0x40, s23, s25, $0xb8;
	[tilespmem:$0x1E000] =	vst v63  }
0x7b: {  	s23 =	simm.s32 @!p0 $0x2  }
0x7c: {  	_ =	swait.ge @!p0 [sflag:s23], $0x2000  }
0x7d: {  	[sflag:s23] =	ssyncset.done @!p0 $0x0  }
0x7e: {  	s22 =	sadd.s32 @!p0 $0x580, s22;
	[sflag:s23] =	ssyncadd.s32 @!p0 $0xFFFFE000;
	s23 =	simm.s32 @!p0 $0xC000  }
0x7f: {  	[tilespmem:s23], [sflag:$0x1] =	stream.indirect.gather @!p0 [hbm4b:s7+s25], $0x40, s22, s25, $0xb8;
	[tilespmem:$0x1E000] =	vst v63  }
0x80: {  	_ =	swait.ge [sflag:s19], $0x2000  }
0x81: {  	[sflag:s19] =	ssyncset.done $0x0  }
.Ltmp2:
0x82: {  	s28 =	sadd.s32 $0x5480, s20;
	[sflag:s19] =	ssyncadd.s32 $0xFFFFE000;
	(pc) =	sbr.rel @p0 .LBB2_4-.Ltmp2, $4  }
0x83: {  	[spmem:s1] =	stream.indirect.scatter.add.f32 [tilespmem:s24], [sflag:$0x2], $0x40, s28, s14, $0xb8;
	[tilespmem:$0x1E000] =	vst v63  }
0x84: {  	_ =	swait.ge [sflag:s26], $0x2000  }
0x85: {  	[sflag:s26] =	ssyncset.done $0x0  }
0x86: {  	[sflag:s26] =	ssyncadd.s32 $0xFFFFE000  }
.Ltmp3:
0x87: {  	(pc) =	sbr.rel .LBB2_2-.Ltmp3, $3  }
0x88: {  	_ =	sdelay $0x1  }
0x89: {  	s20 =	sadd.s32 $0x600, s20;
	s17 =	sadd.s32 $0xA00, s17  }
0x8a: {  	[tilespmem:s18], [sflag:$0x1] =	stream.indirect.gather [hbm4b:s7+s14], $0x40, s20, s14, $0xb8;
	[tilespmem:$0x1E000] =	vst v63  }
.LBB2_5:
0x8b: {  	_ =	sfence.sel $0x180000  }
0x8c: {  	[bflag:$0x0] =	sbarrier.arrive $0xFFFF  }
0x8d: {  	_ =	strace $0x90000050  }
0x8e: {  	s0 =	stileid.u32;
	[bflag:$0x2] =	sbarrier.arrive $0xFFFF  }
0x8f: {  	p0 =	sne.s32 s0, $0x0;
	s0 =	rddreg [dreg:$0x3]  }
0x90: {  	s0 =	sadd.s32 @!p0 $0x100000, s0  }
0x91: {  	[sflag:s0] =	ssyncadd.tile.s32 @!p0 $0x1;
	_ =	shalt  }
.Lfunc_end2:
_tile_overlayer_lowered:
.L_overlay_start_2:
0x92: {  	(tag) =	ssettag $0x2  }
0x93: {  	s0 =	rddreg [dreg:$0x0];
	s2 =	stileid.u32  }
0x94: {  	s1 =	rddreg [dreg:$0x1];
	p0 =	sne.s32 s2, $0x0  }
0x95: {  	s3 =	rddreg [dreg:$0x2];
	[bflag:$0x3] =	sbarrier.arrive $0xFFFF;
	s2 =	simm.s32 @!p0 $0x1C03  }
0x96: {  	[timem:s3], [sflag:s2] =	dma.local @!p0 [hbm:s0], s1  }
0x97: {  	s0 =	simm.s32 @!p0 $0x3  }
0x98: {  	_ =	swait.ge @!p0 [sflag:s0], s1  }
0x99: {  	s1 =	ssub.s32 @!p0 $0x0, s1;
	[sflag:s0] =	ssyncset.done @!p0 $0x0  }
0x9a: {  	[sflag:s0] =	ssyncadd.s32 @!p0 s1  }
0x9b: {  	[bflag:$0x3] =	sbarrier.arrive $0xFFFF  }
0x9c: {  	_ =	shalt  }

</sc_bundles>
